<compile_context>
chip_gen: v7x
topology: tpu7x:2x2x1
jax: 0.10.2.dev20260603
libtpu: 0.0.44.dev20260713+nightly
codegen_flags: <defaults>
</compile_context>

<pallas_src>
import dataclasses

import jax
import jax.numpy as jnp
from jax import lax
from jax.experimental import pallas as pl
from jax.experimental.pallas import tpu as pltpu
from jax.experimental.pallas import tpu_sc as plsc

B, N, C = 32, 20000, 62
K = 200
L = 16
NCH = N // L
WPAD = 208
NDC = 58
RP = WPAD
OUT_C = 53
OUT_F = K * OUT_C
SCALE = 512.0


def _sc_body(yt2d, out_hbm, conf2, pbuf_a, pbuf_b, cbits, cidx, hist, rows_f,
             wval, widx, tidx, rankv, out_v, sem_c, sem_a, sem_b):
    b = lax.axis_index("s") * 2 + lax.axis_index("c")
    iota = lax.iota(jnp.int32, L)
    zeros_i = jnp.zeros((L,), jnp.int32)
    ones = jnp.full((L,), True)

    zc, _ = plsc.scan_count(zeros_i, mask=ones)
    adj = L - jnp.max(zc)

    with jax.named_scope("conf_dma"):
        pltpu.sync_copy(yt2d.at[pl.ds(1 * B + b, 1), :], conf2)

    def conf(i):
        return conf2[0, pl.ds(i * L, L)]

    def hist_zero(nb):
        @pl.loop(0, nb // L)
        def _(j):
            hist[pl.ds(j * L, L)] = jnp.zeros((L,), jnp.int32)

    def hist_add(bkt, valid):
        cnt, lastm = plsc.scan_count(bkt, mask=valid)
        plsc.addupdate_scatter(hist, [bkt], cnt + adj, mask=lastm)

    def hist_scan(k_lvl, nb):
        m = nb // L
        def body(jj, carry):
            acc, q, n_above, found = carry
            j = m - 1 - jj
            h = hist[pl.ds(j * L, L)]
            s = jnp.sum(h)
            rev = lax.rev(h, (0,))
            tot = acc + plsc.cumsum(rev)
            p = jnp.min(jnp.where(tot >= k_lvl, iota, L))
            here = jnp.logical_and(found == 0, acc + s >= k_lvl)
            p_ = jnp.minimum(p, L - 1)
            qq = j * L + (L - 1) - p_
            above = jnp.sum(jnp.where(iota == p_, tot - rev, 0))
            q = jnp.where(here, qq, q)
            n_above = jnp.where(here, above, n_above)
            found = jnp.where(here, 1, found)
            acc = jnp.where(found == 1, acc, acc + s)
            return acc, q, n_above, found
        _, q, n_above, _ = lax.fori_loop(
            0, m, body, (jnp.int32(0), jnp.int32(0), jnp.int32(0), jnp.int32(0)))
        return q, k_lvl - n_above

    scope_radix = jax.named_scope("radix")
    scope_radix.__enter__()
    hist_zero(2048)
    @pl.loop(0, NCH, unroll=4)
    def _(i):
        bts = plsc.bitcast(conf(i), jnp.int32)
        hist_add(bts >> 21, ones)
    q0, k1 = hist_scan(jnp.int32(K), 2048)

    def compress0(i, carry):
        off, og = carry
        v = conf(i)
        bts = plsc.bitcast(v, jnp.int32)
        bkt = bts >> 21
        m = bkt == q0
        m_hi = bkt > q0
        plsc.store_compressed(cbits.at[pl.ds(off, L)], bts, mask=m)
        plsc.store_compressed(cidx.at[pl.ds(off, L)], i * L + iota, mask=m)
        s_hi = jnp.sum(m_hi.astype(jnp.int32))
        @pl.when(s_hi > 0)
        def _():
            plsc.store_compressed(wval.at[pl.ds(og, L)], v, mask=m_hi)
            plsc.store_compressed(widx.at[pl.ds(og, L)], i * L + iota, mask=m_hi)
        return off + jnp.sum(m.astype(jnp.int32)), og + s_hi
    n_cand, n_hi = lax.fori_loop(0, NCH, compress0, (jnp.int32(0), jnp.int32(0)),
                                 unroll=2)

    ncc = (n_cand + (L - 1)) // L
    hist_zero(2048)
    def hist1(i, _):
        bts = cbits[pl.ds(i * L, L)]
        hist_add((bts >> 10) & 0x7FF, (i * L + iota) < n_cand)
        return 0
    lax.fori_loop(0, ncc, hist1, 0)
    q1, k2 = hist_scan(k1, 2048)

    hist_zero(1024)
    def hist2(i, _):
        bts = cbits[pl.ds(i * L, L)]
        m = (((bts >> 10) & 0x7FF) == q1) & ((i * L + iota) < n_cand)
        hist_add(bts & 0x3FF, m)
        return 0
    lax.fori_loop(0, ncc, hist2, 0)
    q2, k3 = hist_scan(k2, 1024)

    scope_radix.__exit__(None, None, None)
    t_bits = (q0 << 21) | (q1 << 10) | q2
    rem_k = k3
    n_gt = K - rem_k

    scope_collect = jax.named_scope("collect")
    scope_collect.__enter__()
    def collect(i, carry):
        og, ot = carry
        valid = (i * L + iota) < n_cand
        bts = cbits[pl.ds(i * L, L)]
        ci = cidx[pl.ds(i * L, L)]
        m_gt = valid & (bts > t_bits)
        m_eq = valid & (bts == t_bits)
        s_gt = jnp.sum(m_gt.astype(jnp.int32))
        s_eq = jnp.sum(m_eq.astype(jnp.int32))
        @pl.when(s_gt > 0)
        def _():
            plsc.store_compressed(wval.at[pl.ds(og, L)],
                                  plsc.bitcast(bts, jnp.float32), mask=m_gt)
            plsc.store_compressed(widx.at[pl.ds(og, L)], ci, mask=m_gt)
        @pl.when((ot < K) & (s_eq > 0))
        def _():
            plsc.store_compressed(tidx.at[pl.ds(ot, L)], ci, mask=m_eq)
        return og + s_gt, ot + s_eq
    lax.fori_loop(0, ncc, collect, (n_hi, jnp.int32(0)))
    scope_collect.__exit__(None, None, None)

    t_f = plsc.bitcast(jnp.full((L,), t_bits, jnp.int32), jnp.float32)
    @pl.loop(0, 13)
    def _(j):
        rem = rem_k - j * L
        @pl.when(rem > 0)
        def _():
            tch = tidx[pl.ds(j * L, L)]
            m = iota < rem
            plsc.store_compressed(wval.at[pl.ds(n_gt + j * L, L)], t_f, mask=m)
            plsc.store_compressed(widx.at[pl.ds(n_gt + j * L, L)], tch, mask=m)

    wval[pl.ds(K - 8, L)] = jnp.where(iota < 8, wval[pl.ds(K - 8, L)], -1.0)
    widx[pl.ds(K - 8, L)] = jnp.where(iota < 8, widx[pl.ds(K - 8, L)], iota)

    scope_collect.__exit__(None, None, None)
    scope_planes = jax.named_scope("planes")
    scope_planes.__enter__()
    def firep(cc, buf, sem):
        pltpu.async_copy(yt2d.at[pl.ds((cc + 2) * B + b, 1), :], buf, sem)

    def waitp(cc, buf, sem):
        pltpu.make_async_copy(yt2d.at[pl.ds((cc + 2) * B + b, 1), :], buf,
                              sem).wait()

    def extractp(cc, buf):
        @pl.loop(0, WPAD // L)
        def _(a):
            wch = widx[pl.ds(a * L, L)]
            v = plsc.load_gather(buf, [zeros_i, wch])
            rows_f[pl.ds(cc * RP + a * L, L)] = v

    bufs = (pbuf_a, pbuf_b, conf2)
    sems = (sem_a, sem_b, sem_c)
    for k in range(3):
        firep(k, bufs[k], sems[k])
    @pl.loop(0, (NDC + 2) // 3)
    def _(t):
        for k in range(3):
            cc = 3 * t + k
            @pl.when(cc < NDC)
            def _():
                waitp(cc, bufs[k], sems[k])
                extractp(cc, bufs[k])
                @pl.when(cc + 3 < NDC)
                def _():
                    firep(cc + 3, bufs[k], sems[k])

    scope_planes.__exit__(None, None, None)
    scope_rank = jax.named_scope("rank")
    scope_rank.__enter__()
    @pl.loop(0, WPAD // L)
    def _(a):
        va = wval[pl.ds(a * L, L)]
        ia = widx[pl.ds(a * L, L)]
        def bodyj(j, acc):
            jv = jnp.full((L,), j, jnp.int32)
            vb = plsc.load_gather(wval, [jv])
            ib = plsc.load_gather(widx, [jv])
            ahead = (vb > va) | ((vb == va) & (ib < ia))
            return acc + ahead.astype(jnp.int32)
        rankv[pl.ds(a * L, L)] = lax.fori_loop(0, K, bodyj, jnp.zeros((L,), jnp.int32), unroll=4)

    scope_rank.__exit__(None, None, None)
    scope_decode = jax.named_scope("decode")
    scope_decode.__enter__()
    @pl.loop(0, WPAD // L)
    def _(a):
        r = rankv[pl.ds(a * L, L)]
        valid = r < K
        r53 = r * OUT_C
        sc = wval[pl.ds(a * L, L)]
        plsc.store_scatter(out_v, [r53], sc, mask=valid)
        xy = [rows_f[pl.ds((52 + p) * RP + a * L, L)] for p in (0, 1)]
        wh = [rows_f[pl.ds((54 + p) * RP + a * L, L)] for p in (0, 1)]
        vr = [rows_f[pl.ds((56 + p) * RP + a * L, L)] for p in (0, 1)]
        for c in range(52):
            p = c & 1
            off = rows_f[pl.ds(c * RP + a * L, L)]
            d = ((off * wh[p]) * vr[p] + xy[p]) * SCALE
            plsc.store_scatter(out_v, [r53 + (1 + c)], d, mask=valid)

    scope_decode.__exit__(None, None, None)
    with jax.named_scope("out_dma"):
        pltpu.sync_copy(out_v, out_hbm.at[b])


def kernel(y_pred):
    yt2d = jnp.transpose(y_pred, (2, 0, 1)).reshape(C * B, N)
    mesh = plsc.VectorSubcoreMesh(core_axis_name="c", subcore_axis_name="s")
    cp = pltpu.CompilerParams()
    if "needs_layout_passes" in pltpu.CompilerParams.__dataclass_fields__:
        cp = dataclasses.replace(cp, needs_layout_passes=False)
    if "use_tc_tiling_on_sc" in pltpu.CompilerParams.__dataclass_fields__:
        cp = dataclasses.replace(cp, use_tc_tiling_on_sc=True)
    f = pl.kernel(
        _sc_body,
        out_type=jax.ShapeDtypeStruct((B, OUT_F), jnp.float32),
        mesh=mesh,
        compiler_params=cp,
        scratch_types=[
            pltpu.VMEM((1, N), jnp.float32),
            pltpu.VMEM((1, N), jnp.float32),
            pltpu.VMEM((1, N), jnp.float32),
            pltpu.VMEM((N,), jnp.int32),
            pltpu.VMEM((N,), jnp.int32),
            pltpu.VMEM((2048,), jnp.int32),
            pltpu.VMEM((NDC * RP,), jnp.float32),
            pltpu.VMEM((WPAD + L,), jnp.float32),
            pltpu.VMEM((WPAD + L,), jnp.int32),
            pltpu.VMEM((WPAD + L,), jnp.int32),
            pltpu.VMEM((WPAD,), jnp.int32),
            pltpu.VMEM((OUT_F,), jnp.float32),
            pltpu.SemaphoreType.DMA,
            pltpu.SemaphoreType.DMA,
            pltpu.SemaphoreType.DMA,
        ],
    )
    return f(yt2d).reshape(B, K, OUT_C)

# --- scband reference (transcript-rebuilt; emitter-appended) ---
"""Pipeline reference for scband-decode-detections-9869834846777 (READ-ONLY COPY).

The authoritative reference and input builder live on the scoring server;
editing this copy changes nothing except your own understanding.
"""

import jax, jax.numpy as jnp
import numpy as np

IMG_H = 512.0
IMG_W = 512.0
TOP_K = 200

def setup_inputs(seed: int = 0) -> dict:
    key = jax.random.key(seed)
    # (batch, n_boxes, 2 class scores + 52 keypoint offsets + 8 anchor/variance channels)
    y_pred = jax.random.uniform(key, (32, 20000, 62), dtype=jnp.float32)
    return {"y_pred": y_pred}

def reference(y_pred):
    # Decode: offsets * anchor_wh * variances + anchor_xy, tiled over 26 keypoint pairs
    anchors_xy = jnp.tile(y_pred[:, :, -8:-6], (1, 1, 26))
    anchors_wh = jnp.tile(y_pred[:, :, -6:-4], (1, 1, 26))
    variances = jnp.tile(y_pred[:, :, -4:-2], (1, 1, 26))
    decoded = y_pred[:, :, 2:54] * anchors_wh * variances + anchors_xy
    # normalize_coords=True: scale x-coords by img_width, y-coords by img_height
    scale = jnp.tile(jnp.array([IMG_W, IMG_H], dtype=jnp.float32), 26)
    decoded = decoded * scale
    # Positive-class confidence (channel 1; channel 0 is background)
    conf = y_pred[:, :, 1]
    # Keep top_k highest-scoring predictions per batch item
    scores, idx = jax.lax.top_k(conf, TOP_K)
    gathered = jnp.take_along_axis(decoded, idx[:, :, None], axis=1)
    out = jnp.concatenate([scores[:, :, None], gathered], axis=-1)
    return out

if __name__ == "__main__":
    import jax
    _d = setup_inputs()
    print(jax.jit(kernel)(*tuple(_d.values())))

</pallas_src>

<mosaic_0001>
#map = affine_map<(d0, d1) -> (0, 0)>
module attributes {stable_mosaic.version = 14 : i64} {
  func.func @_sc_body(%arg0: i32, %arg1: i32, %arg2: memref<1984x20000xf32, #tpu.memory_space<hbm>>, %arg3: memref<32x10600xf32, #tpu.memory_space<hbm>>, %arg4: memref<1x20000xf32, #tpu.memory_space<vmem>>, %arg5: memref<1x20000xf32, #tpu.memory_space<vmem>>, %arg6: memref<1x20000xf32, #tpu.memory_space<vmem>>, %arg7: memref<20000xi32, #tpu.memory_space<vmem>>, %arg8: memref<20000xi32, #tpu.memory_space<vmem>>, %arg9: memref<2048xi32, #tpu.memory_space<vmem>>, %arg10: memref<12064xf32, #tpu.memory_space<vmem>>, %arg11: memref<224xf32, #tpu.memory_space<vmem>>, %arg12: memref<224xi32, #tpu.memory_space<vmem>>, %arg13: memref<224xi32, #tpu.memory_space<vmem>>, %arg14: memref<208xi32, #tpu.memory_space<vmem>>, %arg15: memref<10600xf32, #tpu.memory_space<vmem>>, %arg16: memref<!tpu.dma_semaphore, #tpu.memory_space<semaphore_mem>>, %arg17: memref<!tpu.dma_semaphore, #tpu.memory_space<semaphore_mem>>, %arg18: memref<!tpu.dma_semaphore, #tpu.memory_space<semaphore_mem>>) attributes {dimension_semantics = [#tpu.dimension_semantics<core_parallel>, #tpu.dimension_semantics<subcore_parallel>], iteration_bounds = array<i64: 2, 16>, scalar_prefetch = 0 : i64, scratch_operands = 15 : i64, tpu.core_type = #tpu.core_type<sc_vector_subcore>, window_params = [{transform_indices = #map}, {transform_indices = #map}]} {
    %mul3A = arith.constant 2 : i32
    %mul3A_0 = arith.muli %arg1, %mul3A : i32
    %add3A = arith.addi %mul3A_0, %arg0 : i32
    %iota3A = tpu.iota {dimensions = array<i32: 0>} : vector<16xi32>
    %broadcast_in_dim3A = arith.constant 0 : i32
    %broadcast_in_dim3A_1 = vector.broadcast %broadcast_in_dim3A : i32 to vector<16xi32>
    %broadcast_in_dim3A_2 = arith.constant true
    %broadcast_in_dim3A_3 = vector.broadcast %broadcast_in_dim3A_2 : i1 to vector<16xi1>
    %unique3A, %unique3A_4 = tpu.scan_count mask(%broadcast_in_dim3A_3 : vector<16xi1>) value(%broadcast_in_dim3A_1 : vector<16xi32>) : vector<16xi1>, vector<16xi32>
    %reduce_max3A = arith.constant true
    %reduce_max3A_5 = vector.broadcast %reduce_max3A : i1 to vector<16xi1>
    %reduce_max3A_6 = arith.constant -2147483648 : i32
    %reduce_max3A_7 = vector.broadcast %reduce_max3A_6 : i32 to vector<16xi32>
    %reduce_max3A_8 = arith.xori %unique3A_4, %reduce_max3A_7 : vector<16xi32>
    %reduce_max3A_9 = tpu.scan <max>, %reduce_max3A_8 masked %reduce_max3A_5 : vector<16xi32>, vector<16xi1> -> vector<16xi32>
    %reduce_max3A_10 = arith.xori %reduce_max3A_9, %reduce_max3A_7 : vector<16xi32>
    %reduce_max3A_11 = vector.extract %reduce_max3A_10[15] : i32 from vector<16xi32>
    %sub3A = arith.constant 16 : i32
    %sub3A_12 = arith.subi %sub3A, %reduce_max3A_11 : i32
    "tpu.trace_start"() <{level = 10 : i32, message = "conf_dma"}> : () -> ()
    %add3A_13 = arith.constant 32 : i32
    %add3A_14 = arith.addi %add3A_13, %add3A : i32
    "tpu.region"() ({
      %run_scoped3A = tpu.sem_alloc : memref<!tpu.dma_semaphore, #tpu.memory_space<semaphore_mem>>
      %dma_start3A_229 = arith.constant 0 : i32
      %dma_start3A_230 = tpu.memref_slice %arg2[%add3A_14, %dma_start3A_229] : memref<1984x20000xf32, #tpu.memory_space<hbm>> -> memref<1x20000xf32, #tpu.memory_space<hbm>>
      %dma_start3A_231 = arith.constant 0 : i32
      %dma_start3A_232 = tpu.memref_slice %arg2[%add3A_14, %dma_start3A_231] : memref<1984x20000xf32, #tpu.memory_space<hbm>> -> memref<1x20000xf32, #tpu.memory_space<hbm>>
      tpu.enqueue_dma source(%dma_start3A_232 : memref<1x20000xf32, #tpu.memory_space<hbm>>) target(%arg4 : memref<1x20000xf32, #tpu.memory_space<vmem>>) target_semaphore(%run_scoped3A : memref<!tpu.dma_semaphore, #tpu.memory_space<semaphore_mem>>)
      %dma_wait3A = arith.constant 0 : i32
      %dma_wait3A_233 = tpu.memref_slice %arg2[%add3A_14, %dma_wait3A] : memref<1984x20000xf32, #tpu.memory_space<hbm>> -> memref<1x20000xf32, #tpu.memory_space<hbm>>
      %dma_wait3A_234 = arith.constant 0 : i32
      %dma_wait3A_235 = tpu.memref_slice %arg2[%add3A_14, %dma_wait3A_234] : memref<1984x20000xf32, #tpu.memory_space<hbm>> -> memref<1x20000xf32, #tpu.memory_space<hbm>>
      tpu.wait_dma2 semaphore(%run_scoped3A : memref<!tpu.dma_semaphore, #tpu.memory_space<semaphore_mem>>) src(%dma_wait3A_235 : memref<1x20000xf32, #tpu.memory_space<hbm>>) dst(%arg4 : memref<1x20000xf32, #tpu.memory_space<vmem>>)
      tpu.yield
    }) : () -> ()
    "tpu.trace_stop"() : () -> ()
    "tpu.trace_start"() <{level = 10 : i32, message = "radix"}> : () -> ()
    %scan3A = arith.constant 0 : i32
    %scan3A_15 = arith.constant 128 : i32
    %scan3A_16 = arith.addi %scan3A, %scan3A_15 : i32
    %scan3A_17 = arith.constant 1 : i32
    scf.for %scan3A_229 = %scan3A to %scan3A_16 step %scan3A_17  : i32 {
      %mul3A_230 = arith.constant 1 : i32
      %mul3A_231 = arith.muli %scan3A_229, %mul3A_230 : i32
      %add3A_232 = arith.constant 0 : i32
      %add3A_233 = arith.addi %add3A_232, %mul3A_231 : i32
      %broadcast_in_dim3A_234 = arith.constant 0 : i32
      %broadcast_in_dim3A_235 = vector.broadcast %broadcast_in_dim3A_234 : i32 to vector<16xi32>
      %mul3A_236 = arith.constant 16 : i32
      %mul3A_237 = arith.muli %add3A_233, %mul3A_236 : i32
      %swap3A_238 = arith.index_cast %mul3A_237 : i32 to index
      %swap3A_239 = tpu.vector_load %arg9[%swap3A_238] {strides = array<i32>} : memref<2048xi32, #tpu.memory_space<vmem>>, vector<16xi32>,
      tpu.vector_store %arg9[%swap3A_238], %broadcast_in_dim3A_235 {strides = array<i32>} : memref<2048xi32, #tpu.memory_space<vmem>>, vector<16xi32>,
    }
    %scan3A_18 = arith.constant 128 : i32
    %scan3A_19 = arith.constant 0 : i32
    %scan3A_20 = arith.constant 1248 : i32
    %scan3A_21 = arith.addi %scan3A_19, %scan3A_20 : i32
    %scan3A_22 = arith.constant 4 : i32
    scf.for %scan3A_229 = %scan3A_19 to %scan3A_21 step %scan3A_22  : i32 {
      %mul3A_230 = arith.constant 1 : i32
      %mul3A_231 = arith.muli %scan3A_229, %mul3A_230 : i32
      %add3A_232 = arith.constant 0 : i32
      %add3A_233 = arith.addi %add3A_232, %mul3A_231 : i32
      %mul3A_234 = arith.constant 16 : i32
      %mul3A_235 = arith.muli %add3A_233, %mul3A_234 : i32
      %get3A_236 = arith.constant 0 : i32
      %get3A_237 = arith.index_cast %get3A_236 : i32 to index
      %get3A_238 = arith.index_cast %mul3A_235 : i32 to index
      %get3A_239 = tpu.vector_load %arg4[%get3A_237, %get3A_238] {strides = array<i32>} : memref<1x20000xf32, #tpu.memory_space<vmem>>, vector<16xf32>,
      %bitcast3A_240 = vector.bitcast %get3A_239 : vector<16xf32> to vector<16xi32>
      %shift_right_arithmetic3A_241 = arith.constant 21 : i32
      %shift_right_arithmetic3A_242 = vector.broadcast %shift_right_arithmetic3A_241 : i32 to vector<16xi32>
      %shift_right_arithmetic3A_243 = arith.shrsi %bitcast3A_240, %shift_right_arithmetic3A_242 : vector<16xi32>
      %unique3A_244, %unique3A_245 = tpu.scan_count mask(%broadcast_in_dim3A_3 : vector<16xi1>) value(%shift_right_arithmetic3A_243 : vector<16xi32>) : vector<16xi1>, vector<16xi32>
      %add3A_246 = vector.broadcast %sub3A_12 : i32 to vector<16xi32>
      %add3A_247 = arith.addi %unique3A_245, %add3A_246 : vector<16xi32>
      tpu.vector_store_idx %arg9[%shift_right_arithmetic3A_243], %add3A_247 masked %unique3A_244 {add = true} : memref<2048xi32, #tpu.memory_space<vmem>>[vector<16xi32>], vector<16xi32>, vector<16xi1>
      %scan3A_248 = arith.constant 1 : i32
      %scan3A_249 = arith.addi %scan3A_229, %scan3A_248 : i32
      %mul3A_250 = arith.constant 1 : i32
      %mul3A_251 = arith.muli %scan3A_249, %mul3A_250 : i32
      %add3A_252 = arith.constant 0 : i32
      %add3A_253 = arith.addi %add3A_252, %mul3A_251 : i32
      %mul3A_254 = arith.constant 16 : i32
      %mul3A_255 = arith.muli %add3A_253, %mul3A_254 : i32
      %get3A_256 = arith.constant 0 : i32
      %get3A_257 = arith.index_cast %get3A_256 : i32 to index
      %get3A_258 = arith.index_cast %mul3A_255 : i32 to index
      %get3A_259 = tpu.vector_load %arg4[%get3A_257, %get3A_258] {strides = array<i32>} : memref<1x20000xf32, #tpu.memory_space<vmem>>, vector<16xf32>,
      %bitcast3A_260 = vector.bitcast %get3A_259 : vector<16xf32> to vector<16xi32>
      %shift_right_arithmetic3A_261 = arith.constant 21 : i32
      %shift_right_arithmetic3A_262 = vector.broadcast %shift_right_arithmetic3A_261 : i32 to vector<16xi32>
      %shift_right_arithmetic3A_263 = arith.shrsi %bitcast3A_260, %shift_right_arithmetic3A_262 : vector<16xi32>
      %unique3A_264, %unique3A_265 = tpu.scan_count mask(%broadcast_in_dim3A_3 : vector<16xi1>) value(%shift_right_arithmetic3A_263 : vector<16xi32>) : vector<16xi1>, vector<16xi32>
      %add3A_266 = vector.broadcast %sub3A_12 : i32 to vector<16xi32>
      %add3A_267 = arith.addi %unique3A_265, %add3A_266 : vector<16xi32>
      tpu.vector_store_idx %arg9[%shift_right_arithmetic3A_263], %add3A_267 masked %unique3A_264 {add = true} : memref<2048xi32, #tpu.memory_space<vmem>>[vector<16xi32>], vector<16xi32>, vector<16xi1>
      %scan3A_268 = arith.constant 2 : i32
      %scan3A_269 = arith.addi %scan3A_229, %scan3A_268 : i32
      %mul3A_270 = arith.constant 1 : i32
      %mul3A_271 = arith.muli %scan3A_269, %mul3A_270 : i32
      %add3A_272 = arith.constant 0 : i32
      %add3A_273 = arith.addi %add3A_272, %mul3A_271 : i32
      %mul3A_274 = arith.constant 16 : i32
      %mul3A_275 = arith.muli %add3A_273, %mul3A_274 : i32
      %get3A_276 = arith.constant 0 : i32
      %get3A_277 = arith.index_cast %get3A_276 : i32 to index
      %get3A_278 = arith.index_cast %mul3A_275 : i32 to index
      %get3A_279 = tpu.vector_load %arg4[%get3A_277, %get3A_278] {strides = array<i32>} : memref<1x20000xf32, #tpu.memory_space<vmem>>, vector<16xf32>,
      %bitcast3A_280 = vector.bitcast %get3A_279 : vector<16xf32> to vector<16xi32>
      %shift_right_arithmetic3A_281 = arith.constant 21 : i32
      %shift_right_arithmetic3A_282 = vector.broadcast %shift_right_arithmetic3A_281 : i32 to vector<16xi32>
      %shift_right_arithmetic3A_283 = arith.shrsi %bitcast3A_280, %shift_right_arithmetic3A_282 : vector<16xi32>
      %unique3A_284, %unique3A_285 = tpu.scan_count mask(%broadcast_in_dim3A_3 : vector<16xi1>) value(%shift_right_arithmetic3A_283 : vector<16xi32>) : vector<16xi1>, vector<16xi32>
      %add3A_286 = vector.broadcast %sub3A_12 : i32 to vector<16xi32>
      %add3A_287 = arith.addi %unique3A_285, %add3A_286 : vector<16xi32>
      tpu.vector_store_idx %arg9[%shift_right_arithmetic3A_283], %add3A_287 masked %unique3A_284 {add = true} : memref<2048xi32, #tpu.memory_space<vmem>>[vector<16xi32>], vector<16xi32>, vector<16xi1>
      %scan3A_288 = arith.constant 3 : i32
      %scan3A_289 = arith.addi %scan3A_229, %scan3A_288 : i32
      %mul3A_290 = arith.constant 1 : i32
      %mul3A_291 = arith.muli %scan3A_289, %mul3A_290 : i32
      %add3A_292 = arith.constant 0 : i32
      %add3A_293 = arith.addi %add3A_292, %mul3A_291 : i32
      %mul3A_294 = arith.constant 16 : i32
      %mul3A_295 = arith.muli %add3A_293, %mul3A_294 : i32
      %get3A_296 = arith.constant 0 : i32
      %get3A_297 = arith.index_cast %get3A_296 : i32 to index
      %get3A_298 = arith.index_cast %mul3A_295 : i32 to index
      %get3A_299 = tpu.vector_load %arg4[%get3A_297, %get3A_298] {strides = array<i32>} : memref<1x20000xf32, #tpu.memory_space<vmem>>, vector<16xf32>,
      %bitcast3A_300 = vector.bitcast %get3A_299 : vector<16xf32> to vector<16xi32>
      %shift_right_arithmetic3A_301 = arith.constant 21 : i32
      %shift_right_arithmetic3A_302 = vector.broadcast %shift_right_arithmetic3A_301 : i32 to vector<16xi32>
      %shift_right_arithmetic3A_303 = arith.shrsi %bitcast3A_300, %shift_right_arithmetic3A_302 : vector<16xi32>
      %unique3A_304, %unique3A_305 = tpu.scan_count mask(%broadcast_in_dim3A_3 : vector<16xi1>) value(%shift_right_arithmetic3A_303 : vector<16xi32>) : vector<16xi1>, vector<16xi32>
      %add3A_306 = vector.broadcast %sub3A_12 : i32 to vector<16xi32>
      %add3A_307 = arith.addi %unique3A_305, %add3A_306 : vector<16xi32>
      tpu.vector_store_idx %arg9[%shift_right_arithmetic3A_303], %add3A_307 masked %unique3A_304 {add = true} : memref<2048xi32, #tpu.memory_space<vmem>>[vector<16xi32>], vector<16xi32>, vector<16xi1>
    }
    %scan3A_23 = arith.constant 1248 : i32
    %scan3A_24 = arith.addi %scan3A_19, %scan3A_23 : i32
    %mul3A_25 = arith.constant 1 : i32
    %mul3A_26 = arith.muli %scan3A_24, %mul3A_25 : i32
    %add3A_27 = arith.constant 0 : i32
    %add3A_28 = arith.addi %add3A_27, %mul3A_26 : i32
    %mul3A_29 = arith.constant 16 : i32
    %mul3A_30 = arith.muli %add3A_28, %mul3A_29 : i32
    %get3A = arith.constant 0 : i32
    %get3A_31 = arith.index_cast %get3A : i32 to index
    %get3A_32 = arith.index_cast %mul3A_30 : i32 to index
    %get3A_33 = tpu.vector_load %arg4[%get3A_31, %get3A_32] {strides = array<i32>} : memref<1x20000xf32, #tpu.memory_space<vmem>>, vector<16xf32>,
    %bitcast3A = vector.bitcast %get3A_33 : vector<16xf32> to vector<16xi32>
    %shift_right_arithmetic3A = arith.constant 21 : i32
    %shift_right_arithmetic3A_34 = vector.broadcast %shift_right_arithmetic3A : i32 to vector<16xi32>
    %shift_right_arithmetic3A_35 = arith.shrsi %bitcast3A, %shift_right_arithmetic3A_34 : vector<16xi32>
    %unique3A_36, %unique3A_37 = tpu.scan_count mask(%broadcast_in_dim3A_3 : vector<16xi1>) value(%shift_right_arithmetic3A_35 : vector<16xi32>) : vector<16xi1>, vector<16xi32>
    %add3A_38 = vector.broadcast %sub3A_12 : i32 to vector<16xi32>
    %add3A_39 = arith.addi %unique3A_37, %add3A_38 : vector<16xi32>
    tpu.vector_store_idx %arg9[%shift_right_arithmetic3A_35], %add3A_39 masked %unique3A_36 {add = true} : memref<2048xi32, #tpu.memory_space<vmem>>[vector<16xi32>], vector<16xi32>, vector<16xi1>
    %scan3A_40 = arith.constant 1249 : i32
    %scan3A_41 = arith.addi %scan3A_19, %scan3A_40 : i32
    %mul3A_42 = arith.constant 1 : i32
    %mul3A_43 = arith.muli %scan3A_41, %mul3A_42 : i32
    %add3A_44 = arith.constant 0 : i32
    %add3A_45 = arith.addi %add3A_44, %mul3A_43 : i32
    %mul3A_46 = arith.constant 16 : i32
    %mul3A_47 = arith.muli %add3A_45, %mul3A_46 : i32
    %get3A_48 = arith.constant 0 : i32
    %get3A_49 = arith.index_cast %get3A_48 : i32 to index
    %get3A_50 = arith.index_cast %mul3A_47 : i32 to index
    %get3A_51 = tpu.vector_load %arg4[%get3A_49, %get3A_50] {strides = array<i32>} : memref<1x20000xf32, #tpu.memory_space<vmem>>, vector<16xf32>,
    %bitcast3A_52 = vector.bitcast %get3A_51 : vector<16xf32> to vector<16xi32>
    %shift_right_arithmetic3A_53 = arith.constant 21 : i32
    %shift_right_arithmetic3A_54 = vector.broadcast %shift_right_arithmetic3A_53 : i32 to vector<16xi32>
    %shift_right_arithmetic3A_55 = arith.shrsi %bitcast3A_52, %shift_right_arithmetic3A_54 : vector<16xi32>
    %unique3A_56, %unique3A_57 = tpu.scan_count mask(%broadcast_in_dim3A_3 : vector<16xi1>) value(%shift_right_arithmetic3A_55 : vector<16xi32>) : vector<16xi1>, vector<16xi32>
    %add3A_58 = vector.broadcast %sub3A_12 : i32 to vector<16xi32>
    %add3A_59 = arith.addi %unique3A_57, %add3A_58 : vector<16xi32>
    tpu.vector_store_idx %arg9[%shift_right_arithmetic3A_55], %add3A_59 masked %unique3A_56 {add = true} : memref<2048xi32, #tpu.memory_space<vmem>>[vector<16xi32>], vector<16xi32>, vector<16xi1>
    %scan3A_60 = arith.constant 1250 : i32
    %scan3A_61 = arith.constant 200 : i32
    %scan3A_62 = arith.constant 0 : i32
    %scan3A_63 = arith.constant 0 : i32
    %scan3A_64 = arith.constant 0 : i32
    %scan3A_65 = arith.constant 0 : i32
    %scan3A_66 = arith.constant 0 : i32
    %scan3A_67 = arith.constant 128 : i32
    %scan3A_68 = arith.addi %scan3A_66, %scan3A_67 : i32
    %scan3A_69 = arith.constant 1 : i32
    %scan3A_70:4 = scf.for %scan3A_229 = %scan3A_66 to %scan3A_68 step %scan3A_69 iter_args(%scan3A_230 = %scan3A_62, %scan3A_231 = %scan3A_63, %scan3A_232 = %scan3A_64, %scan3A_233 = %scan3A_65) -> (i32, i32, i32, i32)  : i32 {
      %sub3A_234 = arith.constant 127 : i32
      %sub3A_235 = arith.subi %sub3A_234, %scan3A_229 : i32
      %mul3A_236 = arith.constant 16 : i32
      %mul3A_237 = arith.muli %sub3A_235, %mul3A_236 : i32
      %get3A_238 = arith.index_cast %mul3A_237 : i32 to index
      %get3A_239 = tpu.vector_load %arg9[%get3A_238] {strides = array<i32>} : memref<2048xi32, #tpu.memory_space<vmem>>, vector<16xi32>,
      %reduce_sum3A = arith.constant true
      %reduce_sum3A_240 = vector.broadcast %reduce_sum3A : i1 to vector<16xi1>
      %reduce_sum3A_241 = tpu.scan <sum>, %get3A_239 masked %reduce_sum3A_240 : vector<16xi32>, vector<16xi1> -> vector<16xi32>
      %reduce_sum3A_242 = vector.extract %reduce_sum3A_241[15] : i32 from vector<16xi32>
      %rev3A = arith.constant 15 : i32
      %rev3A_243 = vector.broadcast %rev3A : i32 to vector<16xi32>
      %rev3A_244 = tpu.iota {dimensions = array<i32: 0>} : vector<16xi32>
      %rev3A_245 = arith.subi %rev3A_243, %rev3A_244 : vector<16xi32>
      %rev3A_246 = tpu.dynamic_gather %get3A_239[%rev3A_245] in [0] : vector<16xi32>, vector<16xi32> -> vector<16xi32>
      %broadcast_in_dim3A_247 = arith.constant true
      %broadcast_in_dim3A_248 = vector.broadcast %broadcast_in_dim3A_247 : i1 to vector<16xi1>
      %masked_cumsum3A = tpu.scan <sum>, %rev3A_246 masked %broadcast_in_dim3A_248 : vector<16xi32>, vector<16xi1> -> vector<16xi32>
      %add3A_249 = vector.broadcast %scan3A_230 : i32 to vector<16xi32>
      %add3A_250 = arith.addi %add3A_249, %masked_cumsum3A : vector<16xi32>
      %ge3A = vector.broadcast %scan3A_61 : i32 to vector<16xi32>
      %ge3A_251 = arith.cmpi sge, %add3A_250, %ge3A : vector<16xi32>
      %jit3A_252 = arith.constant 16 : i32
      %broadcast_in_dim3A_253 = vector.broadcast %jit3A_252 : i32 to vector<16xi32>
      %select_n3A_254 = arith.select %ge3A_251, %iota3A, %broadcast_in_dim3A_253 : vector<16xi1>, vector<16xi32>
      %reduce_min3A = arith.constant true
      %reduce_min3A_255 = vector.broadcast %reduce_min3A : i1 to vector<16xi1>
      %reduce_min3A_256 = arith.constant -2147483648 : i32
      %reduce_min3A_257 = vector.broadcast %reduce_min3A_256 : i32 to vector<16xi32>
      %reduce_min3A_258 = arith.xori %select_n3A_254, %reduce_min3A_257 : vector<16xi32>
      %reduce_min3A_259 = tpu.scan <min>, %reduce_min3A_258 masked %reduce_min3A_255 : vector<16xi32>, vector<16xi1> -> vector<16xi32>
      %reduce_min3A_260 = arith.xori %reduce_min3A_259, %reduce_min3A_257 : vector<16xi32>
      %reduce_min3A_261 = vector.extract %reduce_min3A_260[15] : i32 from vector<16xi32>
      %eq3A = arith.constant 0 : i32
      %eq3A_262 = arith.cmpi eq, %scan3A_233, %eq3A : i32
      %add3A_263 = arith.addi %scan3A_230, %reduce_sum3A_242 : i32
      %ge3A_264 = arith.cmpi sge, %add3A_263, %scan3A_61 : i32
      %and3A_265 = arith.andi %eq3A_262, %ge3A_264 : i1
      %min3A = arith.constant 15 : i32
      %min3A_266 = arith.minsi %reduce_min3A_261, %min3A : i32
      %mul3A_267 = arith.constant 16 : i32
      %mul3A_268 = arith.muli %sub3A_235, %mul3A_267 : i32
      %add3A_269 = arith.constant 15 : i32
      %add3A_270 = arith.addi %mul3A_268, %add3A_269 : i32
      %sub3A_271 = arith.subi %add3A_270, %min3A_266 : i32
      %eq3A_272 = vector.broadcast %min3A_266 : i32 to vector<16xi32>
      %eq3A_273 = arith.cmpi eq, %iota3A, %eq3A_272 : vector<16xi32>
      %sub3A_274 = arith.subi %add3A_250, %rev3A_246 : vector<16xi32>
      %jit3A_275 = arith.constant 0 : i32
      %broadcast_in_dim3A_276 = vector.broadcast %jit3A_275 : i32 to vector<16xi32>
      %select_n3A_277 = arith.select %eq3A_273, %sub3A_274, %broadcast_in_dim3A_276 : vector<16xi1>, vector<16xi32>
      %reduce_sum3A_278 = arith.constant true
      %reduce_sum3A_279 = vector.broadcast %reduce_sum3A_278 : i1 to vector<16xi1>
      %reduce_sum3A_280 = tpu.scan <sum>, %select_n3A_277 masked %reduce_sum3A_279 : vector<16xi32>, vector<16xi1> -> vector<16xi32>
      %reduce_sum3A_281 = vector.extract %reduce_sum3A_280[15] : i32 from vector<16xi32>
      %select_n3A_282 = arith.select %and3A_265, %sub3A_271, %scan3A_231 : i32
      %select_n3A_283 = arith.select %and3A_265, %reduce_sum3A_281, %scan3A_232 : i32
      %jit3A_284 = arith.constant 1 : i32
      %select_n3A_285 = arith.select %and3A_265, %jit3A_284, %scan3A_233 : i32
      %eq3A_286 = arith.constant 1 : i32
      %eq3A_287 = arith.cmpi eq, %select_n3A_285, %eq3A_286 : i32
      %add3A_288 = arith.addi %scan3A_230, %reduce_sum3A_242 : i32
      %select_n3A_289 = arith.select %eq3A_287, %scan3A_230, %add3A_288 : i32
      scf.yield %select_n3A_289, %select_n3A_282, %select_n3A_283, %select_n3A_285 : i32, i32, i32, i32
    }
    %scan3A_71 = arith.constant 128 : i32
    %sub3A_72 = arith.constant 200 : i32
    %sub3A_73 = arith.subi %sub3A_72, %scan3A_70#2 : i32
    %scan3A_74 = arith.constant 0 : i32
    %scan3A_75 = arith.constant 0 : i32
    %scan3A_76 = arith.constant 0 : i32
    %scan3A_77 = arith.constant 1250 : i32
    %scan3A_78 = arith.addi %scan3A_76, %scan3A_77 : i32
    %scan3A_79 = arith.constant 2 : i32
    %scan3A_80:2 = scf.for %scan3A_229 = %scan3A_76 to %scan3A_78 step %scan3A_79 iter_args(%scan3A_230 = %scan3A_74, %scan3A_231 = %scan3A_75) -> (i32, i32)  : i32 {
      %mul3A_232 = arith.constant 16 : i32
      %mul3A_233 = arith.muli %scan3A_229, %mul3A_232 : i32
      %get3A_234 = arith.constant 0 : i32
      %get3A_235 = arith.index_cast %get3A_234 : i32 to index
      %get3A_236 = arith.index_cast %mul3A_233 : i32 to index
      %get3A_237 = tpu.vector_load %arg4[%get3A_235, %get3A_236] {strides = array<i32>} : memref<1x20000xf32, #tpu.memory_space<vmem>>, vector<16xf32>,
      %bitcast3A_238 = vector.bitcast %get3A_237 : vector<16xf32> to vector<16xi32>
      %shift_right_arithmetic3A_239 = arith.constant 21 : i32
      %shift_right_arithmetic3A_240 = vector.broadcast %shift_right_arithmetic3A_239 : i32 to vector<16xi32>
      %shift_right_arithmetic3A_241 = arith.shrsi %bitcast3A_238, %shift_right_arithmetic3A_240 : vector<16xi32>
      %eq3A = vector.broadcast %scan3A_70#1 : i32 to vector<16xi32>
      %eq3A_242 = arith.cmpi eq, %shift_right_arithmetic3A_241, %eq3A : vector<16xi32>
      %gt3A = vector.broadcast %scan3A_70#1 : i32 to vector<16xi32>
      %gt3A_243 = arith.cmpi sgt, %shift_right_arithmetic3A_241, %gt3A : vector<16xi32>
      %swap3A_244 = arith.index_cast %scan3A_230 : i32 to index
      %swap3A_245 = tpu.vector_load %arg7[%swap3A_244] masked %eq3A_242 {strides = array<i32>} : memref<20000xi32, #tpu.memory_space<vmem>>, vector<16xi32>, vector<16xi1>
      tpu.vector_store %arg7[%swap3A_244], %bitcast3A_238 masked %eq3A_242 {strides = array<i32>} : memref<20000xi32, #tpu.memory_space<vmem>>, vector<16xi32>, vector<16xi1>
      %mul3A_246 = arith.constant 16 : i32
      %mul3A_247 = arith.muli %scan3A_229, %mul3A_246 : i32
      %add3A_248 = vector.broadcast %mul3A_247 : i32 to vector<16xi32>
      %add3A_249 = arith.addi %add3A_248, %iota3A : vector<16xi32>
      %swap3A_250 = arith.index_cast %scan3A_230 : i32 to index
      %swap3A_251 = tpu.vector_load %arg8[%swap3A_250] masked %eq3A_242 {strides = array<i32>} : memref<20000xi32, #tpu.memory_space<vmem>>, vector<16xi32>, vector<16xi1>
      tpu.vector_store %arg8[%swap3A_250], %add3A_249 masked %eq3A_242 {strides = array<i32>} : memref<20000xi32, #tpu.memory_space<vmem>>, vector<16xi32>, vector<16xi1>
      %convert_element_type3A = arith.extui %gt3A_243 : vector<16xi1> to vector<16xi32>
      %reduce_sum3A = arith.constant true
      %reduce_sum3A_252 = vector.broadcast %reduce_sum3A : i1 to vector<16xi1>
      %reduce_sum3A_253 = tpu.scan <sum>, %convert_element_type3A masked %reduce_sum3A_252 : vector<16xi32>, vector<16xi1> -> vector<16xi32>
      %reduce_sum3A_254 = vector.extract %reduce_sum3A_253[15] : i32 from vector<16xi32>
      %gt3A_255 = arith.constant 0 : i32
      %gt3A_256 = arith.cmpi sgt, %reduce_sum3A_254, %gt3A_255 : i32
      %convert_element_type3A_257 = arith.extui %gt3A_256 : i1 to i32
      %cond3A = arith.constant 0 : i32
      %cond3A_258 = arith.cmpi ne, %convert_element_type3A_257, %cond3A : i32
      scf.if %cond3A_258 {
        %swap3A_307 = arith.index_cast %scan3A_231 : i32 to index
        %swap3A_308 = tpu.vector_load %arg11[%swap3A_307] masked %gt3A_243 {strides = array<i32>} : memref<224xf32, #tpu.memory_space<vmem>>, vector<16xf32>, vector<16xi1>
        tpu.vector_store %arg11[%swap3A_307], %get3A_237 masked %gt3A_243 {strides = array<i32>} : memref<224xf32, #tpu.memory_space<vmem>>, vector<16xf32>, vector<16xi1>
        %mul3A_309 = arith.constant 16 : i32
        %mul3A_310 = arith.muli %scan3A_229, %mul3A_309 : i32
        %add3A_311 = vector.broadcast %mul3A_310 : i32 to vector<16xi32>
        %add3A_312 = arith.addi %add3A_311, %iota3A : vector<16xi32>
        %swap3A_313 = arith.index_cast %scan3A_231 : i32 to index
        %swap3A_314 = tpu.vector_load %arg12[%swap3A_313] masked %gt3A_243 {strides = array<i32>} : memref<224xi32, #tpu.memory_space<vmem>>, vector<16xi32>, vector<16xi1>
        tpu.vector_store %arg12[%swap3A_313], %add3A_312 masked %gt3A_243 {strides = array<i32>} : memref<224xi32, #tpu.memory_space<vmem>>, vector<16xi32>, vector<16xi1>
      } else {
      }
      %convert_element_type3A_259 = arith.extui %eq3A_242 : vector<16xi1> to vector<16xi32>
      %reduce_sum3A_260 = arith.constant true
      %reduce_sum3A_261 = vector.broadcast %reduce_sum3A_260 : i1 to vector<16xi1>
      %reduce_sum3A_262 = tpu.scan <sum>, %convert_element_type3A_259 masked %reduce_sum3A_261 : vector<16xi32>, vector<16xi1> -> vector<16xi32>
      %reduce_sum3A_263 = vector.extract %reduce_sum3A_262[15] : i32 from vector<16xi32>
      %add3A_264 = arith.addi %scan3A_230, %reduce_sum3A_263 : i32
      %add3A_265 = arith.addi %scan3A_231, %reduce_sum3A_254 : i32
      %scan3A_266 = arith.constant 1 : i32
      %scan3A_267 = arith.addi %scan3A_229, %scan3A_266 : i32
      %mul3A_268 = arith.constant 16 : i32
      %mul3A_269 = arith.muli %scan3A_267, %mul3A_268 : i32
      %get3A_270 = arith.constant 0 : i32
      %get3A_271 = arith.index_cast %get3A_270 : i32 to index
      %get3A_272 = arith.index_cast %mul3A_269 : i32 to index
      %get3A_273 = tpu.vector_load %arg4[%get3A_271, %get3A_272] {strides = array<i32>} : memref<1x20000xf32, #tpu.memory_space<vmem>>, vector<16xf32>,
      %bitcast3A_274 = vector.bitcast %get3A_273 : vector<16xf32> to vector<16xi32>
      %shift_right_arithmetic3A_275 = arith.constant 21 : i32
      %shift_right_arithmetic3A_276 = vector.broadcast %shift_right_arithmetic3A_275 : i32 to vector<16xi32>
      %shift_right_arithmetic3A_277 = arith.shrsi %bitcast3A_274, %shift_right_arithmetic3A_276 : vector<16xi32>
      %eq3A_278 = vector.broadcast %scan3A_70#1 : i32 to vector<16xi32>
      %eq3A_279 = arith.cmpi eq, %shift_right_arithmetic3A_277, %eq3A_278 : vector<16xi32>
      %gt3A_280 = vector.broadcast %scan3A_70#1 : i32 to vector<16xi32>
      %gt3A_281 = arith.cmpi sgt, %shift_right_arithmetic3A_277, %gt3A_280 : vector<16xi32>
      %swap3A_282 = arith.index_cast %add3A_264 : i32 to index
      %swap3A_283 = tpu.vector_load %arg7[%swap3A_282] masked %eq3A_279 {strides = array<i32>} : memref<20000xi32, #tpu.memory_space<vmem>>, vector<16xi32>, vector<16xi1>
      tpu.vector_store %arg7[%swap3A_282], %bitcast3A_274 masked %eq3A_279 {strides = array<i32>} : memref<20000xi32, #tpu.memory_space<vmem>>, vector<16xi32>, vector<16xi1>
      %mul3A_284 = arith.constant 16 : i32
      %mul3A_285 = arith.muli %scan3A_267, %mul3A_284 : i32
      %add3A_286 = vector.broadcast %mul3A_285 : i32 to vector<16xi32>
      %add3A_287 = arith.addi %add3A_286, %iota3A : vector<16xi32>
      %swap3A_288 = arith.index_cast %add3A_264 : i32 to index
      %swap3A_289 = tpu.vector_load %arg8[%swap3A_288] masked %eq3A_279 {strides = array<i32>} : memref<20000xi32, #tpu.memory_space<vmem>>, vector<16xi32>, vector<16xi1>
      tpu.vector_store %arg8[%swap3A_288], %add3A_287 masked %eq3A_279 {strides = array<i32>} : memref<20000xi32, #tpu.memory_space<vmem>>, vector<16xi32>, vector<16xi1>
      %convert_element_type3A_290 = arith.extui %gt3A_281 : vector<16xi1> to vector<16xi32>
      %reduce_sum3A_291 = arith.constant true
      %reduce_sum3A_292 = vector.broadcast %reduce_sum3A_291 : i1 to vector<16xi1>
      %reduce_sum3A_293 = tpu.scan <sum>, %convert_element_type3A_290 masked %reduce_sum3A_292 : vector<16xi32>, vector<16xi1> -> vector<16xi32>
      %reduce_sum3A_294 = vector.extract %reduce_sum3A_293[15] : i32 from vector<16xi32>
      %gt3A_295 = arith.constant 0 : i32
      %gt3A_296 = arith.cmpi sgt, %reduce_sum3A_294, %gt3A_295 : i32
      %convert_element_type3A_297 = arith.extui %gt3A_296 : i1 to i32
      %cond3A_298 = arith.constant 0 : i32
      %cond3A_299 = arith.cmpi ne, %convert_element_type3A_297, %cond3A_298 : i32
      scf.if %cond3A_299 {
        %swap3A_307 = arith.index_cast %add3A_265 : i32 to index
        %swap3A_308 = tpu.vector_load %arg11[%swap3A_307] masked %gt3A_281 {strides = array<i32>} : memref<224xf32, #tpu.memory_space<vmem>>, vector<16xf32>, vector<16xi1>
        tpu.vector_store %arg11[%swap3A_307], %get3A_273 masked %gt3A_281 {strides = array<i32>} : memref<224xf32, #tpu.memory_space<vmem>>, vector<16xf32>, vector<16xi1>
        %mul3A_309 = arith.constant 16 : i32
        %mul3A_310 = arith.muli %scan3A_267, %mul3A_309 : i32
        %add3A_311 = vector.broadcast %mul3A_310 : i32 to vector<16xi32>
        %add3A_312 = arith.addi %add3A_311, %iota3A : vector<16xi32>
        %swap3A_313 = arith.index_cast %add3A_265 : i32 to index
        %swap3A_314 = tpu.vector_load %arg12[%swap3A_313] masked %gt3A_281 {strides = array<i32>} : memref<224xi32, #tpu.memory_space<vmem>>, vector<16xi32>, vector<16xi1>
        tpu.vector_store %arg12[%swap3A_313], %add3A_312 masked %gt3A_281 {strides = array<i32>} : memref<224xi32, #tpu.memory_space<vmem>>, vector<16xi32>, vector<16xi1>
      } else {
      }
      %convert_element_type3A_300 = arith.extui %eq3A_279 : vector<16xi1> to vector<16xi32>
      %reduce_sum3A_301 = arith.constant true
      %reduce_sum3A_302 = vector.broadcast %reduce_sum3A_301 : i1 to vector<16xi1>
      %reduce_sum3A_303 = tpu.scan <sum>, %convert_element_type3A_300 masked %reduce_sum3A_302 : vector<16xi32>, vector<16xi1> -> vector<16xi32>
      %reduce_sum3A_304 = vector.extract %reduce_sum3A_303[15] : i32 from vector<16xi32>
      %add3A_305 = arith.addi %add3A_264, %reduce_sum3A_304 : i32
      %add3A_306 = arith.addi %add3A_265, %reduce_sum3A_294 : i32
      scf.yield %add3A_305, %add3A_306 : i32, i32
    }
    %scan3A_81 = arith.constant 1250 : i32
    %add3A_82 = arith.constant 15 : i32
    %add3A_83 = arith.addi %scan3A_80#0, %add3A_82 : i32
    %jit3A = arith.constant 16 : i32
    %div3A = arith.divsi %add3A_83, %jit3A : i32
    %sign3A = arith.constant 0 : i32
    %sign3A_84 = arith.cmpi sgt, %add3A_83, %sign3A : i32
    %sign3A_85 = arith.extui %sign3A_84 : i1 to i32
    %sign3A_86 = arith.constant 0 : i32
    %sign3A_87 = arith.cmpi slt, %add3A_83, %sign3A_86 : i32
    %sign3A_88 = arith.extui %sign3A_87 : i1 to i32
    %sign3A_89 = arith.subi %sign3A_85, %sign3A_88 : i32
    %sign3A_90 = arith.constant 0 : i32
    %sign3A_91 = arith.cmpi sgt, %jit3A, %sign3A_90 : i32
    %sign3A_92 = arith.extui %sign3A_91 : i1 to i32
    %sign3A_93 = arith.constant 0 : i32
    %sign3A_94 = arith.cmpi slt, %jit3A, %sign3A_93 : i32
    %sign3A_95 = arith.extui %sign3A_94 : i1 to i32
    %sign3A_96 = arith.subi %sign3A_92, %sign3A_95 : i32
    %ne3A = arith.cmpi ne, %sign3A_89, %sign3A_96 : i32
    %rem3A = arith.remsi %add3A_83, %jit3A : i32
    %ne3A_97 = arith.constant 0 : i32
    %ne3A_98 = arith.cmpi ne, %rem3A, %ne3A_97 : i32
    %and3A = arith.andi %ne3A, %ne3A_98 : i1
    %sub3A_99 = arith.constant 1 : i32
    %sub3A_100 = arith.subi %div3A, %sub3A_99 : i32
    %select_n3A = arith.select %and3A, %sub3A_100, %div3A : i32
    %scan3A_101 = arith.constant 0 : i32
    %scan3A_102 = arith.constant 128 : i32
    %scan3A_103 = arith.addi %scan3A_101, %scan3A_102 : i32
    %scan3A_104 = arith.constant 1 : i32
    scf.for %scan3A_229 = %scan3A_101 to %scan3A_103 step %scan3A_104  : i32 {
      %mul3A_230 = arith.constant 1 : i32
      %mul3A_231 = arith.muli %scan3A_229, %mul3A_230 : i32
      %add3A_232 = arith.constant 0 : i32
      %add3A_233 = arith.addi %add3A_232, %mul3A_231 : i32
      %broadcast_in_dim3A_234 = arith.constant 0 : i32
      %broadcast_in_dim3A_235 = vector.broadcast %broadcast_in_dim3A_234 : i32 to vector<16xi32>
      %mul3A_236 = arith.constant 16 : i32
      %mul3A_237 = arith.muli %add3A_233, %mul3A_236 : i32
      %swap3A_238 = arith.index_cast %mul3A_237 : i32 to index
      %swap3A_239 = tpu.vector_load %arg9[%swap3A_238] {strides = array<i32>} : memref<2048xi32, #tpu.memory_space<vmem>>, vector<16xi32>,
      tpu.vector_store %arg9[%swap3A_238], %broadcast_in_dim3A_235 {strides = array<i32>} : memref<2048xi32, #tpu.memory_space<vmem>>, vector<16xi32>,
    }
    %scan3A_105 = arith.constant 128 : i32
    %while3A = arith.constant 0 : i32
    %while3A_106 = arith.constant 0 : i32
    %while3A_107 = arith.subi %select_n3A, %while3A : i32
    %while3A_108 = arith.addi %while3A, %while3A_107 : i32
    %while3A_109 = arith.constant 1 : i32
    %while3A_110 = arith.divsi %while3A_107, %while3A_109 : i32
    %while3A_111 = arith.muli %while3A_110, %while3A_109 : i32
    %while3A_112 = arith.addi %while3A, %while3A_111 : i32
    %while3A_113 = arith.constant 1 : i32
    %while3A_114 = scf.for %while3A_229 = %while3A to %while3A_112 step %while3A_113 iter_args(%while3A_230 = %while3A_106) -> (i32)  : i32 {
      %mul3A_231 = arith.constant 16 : i32
      %mul3A_232 = arith.muli %while3A_229, %mul3A_231 : i32
      %get3A_233 = arith.index_cast %mul3A_232 : i32 to index
      %get3A_234 = tpu.vector_load %arg7[%get3A_233] {strides = array<i32>} : memref<20000xi32, #tpu.memory_space<vmem>>, vector<16xi32>,
      %shift_right_arithmetic3A_235 = arith.constant 10 : i32
      %shift_right_arithmetic3A_236 = vector.broadcast %shift_right_arithmetic3A_235 : i32 to vector<16xi32>
      %shift_right_arithmetic3A_237 = arith.shrsi %get3A_234, %shift_right_arithmetic3A_236 : vector<16xi32>
      %and3A_238 = arith.constant 2047 : i32
      %and3A_239 = vector.broadcast %and3A_238 : i32 to vector<16xi32>
      %and3A_240 = arith.andi %shift_right_arithmetic3A_237, %and3A_239 : vector<16xi32>
      %mul3A_241 = arith.constant 16 : i32
      %mul3A_242 = arith.muli %while3A_229, %mul3A_241 : i32
      %add3A_243 = vector.broadcast %mul3A_242 : i32 to vector<16xi32>
      %add3A_244 = arith.addi %add3A_243, %iota3A : vector<16xi32>
      %lt3A_245 = vector.broadcast %scan3A_80#0 : i32 to vector<16xi32>
      %lt3A_246 = arith.cmpi slt, %add3A_244, %lt3A_245 : vector<16xi32>
      %unique3A_247, %unique3A_248 = tpu.scan_count mask(%lt3A_246 : vector<16xi1>) value(%and3A_240 : vector<16xi32>) : vector<16xi1>, vector<16xi32>
      %add3A_249 = vector.broadcast %sub3A_12 : i32 to vector<16xi32>
      %add3A_250 = arith.addi %unique3A_248, %add3A_249 : vector<16xi32>
      tpu.vector_store_idx %arg9[%and3A_240], %add3A_250 masked %unique3A_247 {add = true} : memref<2048xi32, #tpu.memory_space<vmem>>[vector<16xi32>], vector<16xi32>, vector<16xi1>
      %while3A_251 = arith.constant 0 : i32
      scf.yield %while3A_251 : i32
    }
    %while3A_115 = arith.constant 1 : i32
    %while3A_116 = scf.for %while3A_229 = %while3A_112 to %while3A_108 step %while3A_115 iter_args(%while3A_230 = %while3A_114) -> (i32)  : i32 {
      %mul3A_231 = arith.constant 16 : i32
      %mul3A_232 = arith.muli %while3A_229, %mul3A_231 : i32
      %get3A_233 = arith.index_cast %mul3A_232 : i32 to index
      %get3A_234 = tpu.vector_load %arg7[%get3A_233] {strides = array<i32>} : memref<20000xi32, #tpu.memory_space<vmem>>, vector<16xi32>,
      %shift_right_arithmetic3A_235 = arith.constant 10 : i32
      %shift_right_arithmetic3A_236 = vector.broadcast %shift_right_arithmetic3A_235 : i32 to vector<16xi32>
      %shift_right_arithmetic3A_237 = arith.shrsi %get3A_234, %shift_right_arithmetic3A_236 : vector<16xi32>
      %and3A_238 = arith.constant 2047 : i32
      %and3A_239 = vector.broadcast %and3A_238 : i32 to vector<16xi32>
      %and3A_240 = arith.andi %shift_right_arithmetic3A_237, %and3A_239 : vector<16xi32>
      %mul3A_241 = arith.constant 16 : i32
      %mul3A_242 = arith.muli %while3A_229, %mul3A_241 : i32
      %add3A_243 = vector.broadcast %mul3A_242 : i32 to vector<16xi32>
      %add3A_244 = arith.addi %add3A_243, %iota3A : vector<16xi32>
      %lt3A_245 = vector.broadcast %scan3A_80#0 : i32 to vector<16xi32>
      %lt3A_246 = arith.cmpi slt, %add3A_244, %lt3A_245 : vector<16xi32>
      %unique3A_247, %unique3A_248 = tpu.scan_count mask(%lt3A_246 : vector<16xi1>) value(%and3A_240 : vector<16xi32>) : vector<16xi1>, vector<16xi32>
      %add3A_249 = vector.broadcast %sub3A_12 : i32 to vector<16xi32>
      %add3A_250 = arith.addi %unique3A_248, %add3A_249 : vector<16xi32>
      tpu.vector_store_idx %arg9[%and3A_240], %add3A_250 masked %unique3A_247 {add = true} : memref<2048xi32, #tpu.memory_space<vmem>>[vector<16xi32>], vector<16xi32>, vector<16xi1>
      %while3A_251 = arith.constant 0 : i32
      scf.yield %while3A_251 : i32
    }
    %scan3A_117 = arith.constant 0 : i32
    %scan3A_118 = arith.constant 0 : i32
    %scan3A_119 = arith.constant 0 : i32
    %scan3A_120 = arith.constant 0 : i32
    %scan3A_121 = arith.constant 0 : i32
    %scan3A_122 = arith.constant 128 : i32
    %scan3A_123 = arith.addi %scan3A_121, %scan3A_122 : i32
    %scan3A_124 = arith.constant 1 : i32
    %scan3A_125:4 = scf.for %scan3A_229 = %scan3A_121 to %scan3A_123 step %scan3A_124 iter_args(%scan3A_230 = %scan3A_117, %scan3A_231 = %scan3A_118, %scan3A_232 = %scan3A_119, %scan3A_233 = %scan3A_120) -> (i32, i32, i32, i32)  : i32 {
      %sub3A_234 = arith.constant 127 : i32
      %sub3A_235 = arith.subi %sub3A_234, %scan3A_229 : i32
      %mul3A_236 = arith.constant 16 : i32
      %mul3A_237 = arith.muli %sub3A_235, %mul3A_236 : i32
      %get3A_238 = arith.index_cast %mul3A_237 : i32 to index
      %get3A_239 = tpu.vector_load %arg9[%get3A_238] {strides = array<i32>} : memref<2048xi32, #tpu.memory_space<vmem>>, vector<16xi32>,
      %reduce_sum3A = arith.constant true
      %reduce_sum3A_240 = vector.broadcast %reduce_sum3A : i1 to vector<16xi1>
      %reduce_sum3A_241 = tpu.scan <sum>, %get3A_239 masked %reduce_sum3A_240 : vector<16xi32>, vector<16xi1> -> vector<16xi32>
      %reduce_sum3A_242 = vector.extract %reduce_sum3A_241[15] : i32 from vector<16xi32>
      %rev3A = arith.constant 15 : i32
      %rev3A_243 = vector.broadcast %rev3A : i32 to vector<16xi32>
      %rev3A_244 = tpu.iota {dimensions = array<i32: 0>} : vector<16xi32>
      %rev3A_245 = arith.subi %rev3A_243, %rev3A_244 : vector<16xi32>
      %rev3A_246 = tpu.dynamic_gather %get3A_239[%rev3A_245] in [0] : vector<16xi32>, vector<16xi32> -> vector<16xi32>
      %broadcast_in_dim3A_247 = arith.constant true
      %broadcast_in_dim3A_248 = vector.broadcast %broadcast_in_dim3A_247 : i1 to vector<16xi1>
      %masked_cumsum3A = tpu.scan <sum>, %rev3A_246 masked %broadcast_in_dim3A_248 : vector<16xi32>, vector<16xi1> -> vector<16xi32>
      %add3A_249 = vector.broadcast %scan3A_230 : i32 to vector<16xi32>
      %add3A_250 = arith.addi %add3A_249, %masked_cumsum3A : vector<16xi32>
      %ge3A = vector.broadcast %sub3A_73 : i32 to vector<16xi32>
      %ge3A_251 = arith.cmpi sge, %add3A_250, %ge3A : vector<16xi32>
      %jit3A_252 = arith.constant 16 : i32
      %broadcast_in_dim3A_253 = vector.broadcast %jit3A_252 : i32 to vector<16xi32>
      %select_n3A_254 = arith.select %ge3A_251, %iota3A, %broadcast_in_dim3A_253 : vector<16xi1>, vector<16xi32>
      %reduce_min3A = arith.constant true
      %reduce_min3A_255 = vector.broadcast %reduce_min3A : i1 to vector<16xi1>
      %reduce_min3A_256 = arith.constant -2147483648 : i32
      %reduce_min3A_257 = vector.broadcast %reduce_min3A_256 : i32 to vector<16xi32>
      %reduce_min3A_258 = arith.xori %select_n3A_254, %reduce_min3A_257 : vector<16xi32>
      %reduce_min3A_259 = tpu.scan <min>, %reduce_min3A_258 masked %reduce_min3A_255 : vector<16xi32>, vector<16xi1> -> vector<16xi32>
      %reduce_min3A_260 = arith.xori %reduce_min3A_259, %reduce_min3A_257 : vector<16xi32>
      %reduce_min3A_261 = vector.extract %reduce_min3A_260[15] : i32 from vector<16xi32>
      %eq3A = arith.constant 0 : i32
      %eq3A_262 = arith.cmpi eq, %scan3A_233, %eq3A : i32
      %add3A_263 = arith.addi %scan3A_230, %reduce_sum3A_242 : i32
      %ge3A_264 = arith.cmpi sge, %add3A_263, %sub3A_73 : i32
      %and3A_265 = arith.andi %eq3A_262, %ge3A_264 : i1
      %min3A = arith.constant 15 : i32
      %min3A_266 = arith.minsi %reduce_min3A_261, %min3A : i32
      %mul3A_267 = arith.constant 16 : i32
      %mul3A_268 = arith.muli %sub3A_235, %mul3A_267 : i32
      %add3A_269 = arith.constant 15 : i32
      %add3A_270 = arith.addi %mul3A_268, %add3A_269 : i32
      %sub3A_271 = arith.subi %add3A_270, %min3A_266 : i32
      %eq3A_272 = vector.broadcast %min3A_266 : i32 to vector<16xi32>
      %eq3A_273 = arith.cmpi eq, %iota3A, %eq3A_272 : vector<16xi32>
      %sub3A_274 = arith.subi %add3A_250, %rev3A_246 : vector<16xi32>
      %jit3A_275 = arith.constant 0 : i32
      %broadcast_in_dim3A_276 = vector.broadcast %jit3A_275 : i32 to vector<16xi32>
      %select_n3A_277 = arith.select %eq3A_273, %sub3A_274, %broadcast_in_dim3A_276 : vector<16xi1>, vector<16xi32>
      %reduce_sum3A_278 = arith.constant true
      %reduce_sum3A_279 = vector.broadcast %reduce_sum3A_278 : i1 to vector<16xi1>
      %reduce_sum3A_280 = tpu.scan <sum>, %select_n3A_277 masked %reduce_sum3A_279 : vector<16xi32>, vector<16xi1> -> vector<16xi32>
      %reduce_sum3A_281 = vector.extract %reduce_sum3A_280[15] : i32 from vector<16xi32>
      %select_n3A_282 = arith.select %and3A_265, %sub3A_271, %scan3A_231 : i32
      %select_n3A_283 = arith.select %and3A_265, %reduce_sum3A_281, %scan3A_232 : i32
      %jit3A_284 = arith.constant 1 : i32
      %select_n3A_285 = arith.select %and3A_265, %jit3A_284, %scan3A_233 : i32
      %eq3A_286 = arith.constant 1 : i32
      %eq3A_287 = arith.cmpi eq, %select_n3A_285, %eq3A_286 : i32
      %add3A_288 = arith.addi %scan3A_230, %reduce_sum3A_242 : i32
      %select_n3A_289 = arith.select %eq3A_287, %scan3A_230, %add3A_288 : i32
      scf.yield %select_n3A_289, %select_n3A_282, %select_n3A_283, %select_n3A_285 : i32, i32, i32, i32
    }
    %scan3A_126 = arith.constant 128 : i32
    %sub3A_127 = arith.subi %sub3A_73, %scan3A_125#2 : i32
    %scan3A_128 = arith.constant 0 : i32
    %scan3A_129 = arith.constant 64 : i32
    %scan3A_130 = arith.addi %scan3A_128, %scan3A_129 : i32
    %scan3A_131 = arith.constant 1 : i32
    scf.for %scan3A_229 = %scan3A_128 to %scan3A_130 step %scan3A_131  : i32 {
      %mul3A_230 = arith.constant 1 : i32
      %mul3A_231 = arith.muli %scan3A_229, %mul3A_230 : i32
      %add3A_232 = arith.constant 0 : i32
      %add3A_233 = arith.addi %add3A_232, %mul3A_231 : i32
      %broadcast_in_dim3A_234 = arith.constant 0 : i32
      %broadcast_in_dim3A_235 = vector.broadcast %broadcast_in_dim3A_234 : i32 to vector<16xi32>
      %mul3A_236 = arith.constant 16 : i32
      %mul3A_237 = arith.muli %add3A_233, %mul3A_236 : i32
      %swap3A_238 = arith.index_cast %mul3A_237 : i32 to index
      %swap3A_239 = tpu.vector_load %arg9[%swap3A_238] {strides = array<i32>} : memref<2048xi32, #tpu.memory_space<vmem>>, vector<16xi32>,
      tpu.vector_store %arg9[%swap3A_238], %broadcast_in_dim3A_235 {strides = array<i32>} : memref<2048xi32, #tpu.memory_space<vmem>>, vector<16xi32>,
    }
    %scan3A_132 = arith.constant 64 : i32
    %while3A_133 = arith.constant 0 : i32
    %while3A_134 = arith.constant 0 : i32
    %while3A_135 = arith.subi %select_n3A, %while3A_133 : i32
    %while3A_136 = arith.addi %while3A_133, %while3A_135 : i32
    %while3A_137 = arith.constant 1 : i32
    %while3A_138 = arith.divsi %while3A_135, %while3A_137 : i32
    %while3A_139 = arith.muli %while3A_138, %while3A_137 : i32
    %while3A_140 = arith.addi %while3A_133, %while3A_139 : i32
    %while3A_141 = arith.constant 1 : i32
    %while3A_142 = scf.for %while3A_229 = %while3A_133 to %while3A_140 step %while3A_141 iter_args(%while3A_230 = %while3A_134) -> (i32)  : i32 {
      %mul3A_231 = arith.constant 16 : i32
      %mul3A_232 = arith.muli %while3A_229, %mul3A_231 : i32
      %get3A_233 = arith.index_cast %mul3A_232 : i32 to index
      %get3A_234 = tpu.vector_load %arg7[%get3A_233] {strides = array<i32>} : memref<20000xi32, #tpu.memory_space<vmem>>, vector<16xi32>,
      %shift_right_arithmetic3A_235 = arith.constant 10 : i32
      %shift_right_arithmetic3A_236 = vector.broadcast %shift_right_arithmetic3A_235 : i32 to vector<16xi32>
      %shift_right_arithmetic3A_237 = arith.shrsi %get3A_234, %shift_right_arithmetic3A_236 : vector<16xi32>
      %and3A_238 = arith.constant 2047 : i32
      %and3A_239 = vector.broadcast %and3A_238 : i32 to vector<16xi32>
      %and3A_240 = arith.andi %shift_right_arithmetic3A_237, %and3A_239 : vector<16xi32>
      %eq3A = vector.broadcast %scan3A_125#1 : i32 to vector<16xi32>
      %eq3A_241 = arith.cmpi eq, %and3A_240, %eq3A : vector<16xi32>
      %mul3A_242 = arith.constant 16 : i32
      %mul3A_243 = arith.muli %while3A_229, %mul3A_242 : i32
      %add3A_244 = vector.broadcast %mul3A_243 : i32 to vector<16xi32>
      %add3A_245 = arith.addi %add3A_244, %iota3A : vector<16xi32>
      %lt3A_246 = vector.broadcast %scan3A_80#0 : i32 to vector<16xi32>
      %lt3A_247 = arith.cmpi slt, %add3A_245, %lt3A_246 : vector<16xi32>
      %and3A_248 = arith.andi %eq3A_241, %lt3A_247 : vector<16xi1>
      %and3A_249 = arith.constant 1023 : i32
      %and3A_250 = vector.broadcast %and3A_249 : i32 to vector<16xi32>
      %and3A_251 = arith.andi %get3A_234, %and3A_250 : vector<16xi32>
      %unique3A_252, %unique3A_253 = tpu.scan_count mask(%and3A_248 : vector<16xi1>) value(%and3A_251 : vector<16xi32>) : vector<16xi1>, vector<16xi32>
      %add3A_254 = vector.broadcast %sub3A_12 : i32 to vector<16xi32>
      %add3A_255 = arith.addi %unique3A_253, %add3A_254 : vector<16xi32>
      tpu.vector_store_idx %arg9[%and3A_251], %add3A_255 masked %unique3A_252 {add = true} : memref<2048xi32, #tpu.memory_space<vmem>>[vector<16xi32>], vector<16xi32>, vector<16xi1>
      %while3A_256 = arith.constant 0 : i32
      scf.yield %while3A_256 : i32
    }
    %while3A_143 = arith.constant 1 : i32
    %while3A_144 = scf.for %while3A_229 = %while3A_140 to %while3A_136 step %while3A_143 iter_args(%while3A_230 = %while3A_142) -> (i32)  : i32 {
      %mul3A_231 = arith.constant 16 : i32
      %mul3A_232 = arith.muli %while3A_229, %mul3A_231 : i32
      %get3A_233 = arith.index_cast %mul3A_232 : i32 to index
      %get3A_234 = tpu.vector_load %arg7[%get3A_233] {strides = array<i32>} : memref<20000xi32, #tpu.memory_space<vmem>>, vector<16xi32>,
      %shift_right_arithmetic3A_235 = arith.constant 10 : i32
      %shift_right_arithmetic3A_236 = vector.broadcast %shift_right_arithmetic3A_235 : i32 to vector<16xi32>
      %shift_right_arithmetic3A_237 = arith.shrsi %get3A_234, %shift_right_arithmetic3A_236 : vector<16xi32>
      %and3A_238 = arith.constant 2047 : i32
      %and3A_239 = vector.broadcast %and3A_238 : i32 to vector<16xi32>
      %and3A_240 = arith.andi %shift_right_arithmetic3A_237, %and3A_239 : vector<16xi32>
      %eq3A = vector.broadcast %scan3A_125#1 : i32 to vector<16xi32>
      %eq3A_241 = arith.cmpi eq, %and3A_240, %eq3A : vector<16xi32>
      %mul3A_242 = arith.constant 16 : i32
      %mul3A_243 = arith.muli %while3A_229, %mul3A_242 : i32
      %add3A_244 = vector.broadcast %mul3A_243 : i32 to vector<16xi32>
      %add3A_245 = arith.addi %add3A_244, %iota3A : vector<16xi32>
      %lt3A_246 = vector.broadcast %scan3A_80#0 : i32 to vector<16xi32>
      %lt3A_247 = arith.cmpi slt, %add3A_245, %lt3A_246 : vector<16xi32>
      %and3A_248 = arith.andi %eq3A_241, %lt3A_247 : vector<16xi1>
      %and3A_249 = arith.constant 1023 : i32
      %and3A_250 = vector.broadcast %and3A_249 : i32 to vector<16xi32>
      %and3A_251 = arith.andi %get3A_234, %and3A_250 : vector<16xi32>
      %unique3A_252, %unique3A_253 = tpu.scan_count mask(%and3A_248 : vector<16xi1>) value(%and3A_251 : vector<16xi32>) : vector<16xi1>, vector<16xi32>
      %add3A_254 = vector.broadcast %sub3A_12 : i32 to vector<16xi32>
      %add3A_255 = arith.addi %unique3A_253, %add3A_254 : vector<16xi32>
      tpu.vector_store_idx %arg9[%and3A_251], %add3A_255 masked %unique3A_252 {add = true} : memref<2048xi32, #tpu.memory_space<vmem>>[vector<16xi32>], vector<16xi32>, vector<16xi1>
      %while3A_256 = arith.constant 0 : i32
      scf.yield %while3A_256 : i32
    }
    %scan3A_145 = arith.constant 0 : i32
    %scan3A_146 = arith.constant 0 : i32
    %scan3A_147 = arith.constant 0 : i32
    %scan3A_148 = arith.constant 0 : i32
    %scan3A_149 = arith.constant 0 : i32
    %scan3A_150 = arith.constant 64 : i32
    %scan3A_151 = arith.addi %scan3A_149, %scan3A_150 : i32
    %scan3A_152 = arith.constant 1 : i32
    %scan3A_153:4 = scf.for %scan3A_229 = %scan3A_149 to %scan3A_151 step %scan3A_152 iter_args(%scan3A_230 = %scan3A_145, %scan3A_231 = %scan3A_146, %scan3A_232 = %scan3A_147, %scan3A_233 = %scan3A_148) -> (i32, i32, i32, i32)  : i32 {
      %sub3A_234 = arith.constant 63 : i32
      %sub3A_235 = arith.subi %sub3A_234, %scan3A_229 : i32
      %mul3A_236 = arith.constant 16 : i32
      %mul3A_237 = arith.muli %sub3A_235, %mul3A_236 : i32
      %get3A_238 = arith.index_cast %mul3A_237 : i32 to index
      %get3A_239 = tpu.vector_load %arg9[%get3A_238] {strides = array<i32>} : memref<2048xi32, #tpu.memory_space<vmem>>, vector<16xi32>,
      %reduce_sum3A = arith.constant true
      %reduce_sum3A_240 = vector.broadcast %reduce_sum3A : i1 to vector<16xi1>
      %reduce_sum3A_241 = tpu.scan <sum>, %get3A_239 masked %reduce_sum3A_240 : vector<16xi32>, vector<16xi1> -> vector<16xi32>
      %reduce_sum3A_242 = vector.extract %reduce_sum3A_241[15] : i32 from vector<16xi32>
      %rev3A = arith.constant 15 : i32
      %rev3A_243 = vector.broadcast %rev3A : i32 to vector<16xi32>
      %rev3A_244 = tpu.iota {dimensions = array<i32: 0>} : vector<16xi32>
      %rev3A_245 = arith.subi %rev3A_243, %rev3A_244 : vector<16xi32>
      %rev3A_246 = tpu.dynamic_gather %get3A_239[%rev3A_245] in [0] : vector<16xi32>, vector<16xi32> -> vector<16xi32>
      %broadcast_in_dim3A_247 = arith.constant true
      %broadcast_in_dim3A_248 = vector.broadcast %broadcast_in_dim3A_247 : i1 to vector<16xi1>
      %masked_cumsum3A = tpu.scan <sum>, %rev3A_246 masked %broadcast_in_dim3A_248 : vector<16xi32>, vector<16xi1> -> vector<16xi32>
      %add3A_249 = vector.broadcast %scan3A_230 : i32 to vector<16xi32>
      %add3A_250 = arith.addi %add3A_249, %masked_cumsum3A : vector<16xi32>
      %ge3A = vector.broadcast %sub3A_127 : i32 to vector<16xi32>
      %ge3A_251 = arith.cmpi sge, %add3A_250, %ge3A : vector<16xi32>
      %jit3A_252 = arith.constant 16 : i32
      %broadcast_in_dim3A_253 = vector.broadcast %jit3A_252 : i32 to vector<16xi32>
      %select_n3A_254 = arith.select %ge3A_251, %iota3A, %broadcast_in_dim3A_253 : vector<16xi1>, vector<16xi32>
      %reduce_min3A = arith.constant true
      %reduce_min3A_255 = vector.broadcast %reduce_min3A : i1 to vector<16xi1>
      %reduce_min3A_256 = arith.constant -2147483648 : i32
      %reduce_min3A_257 = vector.broadcast %reduce_min3A_256 : i32 to vector<16xi32>
      %reduce_min3A_258 = arith.xori %select_n3A_254, %reduce_min3A_257 : vector<16xi32>
      %reduce_min3A_259 = tpu.scan <min>, %reduce_min3A_258 masked %reduce_min3A_255 : vector<16xi32>, vector<16xi1> -> vector<16xi32>
      %reduce_min3A_260 = arith.xori %reduce_min3A_259, %reduce_min3A_257 : vector<16xi32>
      %reduce_min3A_261 = vector.extract %reduce_min3A_260[15] : i32 from vector<16xi32>
      %eq3A = arith.constant 0 : i32
      %eq3A_262 = arith.cmpi eq, %scan3A_233, %eq3A : i32
      %add3A_263 = arith.addi %scan3A_230, %reduce_sum3A_242 : i32
      %ge3A_264 = arith.cmpi sge, %add3A_263, %sub3A_127 : i32
      %and3A_265 = arith.andi %eq3A_262, %ge3A_264 : i1
      %min3A = arith.constant 15 : i32
      %min3A_266 = arith.minsi %reduce_min3A_261, %min3A : i32
      %mul3A_267 = arith.constant 16 : i32
      %mul3A_268 = arith.muli %sub3A_235, %mul3A_267 : i32
      %add3A_269 = arith.constant 15 : i32
      %add3A_270 = arith.addi %mul3A_268, %add3A_269 : i32
      %sub3A_271 = arith.subi %add3A_270, %min3A_266 : i32
      %eq3A_272 = vector.broadcast %min3A_266 : i32 to vector<16xi32>
      %eq3A_273 = arith.cmpi eq, %iota3A, %eq3A_272 : vector<16xi32>
      %sub3A_274 = arith.subi %add3A_250, %rev3A_246 : vector<16xi32>
      %jit3A_275 = arith.constant 0 : i32
      %broadcast_in_dim3A_276 = vector.broadcast %jit3A_275 : i32 to vector<16xi32>
      %select_n3A_277 = arith.select %eq3A_273, %sub3A_274, %broadcast_in_dim3A_276 : vector<16xi1>, vector<16xi32>
      %reduce_sum3A_278 = arith.constant true
      %reduce_sum3A_279 = vector.broadcast %reduce_sum3A_278 : i1 to vector<16xi1>
      %reduce_sum3A_280 = tpu.scan <sum>, %select_n3A_277 masked %reduce_sum3A_279 : vector<16xi32>, vector<16xi1> -> vector<16xi32>
      %reduce_sum3A_281 = vector.extract %reduce_sum3A_280[15] : i32 from vector<16xi32>
      %select_n3A_282 = arith.select %and3A_265, %sub3A_271, %scan3A_231 : i32
      %select_n3A_283 = arith.select %and3A_265, %reduce_sum3A_281, %scan3A_232 : i32
      %jit3A_284 = arith.constant 1 : i32
      %select_n3A_285 = arith.select %and3A_265, %jit3A_284, %scan3A_233 : i32
      %eq3A_286 = arith.constant 1 : i32
      %eq3A_287 = arith.cmpi eq, %select_n3A_285, %eq3A_286 : i32
      %add3A_288 = arith.addi %scan3A_230, %reduce_sum3A_242 : i32
      %select_n3A_289 = arith.select %eq3A_287, %scan3A_230, %add3A_288 : i32
      scf.yield %select_n3A_289, %select_n3A_282, %select_n3A_283, %select_n3A_285 : i32, i32, i32, i32
    }
    %scan3A_154 = arith.constant 64 : i32
    %sub3A_155 = arith.subi %sub3A_127, %scan3A_153#2 : i32
    "tpu.trace_stop"() : () -> ()
    %shift_left3A = arith.constant 21 : i32
    %shift_left3A_156 = arith.shli %scan3A_70#1, %shift_left3A : i32
    %shift_left3A_157 = arith.constant 10 : i32
    %shift_left3A_158 = arith.shli %scan3A_125#1, %shift_left3A_157 : i32
    %or3A = arith.ori %shift_left3A_156, %shift_left3A_158 : i32
    %or3A_159 = arith.ori %or3A, %scan3A_153#1 : i32
    %sub3A_160 = arith.constant 200 : i32
    %sub3A_161 = arith.subi %sub3A_160, %sub3A_155 : i32
    %while3A_162 = arith.constant 0 : i32
    %while3A_163 = arith.constant 0 : i32
    "tpu.trace_start"() <{level = 10 : i32, message = "collect"}> : () -> ()
    %while3A_164 = arith.subi %select_n3A, %while3A_162 : i32
    %while3A_165 = arith.addi %while3A_162, %while3A_164 : i32
    %while3A_166 = arith.constant 1 : i32
    %while3A_167 = arith.divsi %while3A_164, %while3A_166 : i32
    %while3A_168 = arith.muli %while3A_167, %while3A_166 : i32
    %while3A_169 = arith.addi %while3A_162, %while3A_168 : i32
    %while3A_170 = arith.constant 1 : i32
    %while3A_171:2 = scf.for %while3A_229 = %while3A_162 to %while3A_169 step %while3A_170 iter_args(%while3A_230 = %scan3A_80#1, %while3A_231 = %while3A_163) -> (i32, i32)  : i32 {
      %mul3A_232 = arith.constant 16 : i32
      %mul3A_233 = arith.muli %while3A_229, %mul3A_232 : i32
      %add3A_234 = vector.broadcast %mul3A_233 : i32 to vector<16xi32>
      %add3A_235 = arith.addi %add3A_234, %iota3A : vector<16xi32>
      %lt3A_236 = vector.broadcast %scan3A_80#0 : i32 to vector<16xi32>
      %lt3A_237 = arith.cmpi slt, %add3A_235, %lt3A_236 : vector<16xi32>
      %mul3A_238 = arith.constant 16 : i32
      %mul3A_239 = arith.muli %while3A_229, %mul3A_238 : i32
      %get3A_240 = arith.index_cast %mul3A_239 : i32 to index
      %get3A_241 = tpu.vector_load %arg7[%get3A_240] {strides = array<i32>} : memref<20000xi32, #tpu.memory_space<vmem>>, vector<16xi32>,
      %mul3A_242 = arith.constant 16 : i32
      %mul3A_243 = arith.muli %while3A_229, %mul3A_242 : i32
      %get3A_244 = arith.index_cast %mul3A_243 : i32 to index
      %get3A_245 = tpu.vector_load %arg8[%get3A_244] {strides = array<i32>} : memref<20000xi32, #tpu.memory_space<vmem>>, vector<16xi32>,
      %gt3A = vector.broadcast %or3A_159 : i32 to vector<16xi32>
      %gt3A_246 = arith.cmpi sgt, %get3A_241, %gt3A : vector<16xi32>
      %and3A_247 = arith.andi %lt3A_237, %gt3A_246 : vector<16xi1>
      %eq3A = vector.broadcast %or3A_159 : i32 to vector<16xi32>
      %eq3A_248 = arith.cmpi eq, %get3A_241, %eq3A : vector<16xi32>
      %and3A_249 = arith.andi %lt3A_237, %eq3A_248 : vector<16xi1>
      %convert_element_type3A = arith.extui %and3A_247 : vector<16xi1> to vector<16xi32>
      %reduce_sum3A = arith.constant true
      %reduce_sum3A_250 = vector.broadcast %reduce_sum3A : i1 to vector<16xi1>
      %reduce_sum3A_251 = tpu.scan <sum>, %convert_element_type3A masked %reduce_sum3A_250 : vector<16xi32>, vector<16xi1> -> vector<16xi32>
      %reduce_sum3A_252 = vector.extract %reduce_sum3A_251[15] : i32 from vector<16xi32>
      %convert_element_type3A_253 = arith.extui %and3A_249 : vector<16xi1> to vector<16xi32>
      %reduce_sum3A_254 = arith.constant true
      %reduce_sum3A_255 = vector.broadcast %reduce_sum3A_254 : i1 to vector<16xi1>
      %reduce_sum3A_256 = tpu.scan <sum>, %convert_element_type3A_253 masked %reduce_sum3A_255 : vector<16xi32>, vector<16xi1> -> vector<16xi32>
      %reduce_sum3A_257 = vector.extract %reduce_sum3A_256[15] : i32 from vector<16xi32>
      %gt3A_258 = arith.constant 0 : i32
      %gt3A_259 = arith.cmpi sgt, %reduce_sum3A_252, %gt3A_258 : i32
      %convert_element_type3A_260 = arith.extui %gt3A_259 : i1 to i32
      %cond3A = arith.constant 0 : i32
      %cond3A_261 = arith.cmpi ne, %convert_element_type3A_260, %cond3A : i32
      scf.if %cond3A_261 {
        %bitcast3A_272 = vector.bitcast %get3A_241 : vector<16xi32> to vector<16xf32>
        %swap3A_273 = arith.index_cast %while3A_230 : i32 to index
        %swap3A_274 = tpu.vector_load %arg11[%swap3A_273] masked %and3A_247 {strides = array<i32>} : memref<224xf32, #tpu.memory_space<vmem>>, vector<16xf32>, vector<16xi1>
        tpu.vector_store %arg11[%swap3A_273], %bitcast3A_272 masked %and3A_247 {strides = array<i32>} : memref<224xf32, #tpu.memory_space<vmem>>, vector<16xf32>, vector<16xi1>
        %swap3A_275 = arith.index_cast %while3A_230 : i32 to index
        %swap3A_276 = tpu.vector_load %arg12[%swap3A_275] masked %and3A_247 {strides = array<i32>} : memref<224xi32, #tpu.memory_space<vmem>>, vector<16xi32>, vector<16xi1>
        tpu.vector_store %arg12[%swap3A_275], %get3A_245 masked %and3A_247 {strides = array<i32>} : memref<224xi32, #tpu.memory_space<vmem>>, vector<16xi32>, vector<16xi1>
      } else {
      }
      %lt3A_262 = arith.constant 200 : i32
      %lt3A_263 = arith.cmpi slt, %while3A_231, %lt3A_262 : i32
      %gt3A_264 = arith.constant 0 : i32
      %gt3A_265 = arith.cmpi sgt, %reduce_sum3A_257, %gt3A_264 : i32
      %and3A_266 = arith.andi %lt3A_263, %gt3A_265 : i1
      %convert_element_type3A_267 = arith.extui %and3A_266 : i1 to i32
      %cond3A_268 = arith.constant 0 : i32
      %cond3A_269 = arith.cmpi ne, %convert_element_type3A_267, %cond3A_268 : i32
      scf.if %cond3A_269 {
        %swap3A_272 = arith.index_cast %while3A_231 : i32 to index
        %swap3A_273 = tpu.vector_load %arg13[%swap3A_272] masked %and3A_249 {strides = array<i32>} : memref<224xi32, #tpu.memory_space<vmem>>, vector<16xi32>, vector<16xi1>
        tpu.vector_store %arg13[%swap3A_272], %get3A_245 masked %and3A_249 {strides = array<i32>} : memref<224xi32, #tpu.memory_space<vmem>>, vector<16xi32>, vector<16xi1>
      } else {
      }
      %add3A_270 = arith.addi %while3A_230, %reduce_sum3A_252 : i32
      %add3A_271 = arith.addi %while3A_231, %reduce_sum3A_257 : i32
      scf.yield %add3A_270, %add3A_271 : i32, i32
    }
    %while3A_172 = arith.constant 1 : i32
    %while3A_173:2 = scf.for %while3A_229 = %while3A_169 to %while3A_165 step %while3A_172 iter_args(%while3A_230 = %while3A_171#0, %while3A_231 = %while3A_171#1) -> (i32, i32)  : i32 {
      %mul3A_232 = arith.constant 16 : i32
      %mul3A_233 = arith.muli %while3A_229, %mul3A_232 : i32
      %add3A_234 = vector.broadcast %mul3A_233 : i32 to vector<16xi32>
      %add3A_235 = arith.addi %add3A_234, %iota3A : vector<16xi32>
      %lt3A_236 = vector.broadcast %scan3A_80#0 : i32 to vector<16xi32>
      %lt3A_237 = arith.cmpi slt, %add3A_235, %lt3A_236 : vector<16xi32>
      %mul3A_238 = arith.constant 16 : i32
      %mul3A_239 = arith.muli %while3A_229, %mul3A_238 : i32
      %get3A_240 = arith.index_cast %mul3A_239 : i32 to index
      %get3A_241 = tpu.vector_load %arg7[%get3A_240] {strides = array<i32>} : memref<20000xi32, #tpu.memory_space<vmem>>, vector<16xi32>,
      %mul3A_242 = arith.constant 16 : i32
      %mul3A_243 = arith.muli %while3A_229, %mul3A_242 : i32
      %get3A_244 = arith.index_cast %mul3A_243 : i32 to index
      %get3A_245 = tpu.vector_load %arg8[%get3A_244] {strides = array<i32>} : memref<20000xi32, #tpu.memory_space<vmem>>, vector<16xi32>,
      %gt3A = vector.broadcast %or3A_159 : i32 to vector<16xi32>
      %gt3A_246 = arith.cmpi sgt, %get3A_241, %gt3A : vector<16xi32>
      %and3A_247 = arith.andi %lt3A_237, %gt3A_246 : vector<16xi1>
      %eq3A = vector.broadcast %or3A_159 : i32 to vector<16xi32>
      %eq3A_248 = arith.cmpi eq, %get3A_241, %eq3A : vector<16xi32>
      %and3A_249 = arith.andi %lt3A_237, %eq3A_248 : vector<16xi1>
      %convert_element_type3A = arith.extui %and3A_247 : vector<16xi1> to vector<16xi32>
      %reduce_sum3A = arith.constant true
      %reduce_sum3A_250 = vector.broadcast %reduce_sum3A : i1 to vector<16xi1>
      %reduce_sum3A_251 = tpu.scan <sum>, %convert_element_type3A masked %reduce_sum3A_250 : vector<16xi32>, vector<16xi1> -> vector<16xi32>
      %reduce_sum3A_252 = vector.extract %reduce_sum3A_251[15] : i32 from vector<16xi32>
      %convert_element_type3A_253 = arith.extui %and3A_249 : vector<16xi1> to vector<16xi32>
      %reduce_sum3A_254 = arith.constant true
      %reduce_sum3A_255 = vector.broadcast %reduce_sum3A_254 : i1 to vector<16xi1>
      %reduce_sum3A_256 = tpu.scan <sum>, %convert_element_type3A_253 masked %reduce_sum3A_255 : vector<16xi32>, vector<16xi1> -> vector<16xi32>
      %reduce_sum3A_257 = vector.extract %reduce_sum3A_256[15] : i32 from vector<16xi32>
      %gt3A_258 = arith.constant 0 : i32
      %gt3A_259 = arith.cmpi sgt, %reduce_sum3A_252, %gt3A_258 : i32
      %convert_element_type3A_260 = arith.extui %gt3A_259 : i1 to i32
      %cond3A = arith.constant 0 : i32
      %cond3A_261 = arith.cmpi ne, %convert_element_type3A_260, %cond3A : i32
      scf.if %cond3A_261 {
        %bitcast3A_272 = vector.bitcast %get3A_241 : vector<16xi32> to vector<16xf32>
        %swap3A_273 = arith.index_cast %while3A_230 : i32 to index
        %swap3A_274 = tpu.vector_load %arg11[%swap3A_273] masked %and3A_247 {strides = array<i32>} : memref<224xf32, #tpu.memory_space<vmem>>, vector<16xf32>, vector<16xi1>
        tpu.vector_store %arg11[%swap3A_273], %bitcast3A_272 masked %and3A_247 {strides = array<i32>} : memref<224xf32, #tpu.memory_space<vmem>>, vector<16xf32>, vector<16xi1>
        %swap3A_275 = arith.index_cast %while3A_230 : i32 to index
        %swap3A_276 = tpu.vector_load %arg12[%swap3A_275] masked %and3A_247 {strides = array<i32>} : memref<224xi32, #tpu.memory_space<vmem>>, vector<16xi32>, vector<16xi1>
        tpu.vector_store %arg12[%swap3A_275], %get3A_245 masked %and3A_247 {strides = array<i32>} : memref<224xi32, #tpu.memory_space<vmem>>, vector<16xi32>, vector<16xi1>
      } else {
      }
      %lt3A_262 = arith.constant 200 : i32
      %lt3A_263 = arith.cmpi slt, %while3A_231, %lt3A_262 : i32
      %gt3A_264 = arith.constant 0 : i32
      %gt3A_265 = arith.cmpi sgt, %reduce_sum3A_257, %gt3A_264 : i32
      %and3A_266 = arith.andi %lt3A_263, %gt3A_265 : i1
      %convert_element_type3A_267 = arith.extui %and3A_266 : i1 to i32
      %cond3A_268 = arith.constant 0 : i32
      %cond3A_269 = arith.cmpi ne, %convert_element_type3A_267, %cond3A_268 : i32
      scf.if %cond3A_269 {
        %swap3A_272 = arith.index_cast %while3A_231 : i32 to index
        %swap3A_273 = tpu.vector_load %arg13[%swap3A_272] masked %and3A_249 {strides = array<i32>} : memref<224xi32, #tpu.memory_space<vmem>>, vector<16xi32>, vector<16xi1>
        tpu.vector_store %arg13[%swap3A_272], %get3A_245 masked %and3A_249 {strides = array<i32>} : memref<224xi32, #tpu.memory_space<vmem>>, vector<16xi32>, vector<16xi1>
      } else {
      }
      %add3A_270 = arith.addi %while3A_230, %reduce_sum3A_252 : i32
      %add3A_271 = arith.addi %while3A_231, %reduce_sum3A_257 : i32
      scf.yield %add3A_270, %add3A_271 : i32, i32
    }
    "tpu.trace_stop"() : () -> ()
    %broadcast_in_dim3A_174 = vector.broadcast %or3A_159 : i32 to vector<16xi32>
    %bitcast3A_175 = vector.bitcast %broadcast_in_dim3A_174 : vector<16xi32> to vector<16xf32>
    %scan3A_176 = arith.constant 0 : i32
    %scan3A_177 = arith.constant 13 : i32
    %scan3A_178 = arith.addi %scan3A_176, %scan3A_177 : i32
    %scan3A_179 = arith.constant 1 : i32
    scf.for %scan3A_229 = %scan3A_176 to %scan3A_178 step %scan3A_179  : i32 {
      %mul3A_230 = arith.constant 1 : i32
      %mul3A_231 = arith.muli %scan3A_229, %mul3A_230 : i32
      %add3A_232 = arith.constant 0 : i32
      %add3A_233 = arith.addi %add3A_232, %mul3A_231 : i32
      %mul3A_234 = arith.constant 16 : i32
      %mul3A_235 = arith.muli %add3A_233, %mul3A_234 : i32
      %sub3A_236 = arith.subi %sub3A_155, %mul3A_235 : i32
      %gt3A = arith.constant 0 : i32
      %gt3A_237 = arith.cmpi sgt, %sub3A_236, %gt3A : i32
      %convert_element_type3A = arith.extui %gt3A_237 : i1 to i32
      %cond3A = arith.constant 0 : i32
      %cond3A_238 = arith.cmpi ne, %convert_element_type3A, %cond3A : i32
      scf.if %cond3A_238 {
        %mul3A_239 = arith.constant 16 : i32
        %mul3A_240 = arith.muli %add3A_233, %mul3A_239 : i32
        %get3A_241 = arith.index_cast %mul3A_240 : i32 to index
        %get3A_242 = tpu.vector_load %arg13[%get3A_241] {strides = array<i32>} : memref<224xi32, #tpu.memory_space<vmem>>, vector<16xi32>,
        %lt3A_243 = vector.broadcast %sub3A_236 : i32 to vector<16xi32>
        %lt3A_244 = arith.cmpi slt, %iota3A, %lt3A_243 : vector<16xi32>
        %mul3A_245 = arith.constant 16 : i32
        %mul3A_246 = arith.muli %add3A_233, %mul3A_245 : i32
        %add3A_247 = arith.addi %sub3A_161, %mul3A_246 : i32
        %swap3A_248 = arith.index_cast %add3A_247 : i32 to index
        %swap3A_249 = tpu.vector_load %arg11[%swap3A_248] masked %lt3A_244 {strides = array<i32>} : memref<224xf32, #tpu.memory_space<vmem>>, vector<16xf32>, vector<16xi1>
        tpu.vector_store %arg11[%swap3A_248], %bitcast3A_175 masked %lt3A_244 {strides = array<i32>} : memref<224xf32, #tpu.memory_space<vmem>>, vector<16xf32>, vector<16xi1>
        %mul3A_250 = arith.constant 16 : i32
        %mul3A_251 = arith.muli %add3A_233, %mul3A_250 : i32
        %add3A_252 = arith.addi %sub3A_161, %mul3A_251 : i32
        %swap3A_253 = arith.index_cast %add3A_252 : i32 to index
        %swap3A_254 = tpu.vector_load %arg12[%swap3A_253] masked %lt3A_244 {strides = array<i32>} : memref<224xi32, #tpu.memory_space<vmem>>, vector<16xi32>, vector<16xi1>
        tpu.vector_store %arg12[%swap3A_253], %get3A_242 masked %lt3A_244 {strides = array<i32>} : memref<224xi32, #tpu.memory_space<vmem>>, vector<16xi32>, vector<16xi1>
      } else {
      }
    }
    %scan3A_180 = arith.constant 13 : i32
    %lt3A = arith.constant 8 : i32
    %lt3A_181 = vector.broadcast %lt3A : i32 to vector<16xi32>
    %lt3A_182 = arith.cmpi slt, %iota3A, %lt3A_181 : vector<16xi32>
    %get3A_183 = arith.constant 192 : index
    %get3A_184 = tpu.vector_load %arg11[%get3A_183] {strides = array<i32>} : memref<224xf32, #tpu.memory_space<vmem>>, vector<16xf32>,
    %jit3A_185 = arith.constant -1.000000e+00 : f32
    %broadcast_in_dim3A_186 = vector.broadcast %jit3A_185 : f32 to vector<16xf32>
    %select_n3A_187 = arith.select %lt3A_182, %get3A_184, %broadcast_in_dim3A_186 : vector<16xi1>, vector<16xf32>
    %swap3A = arith.constant 192 : index
    %swap3A_188 = tpu.vector_load %arg11[%swap3A] {strides = array<i32>} : memref<224xf32, #tpu.memory_space<vmem>>, vector<16xf32>,
    tpu.vector_store %arg11[%swap3A], %select_n3A_187 {strides = array<i32>} : memref<224xf32, #tpu.memory_space<vmem>>, vector<16xf32>,
    %lt3A_189 = arith.constant 8 : i32
    %lt3A_190 = vector.broadcast %lt3A_189 : i32 to vector<16xi32>
    %lt3A_191 = arith.cmpi slt, %iota3A, %lt3A_190 : vector<16xi32>
    %get3A_192 = arith.constant 192 : index
    %get3A_193 = tpu.vector_load %arg12[%get3A_192] {strides = array<i32>} : memref<224xi32, #tpu.memory_space<vmem>>, vector<16xi32>,
    %select_n3A_194 = arith.select %lt3A_191, %get3A_193, %iota3A : vector<16xi1>, vector<16xi32>
    %swap3A_195 = arith.constant 192 : index
    %swap3A_196 = tpu.vector_load %arg12[%swap3A_195] {strides = array<i32>} : memref<224xi32, #tpu.memory_space<vmem>>, vector<16xi32>,
    tpu.vector_store %arg12[%swap3A_195], %select_n3A_194 {strides = array<i32>} : memref<224xi32, #tpu.memory_space<vmem>>, vector<16xi32>,
    "tpu.trace_start"() <{level = 10 : i32, message = "planes"}> : () -> ()
    %add3A_197 = arith.constant 64 : i32
    %add3A_198 = arith.addi %add3A_197, %add3A : i32
    %dma_start3A = arith.constant 0 : i32
    %dma_start3A_199 = tpu.memref_slice %arg2[%add3A_198, %dma_start3A] : memref<1984x20000xf32, #tpu.memory_space<hbm>> -> memref<1x20000xf32, #tpu.memory_space<hbm>>
    %dma_start3A_200 = arith.constant 0 : i32
    %dma_start3A_201 = tpu.memref_slice %arg2[%add3A_198, %dma_start3A_200] : memref<1984x20000xf32, #tpu.memory_space<hbm>> -> memref<1x20000xf32, #tpu.memory_space<hbm>>
    tpu.enqueue_dma source(%dma_start3A_201 : memref<1x20000xf32, #tpu.memory_space<hbm>>) target(%arg5 : memref<1x20000xf32, #tpu.memory_space<vmem>>) target_semaphore(%arg17 : memref<!tpu.dma_semaphore, #tpu.memory_space<semaphore_mem>>)
    %add3A_202 = arith.constant 96 : i32
    %add3A_203 = arith.addi %add3A_202, %add3A : i32
    %dma_start3A_204 = arith.constant 0 : i32
    %dma_start3A_205 = tpu.memref_slice %arg2[%add3A_203, %dma_start3A_204] : memref<1984x20000xf32, #tpu.memory_space<hbm>> -> memref<1x20000xf32, #tpu.memory_space<hbm>>
    %dma_start3A_206 = arith.constant 0 : i32
    %dma_start3A_207 = tpu.memref_slice %arg2[%add3A_203, %dma_start3A_206] : memref<1984x20000xf32, #tpu.memory_space<hbm>> -> memref<1x20000xf32, #tpu.memory_space<hbm>>
    tpu.enqueue_dma source(%dma_start3A_207 : memref<1x20000xf32, #tpu.memory_space<hbm>>) target(%arg6 : memref<1x20000xf32, #tpu.memory_space<vmem>>) target_semaphore(%arg18 : memref<!tpu.dma_semaphore, #tpu.memory_space<semaphore_mem>>)
    %add3A_208 = arith.constant 128 : i32
    %add3A_209 = arith.addi %add3A_208, %add3A : i32
    %dma_start3A_210 = arith.constant 0 : i32
    %dma_start3A_211 = tpu.memref_slice %arg2[%add3A_209, %dma_start3A_210] : memref<1984x20000xf32, #tpu.memory_space<hbm>> -> memref<1x20000xf32, #tpu.memory_space<hbm>>
    %dma_start3A_212 = arith.constant 0 : i32
    %dma_start3A_213 = tpu.memref_slice %arg2[%add3A_209, %dma_start3A_212] : memref<1984x20000xf32, #tpu.memory_space<hbm>> -> memref<1x20000xf32, #tpu.memory_space<hbm>>
    tpu.enqueue_dma source(%dma_start3A_213 : memref<1x20000xf32, #tpu.memory_space<hbm>>) target(%arg4 : memref<1x20000xf32, #tpu.memory_space<vmem>>) target_semaphore(%arg16 : memref<!tpu.dma_semaphore, #tpu.memory_space<semaphore_mem>>)
    %scan3A_214 = arith.constant 0 : i32
    %scan3A_215 = arith.constant 20 : i32
    %scan3A_216 = arith.addi %scan3A_214, %scan3A_215 : i32
    %scan3A_217 = arith.constant 1 : i32
    scf.for %scan3A_229 = %scan3A_214 to %scan3A_216 step %scan3A_217  : i32 {
      %mul3A_230 = arith.constant 1 : i32
      %mul3A_231 = arith.muli %scan3A_229, %mul3A_230 : i32
      %add3A_232 = arith.constant 0 : i32
      %add3A_233 = arith.addi %add3A_232, %mul3A_231 : i32
      %mul3A_234 = arith.constant 3 : i32
      %mul3A_235 = arith.muli %mul3A_234, %add3A_233 : i32
      %add3A_236 = arith.constant 0 : i32
      %add3A_237 = arith.addi %mul3A_235, %add3A_236 : i32
      %lt3A_238 = arith.constant 58 : i32
      %lt3A_239 = arith.cmpi slt, %add3A_237, %lt3A_238 : i32
      %convert_element_type3A = arith.extui %lt3A_239 : i1 to i32
      %cond3A = arith.constant 0 : i32
      %cond3A_240 = arith.cmpi ne, %convert_element_type3A, %cond3A : i32
      scf.if %cond3A_240 {
        %add3A_259 = arith.constant 2 : i32
        %add3A_260 = arith.addi %add3A_237, %add3A_259 : i32
        %mul3A_261 = arith.constant 32 : i32
        %mul3A_262 = arith.muli %add3A_260, %mul3A_261 : i32
        %add3A_263 = arith.addi %mul3A_262, %add3A : i32
        %dma_wait3A = arith.constant 0 : i32
        %dma_wait3A_264 = tpu.memref_slice %arg2[%add3A_263, %dma_wait3A] : memref<1984x20000xf32, #tpu.memory_space<hbm>> -> memref<1x20000xf32, #tpu.memory_space<hbm>>
        %dma_wait3A_265 = arith.constant 0 : i32
        %dma_wait3A_266 = tpu.memref_slice %arg2[%add3A_263, %dma_wait3A_265] : memref<1984x20000xf32, #tpu.memory_space<hbm>> -> memref<1x20000xf32, #tpu.memory_space<hbm>>
        tpu.wait_dma2 semaphore(%arg17 : memref<!tpu.dma_semaphore, #tpu.memory_space<semaphore_mem>>) src(%dma_wait3A_266 : memref<1x20000xf32, #tpu.memory_space<hbm>>) dst(%arg5 : memref<1x20000xf32, #tpu.memory_space<vmem>>)
        %scan3A_267 = arith.constant 0 : i32
        %scan3A_268 = arith.constant 13 : i32
        %scan3A_269 = arith.addi %scan3A_267, %scan3A_268 : i32
        %scan3A_270 = arith.constant 1 : i32
        scf.for %scan3A_279 = %scan3A_267 to %scan3A_269 step %scan3A_270  : i32 {
          %mul3A_280 = arith.constant 1 : i32
          %mul3A_281 = arith.muli %scan3A_279, %mul3A_280 : i32
          %add3A_282 = arith.constant 0 : i32
          %add3A_283 = arith.addi %add3A_282, %mul3A_281 : i32
          %mul3A_284 = arith.constant 16 : i32
          %mul3A_285 = arith.muli %add3A_283, %mul3A_284 : i32
          %get3A_286 = arith.index_cast %mul3A_285 : i32 to index
          %get3A_287 = tpu.vector_load %arg12[%get3A_286] {strides = array<i32>} : memref<224xi32, #tpu.memory_space<vmem>>, vector<16xi32>,
          %gather3A = tpu.vector_load_idx %arg5[%broadcast_in_dim3A_1, %get3A_287] : memref<1x20000xf32, #tpu.memory_space<vmem>>[vector<16xi32>, vector<16xi32>], vector<16xf32>,
          %mul3A_288 = arith.constant 208 : i32
          %mul3A_289 = arith.muli %add3A_237, %mul3A_288 : i32
          %mul3A_290 = arith.constant 16 : i32
          %mul3A_291 = arith.muli %add3A_283, %mul3A_290 : i32
          %add3A_292 = arith.addi %mul3A_289, %mul3A_291 : i32
          %swap3A_293 = arith.index_cast %add3A_292 : i32 to index
          %swap3A_294 = tpu.vector_load %arg10[%swap3A_293] {strides = array<i32>} : memref<12064xf32, #tpu.memory_space<vmem>>, vector<16xf32>,
          tpu.vector_store %arg10[%swap3A_293], %gather3A {strides = array<i32>} : memref<12064xf32, #tpu.memory_space<vmem>>, vector<16xf32>,
        }
        %scan3A_271 = arith.constant 13 : i32
        %add3A_272 = arith.constant 3 : i32
        %add3A_273 = arith.addi %add3A_237, %add3A_272 : i32
        %lt3A_274 = arith.constant 58 : i32
        %lt3A_275 = arith.cmpi slt, %add3A_273, %lt3A_274 : i32
        %convert_element_type3A_276 = arith.extui %lt3A_275 : i1 to i32
        %cond3A_277 = arith.constant 0 : i32
        %cond3A_278 = arith.cmpi ne, %convert_element_type3A_276, %cond3A_277 : i32
        scf.if %cond3A_278 {
          %add3A_279 = arith.constant 3 : i32
          %add3A_280 = arith.addi %add3A_237, %add3A_279 : i32
          %add3A_281 = arith.constant 2 : i32
          %add3A_282 = arith.addi %add3A_280, %add3A_281 : i32
          %mul3A_283 = arith.constant 32 : i32
          %mul3A_284 = arith.muli %add3A_282, %mul3A_283 : i32
          %add3A_285 = arith.addi %mul3A_284, %add3A : i32
          %dma_start3A_286 = arith.constant 0 : i32
          %dma_start3A_287 = tpu.memref_slice %arg2[%add3A_285, %dma_start3A_286] : memref<1984x20000xf32, #tpu.memory_space<hbm>> -> memref<1x20000xf32, #tpu.memory_space<hbm>>
          %dma_start3A_288 = arith.constant 0 : i32
          %dma_start3A_289 = tpu.memref_slice %arg2[%add3A_285, %dma_start3A_288] : memref<1984x20000xf32, #tpu.memory_space<hbm>> -> memref<1x20000xf32, #tpu.memory_space<hbm>>
          tpu.enqueue_dma source(%dma_start3A_289 : memref<1x20000xf32, #tpu.memory_space<hbm>>) target(%arg5 : memref<1x20000xf32, #tpu.memory_space<vmem>>) target_semaphore(%arg17 : memref<!tpu.dma_semaphore, #tpu.memory_space<semaphore_mem>>)
        } else {
        }
      } else {
      }
      %mul3A_241 = arith.constant 3 : i32
      %mul3A_242 = arith.muli %mul3A_241, %add3A_233 : i32
      %add3A_243 = arith.constant 1 : i32
      %add3A_244 = arith.addi %mul3A_242, %add3A_243 : i32
      %lt3A_245 = arith.constant 58 : i32
      %lt3A_246 = arith.cmpi slt, %add3A_244, %lt3A_245 : i32
      %convert_element_type3A_247 = arith.extui %lt3A_246 : i1 to i32
      %cond3A_248 = arith.constant 0 : i32
      %cond3A_249 = arith.cmpi ne, %convert_element_type3A_247, %cond3A_248 : i32
      scf.if %cond3A_249 {
        %add3A_259 = arith.constant 2 : i32
        %add3A_260 = arith.addi %add3A_244, %add3A_259 : i32
        %mul3A_261 = arith.constant 32 : i32
        %mul3A_262 = arith.muli %add3A_260, %mul3A_261 : i32
        %add3A_263 = arith.addi %mul3A_262, %add3A : i32
        %dma_wait3A = arith.constant 0 : i32
        %dma_wait3A_264 = tpu.memref_slice %arg2[%add3A_263, %dma_wait3A] : memref<1984x20000xf32, #tpu.memory_space<hbm>> -> memref<1x20000xf32, #tpu.memory_space<hbm>>
        %dma_wait3A_265 = arith.constant 0 : i32
        %dma_wait3A_266 = tpu.memref_slice %arg2[%add3A_263, %dma_wait3A_265] : memref<1984x20000xf32, #tpu.memory_space<hbm>> -> memref<1x20000xf32, #tpu.memory_space<hbm>>
        tpu.wait_dma2 semaphore(%arg18 : memref<!tpu.dma_semaphore, #tpu.memory_space<semaphore_mem>>) src(%dma_wait3A_266 : memref<1x20000xf32, #tpu.memory_space<hbm>>) dst(%arg6 : memref<1x20000xf32, #tpu.memory_space<vmem>>)
        %scan3A_267 = arith.constant 0 : i32
        %scan3A_268 = arith.constant 13 : i32
        %scan3A_269 = arith.addi %scan3A_267, %scan3A_268 : i32
        %scan3A_270 = arith.constant 1 : i32
        scf.for %scan3A_279 = %scan3A_267 to %scan3A_269 step %scan3A_270  : i32 {
          %mul3A_280 = arith.constant 1 : i32
          %mul3A_281 = arith.muli %scan3A_279, %mul3A_280 : i32
          %add3A_282 = arith.constant 0 : i32
          %add3A_283 = arith.addi %add3A_282, %mul3A_281 : i32
          %mul3A_284 = arith.constant 16 : i32
          %mul3A_285 = arith.muli %add3A_283, %mul3A_284 : i32
          %get3A_286 = arith.index_cast %mul3A_285 : i32 to index
          %get3A_287 = tpu.vector_load %arg12[%get3A_286] {strides = array<i32>} : memref<224xi32, #tpu.memory_space<vmem>>, vector<16xi32>,
          %gather3A = tpu.vector_load_idx %arg6[%broadcast_in_dim3A_1, %get3A_287] : memref<1x20000xf32, #tpu.memory_space<vmem>>[vector<16xi32>, vector<16xi32>], vector<16xf32>,
          %mul3A_288 = arith.constant 208 : i32
          %mul3A_289 = arith.muli %add3A_244, %mul3A_288 : i32
          %mul3A_290 = arith.constant 16 : i32
          %mul3A_291 = arith.muli %add3A_283, %mul3A_290 : i32
          %add3A_292 = arith.addi %mul3A_289, %mul3A_291 : i32
          %swap3A_293 = arith.index_cast %add3A_292 : i32 to index
          %swap3A_294 = tpu.vector_load %arg10[%swap3A_293] {strides = array<i32>} : memref<12064xf32, #tpu.memory_space<vmem>>, vector<16xf32>,
          tpu.vector_store %arg10[%swap3A_293], %gather3A {strides = array<i32>} : memref<12064xf32, #tpu.memory_space<vmem>>, vector<16xf32>,
        }
        %scan3A_271 = arith.constant 13 : i32
        %add3A_272 = arith.constant 3 : i32
        %add3A_273 = arith.addi %add3A_244, %add3A_272 : i32
        %lt3A_274 = arith.constant 58 : i32
        %lt3A_275 = arith.cmpi slt, %add3A_273, %lt3A_274 : i32
        %convert_element_type3A_276 = arith.extui %lt3A_275 : i1 to i32
        %cond3A_277 = arith.constant 0 : i32
        %cond3A_278 = arith.cmpi ne, %convert_element_type3A_276, %cond3A_277 : i32
        scf.if %cond3A_278 {
          %add3A_279 = arith.constant 3 : i32
          %add3A_280 = arith.addi %add3A_244, %add3A_279 : i32
          %add3A_281 = arith.constant 2 : i32
          %add3A_282 = arith.addi %add3A_280, %add3A_281 : i32
          %mul3A_283 = arith.constant 32 : i32
          %mul3A_284 = arith.muli %add3A_282, %mul3A_283 : i32
          %add3A_285 = arith.addi %mul3A_284, %add3A : i32
          %dma_start3A_286 = arith.constant 0 : i32
          %dma_start3A_287 = tpu.memref_slice %arg2[%add3A_285, %dma_start3A_286] : memref<1984x20000xf32, #tpu.memory_space<hbm>> -> memref<1x20000xf32, #tpu.memory_space<hbm>>
          %dma_start3A_288 = arith.constant 0 : i32
          %dma_start3A_289 = tpu.memref_slice %arg2[%add3A_285, %dma_start3A_288] : memref<1984x20000xf32, #tpu.memory_space<hbm>> -> memref<1x20000xf32, #tpu.memory_space<hbm>>
          tpu.enqueue_dma source(%dma_start3A_289 : memref<1x20000xf32, #tpu.memory_space<hbm>>) target(%arg6 : memref<1x20000xf32, #tpu.memory_space<vmem>>) target_semaphore(%arg18 : memref<!tpu.dma_semaphore, #tpu.memory_space<semaphore_mem>>)
        } else {
        }
      } else {
      }
      %mul3A_250 = arith.constant 3 : i32
      %mul3A_251 = arith.muli %mul3A_250, %add3A_233 : i32
      %add3A_252 = arith.constant 2 : i32
      %add3A_253 = arith.addi %mul3A_251, %add3A_252 : i32
      %lt3A_254 = arith.constant 58 : i32
      %lt3A_255 = arith.cmpi slt, %add3A_253, %lt3A_254 : i32
      %convert_element_type3A_256 = arith.extui %lt3A_255 : i1 to i32
      %cond3A_257 = arith.constant 0 : i32
      %cond3A_258 = arith.cmpi ne, %convert_element_type3A_256, %cond3A_257 : i32
      scf.if %cond3A_258 {
        %add3A_259 = arith.constant 2 : i32
        %add3A_260 = arith.addi %add3A_253, %add3A_259 : i32
        %mul3A_261 = arith.constant 32 : i32
        %mul3A_262 = arith.muli %add3A_260, %mul3A_261 : i32
        %add3A_263 = arith.addi %mul3A_262, %add3A : i32
        %dma_wait3A = arith.constant 0 : i32
        %dma_wait3A_264 = tpu.memref_slice %arg2[%add3A_263, %dma_wait3A] : memref<1984x20000xf32, #tpu.memory_space<hbm>> -> memref<1x20000xf32, #tpu.memory_space<hbm>>
        %dma_wait3A_265 = arith.constant 0 : i32
        %dma_wait3A_266 = tpu.memref_slice %arg2[%add3A_263, %dma_wait3A_265] : memref<1984x20000xf32, #tpu.memory_space<hbm>> -> memref<1x20000xf32, #tpu.memory_space<hbm>>
        tpu.wait_dma2 semaphore(%arg16 : memref<!tpu.dma_semaphore, #tpu.memory_space<semaphore_mem>>) src(%dma_wait3A_266 : memref<1x20000xf32, #tpu.memory_space<hbm>>) dst(%arg4 : memref<1x20000xf32, #tpu.memory_space<vmem>>)
        %scan3A_267 = arith.constant 0 : i32
        %scan3A_268 = arith.constant 13 : i32
        %scan3A_269 = arith.addi %scan3A_267, %scan3A_268 : i32
        %scan3A_270 = arith.constant 1 : i32
        scf.for %scan3A_279 = %scan3A_267 to %scan3A_269 step %scan3A_270  : i32 {
          %mul3A_280 = arith.constant 1 : i32
          %mul3A_281 = arith.muli %scan3A_279, %mul3A_280 : i32
          %add3A_282 = arith.constant 0 : i32
          %add3A_283 = arith.addi %add3A_282, %mul3A_281 : i32
          %mul3A_284 = arith.constant 16 : i32
          %mul3A_285 = arith.muli %add3A_283, %mul3A_284 : i32
          %get3A_286 = arith.index_cast %mul3A_285 : i32 to index
          %get3A_287 = tpu.vector_load %arg12[%get3A_286] {strides = array<i32>} : memref<224xi32, #tpu.memory_space<vmem>>, vector<16xi32>,
          %gather3A = tpu.vector_load_idx %arg4[%broadcast_in_dim3A_1, %get3A_287] : memref<1x20000xf32, #tpu.memory_space<vmem>>[vector<16xi32>, vector<16xi32>], vector<16xf32>,
          %mul3A_288 = arith.constant 208 : i32
          %mul3A_289 = arith.muli %add3A_253, %mul3A_288 : i32
          %mul3A_290 = arith.constant 16 : i32
          %mul3A_291 = arith.muli %add3A_283, %mul3A_290 : i32
          %add3A_292 = arith.addi %mul3A_289, %mul3A_291 : i32
          %swap3A_293 = arith.index_cast %add3A_292 : i32 to index
          %swap3A_294 = tpu.vector_load %arg10[%swap3A_293] {strides = array<i32>} : memref<12064xf32, #tpu.memory_space<vmem>>, vector<16xf32>,
          tpu.vector_store %arg10[%swap3A_293], %gather3A {strides = array<i32>} : memref<12064xf32, #tpu.memory_space<vmem>>, vector<16xf32>,
        }
        %scan3A_271 = arith.constant 13 : i32
        %add3A_272 = arith.constant 3 : i32
        %add3A_273 = arith.addi %add3A_253, %add3A_272 : i32
        %lt3A_274 = arith.constant 58 : i32
        %lt3A_275 = arith.cmpi slt, %add3A_273, %lt3A_274 : i32
        %convert_element_type3A_276 = arith.extui %lt3A_275 : i1 to i32
        %cond3A_277 = arith.constant 0 : i32
        %cond3A_278 = arith.cmpi ne, %convert_element_type3A_276, %cond3A_277 : i32
        scf.if %cond3A_278 {
          %add3A_279 = arith.constant 3 : i32
          %add3A_280 = arith.addi %add3A_253, %add3A_279 : i32
          %add3A_281 = arith.constant 2 : i32
          %add3A_282 = arith.addi %add3A_280, %add3A_281 : i32
          %mul3A_283 = arith.constant 32 : i32
          %mul3A_284 = arith.muli %add3A_282, %mul3A_283 : i32
          %add3A_285 = arith.addi %mul3A_284, %add3A : i32
          %dma_start3A_286 = arith.constant 0 : i32
          %dma_start3A_287 = tpu.memref_slice %arg2[%add3A_285, %dma_start3A_286] : memref<1984x20000xf32, #tpu.memory_space<hbm>> -> memref<1x20000xf32, #tpu.memory_space<hbm>>
          %dma_start3A_288 = arith.constant 0 : i32
          %dma_start3A_289 = tpu.memref_slice %arg2[%add3A_285, %dma_start3A_288] : memref<1984x20000xf32, #tpu.memory_space<hbm>> -> memref<1x20000xf32, #tpu.memory_space<hbm>>
          tpu.enqueue_dma source(%dma_start3A_289 : memref<1x20000xf32, #tpu.memory_space<hbm>>) target(%arg4 : memref<1x20000xf32, #tpu.memory_space<vmem>>) target_semaphore(%arg16 : memref<!tpu.dma_semaphore, #tpu.memory_space<semaphore_mem>>)
        } else {
        }
      } else {
      }
    }
    %scan3A_218 = arith.constant 20 : i32
    "tpu.trace_stop"() : () -> ()
    "tpu.trace_start"() <{level = 10 : i32, message = "rank"}> : () -> ()
    %scan3A_219 = arith.constant 0 : i32
    %scan3A_220 = arith.constant 13 : i32
    %scan3A_221 = arith.addi %scan3A_219, %scan3A_220 : i32
    %scan3A_222 = arith.constant 1 : i32
    scf.for %scan3A_229 = %scan3A_219 to %scan3A_221 step %scan3A_222  : i32 {
      %mul3A_230 = arith.constant 1 : i32
      %mul3A_231 = arith.muli %scan3A_229, %mul3A_230 : i32
      %add3A_232 = arith.constant 0 : i32
      %add3A_233 = arith.addi %add3A_232, %mul3A_231 : i32
      %mul3A_234 = arith.constant 16 : i32
      %mul3A_235 = arith.muli %add3A_233, %mul3A_234 : i32
      %get3A_236 = arith.index_cast %mul3A_235 : i32 to index
      %get3A_237 = tpu.vector_load %arg11[%get3A_236] {strides = array<i32>} : memref<224xf32, #tpu.memory_space<vmem>>, vector<16xf32>,
      %mul3A_238 = arith.constant 16 : i32
      %mul3A_239 = arith.muli %add3A_233, %mul3A_238 : i32
      %get3A_240 = arith.index_cast %mul3A_239 : i32 to index
      %get3A_241 = tpu.vector_load %arg12[%get3A_240] {strides = array<i32>} : memref<224xi32, #tpu.memory_space<vmem>>, vector<16xi32>,
      %broadcast_in_dim3A_242 = arith.constant 0 : i32
      %broadcast_in_dim3A_243 = vector.broadcast %broadcast_in_dim3A_242 : i32 to vector<16xi32>
      %scan3A_244 = arith.constant 0 : i32
      %scan3A_245 = arith.constant 200 : i32
      %scan3A_246 = arith.addi %scan3A_244, %scan3A_245 : i32
      %scan3A_247 = arith.constant 4 : i32
      %scan3A_248 = scf.for %scan3A_254 = %scan3A_244 to %scan3A_246 step %scan3A_247 iter_args(%scan3A_255 = %broadcast_in_dim3A_243) -> (vector<16xi32>)  : i32 {
        %broadcast_in_dim3A_256 = vector.broadcast %scan3A_254 : i32 to vector<16xi32>
        %gather3A = tpu.vector_load_idx %arg11[%broadcast_in_dim3A_256] : memref<224xf32, #tpu.memory_space<vmem>>[vector<16xi32>], vector<16xf32>,
        %gather3A_257 = tpu.vector_load_idx %arg12[%broadcast_in_dim3A_256] : memref<224xi32, #tpu.memory_space<vmem>>[vector<16xi32>], vector<16xi32>,
        %gt3A = arith.cmpf ogt, %gather3A, %get3A_237 : vector<16xf32>
        %eq3A = arith.cmpf oeq, %gather3A, %get3A_237 : vector<16xf32>
        %lt3A_258 = arith.cmpi slt, %gather3A_257, %get3A_241 : vector<16xi32>
        %and3A_259 = arith.andi %eq3A, %lt3A_258 : vector<16xi1>
        %or3A_260 = arith.ori %gt3A, %and3A_259 : vector<16xi1>
        %convert_element_type3A = arith.extui %or3A_260 : vector<16xi1> to vector<16xi32>
        %add3A_261 = arith.addi %scan3A_255, %convert_element_type3A : vector<16xi32>
        %scan3A_262 = arith.constant 1 : i32
        %scan3A_263 = arith.addi %scan3A_254, %scan3A_262 : i32
        %broadcast_in_dim3A_264 = vector.broadcast %scan3A_263 : i32 to vector<16xi32>
        %gather3A_265 = tpu.vector_load_idx %arg11[%broadcast_in_dim3A_264] : memref<224xf32, #tpu.memory_space<vmem>>[vector<16xi32>], vector<16xf32>,
        %gather3A_266 = tpu.vector_load_idx %arg12[%broadcast_in_dim3A_264] : memref<224xi32, #tpu.memory_space<vmem>>[vector<16xi32>], vector<16xi32>,
        %gt3A_267 = arith.cmpf ogt, %gather3A_265, %get3A_237 : vector<16xf32>
        %eq3A_268 = arith.cmpf oeq, %gather3A_265, %get3A_237 : vector<16xf32>
        %lt3A_269 = arith.cmpi slt, %gather3A_266, %get3A_241 : vector<16xi32>
        %and3A_270 = arith.andi %eq3A_268, %lt3A_269 : vector<16xi1>
        %or3A_271 = arith.ori %gt3A_267, %and3A_270 : vector<16xi1>
        %convert_element_type3A_272 = arith.extui %or3A_271 : vector<16xi1> to vector<16xi32>
        %add3A_273 = arith.addi %add3A_261, %convert_element_type3A_272 : vector<16xi32>
        %scan3A_274 = arith.constant 2 : i32
        %scan3A_275 = arith.addi %scan3A_254, %scan3A_274 : i32
        %broadcast_in_dim3A_276 = vector.broadcast %scan3A_275 : i32 to vector<16xi32>
        %gather3A_277 = tpu.vector_load_idx %arg11[%broadcast_in_dim3A_276] : memref<224xf32, #tpu.memory_space<vmem>>[vector<16xi32>], vector<16xf32>,
        %gather3A_278 = tpu.vector_load_idx %arg12[%broadcast_in_dim3A_276] : memref<224xi32, #tpu.memory_space<vmem>>[vector<16xi32>], vector<16xi32>,
        %gt3A_279 = arith.cmpf ogt, %gather3A_277, %get3A_237 : vector<16xf32>
        %eq3A_280 = arith.cmpf oeq, %gather3A_277, %get3A_237 : vector<16xf32>
        %lt3A_281 = arith.cmpi slt, %gather3A_278, %get3A_241 : vector<16xi32>
        %and3A_282 = arith.andi %eq3A_280, %lt3A_281 : vector<16xi1>
        %or3A_283 = arith.ori %gt3A_279, %and3A_282 : vector<16xi1>
        %convert_element_type3A_284 = arith.extui %or3A_283 : vector<16xi1> to vector<16xi32>
        %add3A_285 = arith.addi %add3A_273, %convert_element_type3A_284 : vector<16xi32>
        %scan3A_286 = arith.constant 3 : i32
        %scan3A_287 = arith.addi %scan3A_254, %scan3A_286 : i32
        %broadcast_in_dim3A_288 = vector.broadcast %scan3A_287 : i32 to vector<16xi32>
        %gather3A_289 = tpu.vector_load_idx %arg11[%broadcast_in_dim3A_288] : memref<224xf32, #tpu.memory_space<vmem>>[vector<16xi32>], vector<16xf32>,
        %gather3A_290 = tpu.vector_load_idx %arg12[%broadcast_in_dim3A_288] : memref<224xi32, #tpu.memory_space<vmem>>[vector<16xi32>], vector<16xi32>,
        %gt3A_291 = arith.cmpf ogt, %gather3A_289, %get3A_237 : vector<16xf32>
        %eq3A_292 = arith.cmpf oeq, %gather3A_289, %get3A_237 : vector<16xf32>
        %lt3A_293 = arith.cmpi slt, %gather3A_290, %get3A_241 : vector<16xi32>
        %and3A_294 = arith.andi %eq3A_292, %lt3A_293 : vector<16xi1>
        %or3A_295 = arith.ori %gt3A_291, %and3A_294 : vector<16xi1>
        %convert_element_type3A_296 = arith.extui %or3A_295 : vector<16xi1> to vector<16xi32>
        %add3A_297 = arith.addi %add3A_285, %convert_element_type3A_296 : vector<16xi32>
        scf.yield %add3A_297 : vector<16xi32>
      }
      %scan3A_249 = arith.constant 200 : i32
      %mul3A_250 = arith.constant 16 : i32
      %mul3A_251 = arith.muli %add3A_233, %mul3A_250 : i32
      %swap3A_252 = arith.index_cast %mul3A_251 : i32 to index
      %swap3A_253 = tpu.vector_load %arg14[%swap3A_252] {strides = array<i32>} : memref<208xi32, #tpu.memory_space<vmem>>, vector<16xi32>,
      tpu.vector_store %arg14[%swap3A_252], %scan3A_248 {strides = array<i32>} : memref<208xi32, #tpu.memory_space<vmem>>, vector<16xi32>,
    }
    %scan3A_223 = arith.constant 13 : i32
    "tpu.trace_stop"() : () -> ()
    "tpu.trace_start"() <{level = 10 : i32, message = "decode"}> : () -> ()
    %scan3A_224 = arith.constant 0 : i32
    %scan3A_225 = arith.constant 13 : i32
    %scan3A_226 = arith.addi %scan3A_224, %scan3A_225 : i32
    %scan3A_227 = arith.constant 1 : i32
    scf.for %scan3A_229 = %scan3A_224 to %scan3A_226 step %scan3A_227  : i32 {
      %mul3A_230 = arith.constant 1 : i32
      %mul3A_231 = arith.muli %scan3A_229, %mul3A_230 : i32
      %add3A_232 = arith.constant 0 : i32
      %add3A_233 = arith.addi %add3A_232, %mul3A_231 : i32
      %mul3A_234 = arith.constant 16 : i32
      %mul3A_235 = arith.muli %add3A_233, %mul3A_234 : i32
      %get3A_236 = arith.index_cast %mul3A_235 : i32 to index
      %get3A_237 = tpu.vector_load %arg14[%get3A_236] {strides = array<i32>} : memref<208xi32, #tpu.memory_space<vmem>>, vector<16xi32>,
      %lt3A_238 = arith.constant 200 : i32
      %lt3A_239 = vector.broadcast %lt3A_238 : i32 to vector<16xi32>
      %lt3A_240 = arith.cmpi slt, %get3A_237, %lt3A_239 : vector<16xi32>
      %mul3A_241 = arith.constant 53 : i32
      %mul3A_242 = vector.broadcast %mul3A_241 : i32 to vector<16xi32>
      %mul3A_243 = arith.muli %get3A_237, %mul3A_242 : vector<16xi32>
      %mul3A_244 = arith.constant 16 : i32
      %mul3A_245 = arith.muli %add3A_233, %mul3A_244 : i32
      %get3A_246 = arith.index_cast %mul3A_245 : i32 to index
      %get3A_247 = tpu.vector_load %arg11[%get3A_246] {strides = array<i32>} : memref<224xf32, #tpu.memory_space<vmem>>, vector<16xf32>,
      tpu.vector_store_idx %arg15[%mul3A_243], %get3A_247 masked %lt3A_240 : memref<10600xf32, #tpu.memory_space<vmem>>[vector<16xi32>], vector<16xf32>, vector<16xi1>
      %mul3A_248 = arith.constant 16 : i32
      %mul3A_249 = arith.muli %add3A_233, %mul3A_248 : i32
      %add3A_250 = arith.constant 10816 : i32
      %add3A_251 = arith.addi %add3A_250, %mul3A_249 : i32
      %get3A_252 = arith.index_cast %add3A_251 : i32 to index
      %get3A_253 = tpu.vector_load %arg10[%get3A_252] {strides = array<i32>} : memref<12064xf32, #tpu.memory_space<vmem>>, vector<16xf32>,
      %mul3A_254 = arith.constant 16 : i32
      %mul3A_255 = arith.muli %add3A_233, %mul3A_254 : i32
      %add3A_256 = arith.constant 11024 : i32
      %add3A_257 = arith.addi %add3A_256, %mul3A_255 : i32
      %get3A_258 = arith.index_cast %add3A_257 : i32 to index
      %get3A_259 = tpu.vector_load %arg10[%get3A_258] {strides = array<i32>} : memref<12064xf32, #tpu.memory_space<vmem>>, vector<16xf32>,
      %mul3A_260 = arith.constant 16 : i32
      %mul3A_261 = arith.muli %add3A_233, %mul3A_260 : i32
      %add3A_262 = arith.constant 11232 : i32
      %add3A_263 = arith.addi %add3A_262, %mul3A_261 : i32
      %get3A_264 = arith.index_cast %add3A_263 : i32 to index
      %get3A_265 = tpu.vector_load %arg10[%get3A_264] {strides = array<i32>} : memref<12064xf32, #tpu.memory_space<vmem>>, vector<16xf32>,
      %mul3A_266 = arith.constant 16 : i32
      %mul3A_267 = arith.muli %add3A_233, %mul3A_266 : i32
      %add3A_268 = arith.constant 11440 : i32
      %add3A_269 = arith.addi %add3A_268, %mul3A_267 : i32
      %get3A_270 = arith.index_cast %add3A_269 : i32 to index
      %get3A_271 = tpu.vector_load %arg10[%get3A_270] {strides = array<i32>} : memref<12064xf32, #tpu.memory_space<vmem>>, vector<16xf32>,
      %mul3A_272 = arith.constant 16 : i32
      %mul3A_273 = arith.muli %add3A_233, %mul3A_272 : i32
      %add3A_274 = arith.constant 11648 : i32
      %add3A_275 = arith.addi %add3A_274, %mul3A_273 : i32
      %get3A_276 = arith.index_cast %add3A_275 : i32 to index
      %get3A_277 = tpu.vector_load %arg10[%get3A_276] {strides = array<i32>} : memref<12064xf32, #tpu.memory_space<vmem>>, vector<16xf32>,
      %mul3A_278 = arith.constant 16 : i32
      %mul3A_279 = arith.muli %add3A_233, %mul3A_278 : i32
      %add3A_280 = arith.constant 11856 : i32
      %add3A_281 = arith.addi %add3A_280, %mul3A_279 : i32
      %get3A_282 = arith.index_cast %add3A_281 : i32 to index
      %get3A_283 = tpu.vector_load %arg10[%get3A_282] {strides = array<i32>} : memref<12064xf32, #tpu.memory_space<vmem>>, vector<16xf32>,
      %mul3A_284 = arith.constant 16 : i32
      %mul3A_285 = arith.muli %add3A_233, %mul3A_284 : i32
      %add3A_286 = arith.constant 0 : i32
      %add3A_287 = arith.addi %add3A_286, %mul3A_285 : i32
      %get3A_288 = arith.index_cast %add3A_287 : i32 to index
      %get3A_289 = tpu.vector_load %arg10[%get3A_288] {strides = array<i32>} : memref<12064xf32, #tpu.memory_space<vmem>>, vector<16xf32>,
      %mul3A_290 = arith.mulf %get3A_289, %get3A_265 : vector<16xf32>
      %mul3A_291 = arith.mulf %mul3A_290, %get3A_277 : vector<16xf32>
      %add3A_292 = arith.addf %mul3A_291, %get3A_253 : vector<16xf32>
      %mul3A_293 = arith.constant 5.120000e+02 : f32
      %mul3A_294 = vector.broadcast %mul3A_293 : f32 to vector<16xf32>
      %mul3A_295 = arith.mulf %add3A_292, %mul3A_294 : vector<16xf32>
      %add3A_296 = arith.constant 1 : i32
      %add3A_297 = vector.broadcast %add3A_296 : i32 to vector<16xi32>
      %add3A_298 = arith.addi %mul3A_243, %add3A_297 : vector<16xi32>
      tpu.vector_store_idx %arg15[%add3A_298], %mul3A_295 masked %lt3A_240 : memref<10600xf32, #tpu.memory_space<vmem>>[vector<16xi32>], vector<16xf32>, vector<16xi1>
      %mul3A_299 = arith.constant 16 : i32
      %mul3A_300 = arith.muli %add3A_233, %mul3A_299 : i32
      %add3A_301 = arith.constant 208 : i32
      %add3A_302 = arith.addi %add3A_301, %mul3A_300 : i32
      %get3A_303 = arith.index_cast %add3A_302 : i32 to index
      %get3A_304 = tpu.vector_load %arg10[%get3A_303] {strides = array<i32>} : memref<12064xf32, #tpu.memory_space<vmem>>, vector<16xf32>,
      %mul3A_305 = arith.mulf %get3A_304, %get3A_271 : vector<16xf32>
      %mul3A_306 = arith.mulf %mul3A_305, %get3A_283 : vector<16xf32>
      %add3A_307 = arith.addf %mul3A_306, %get3A_259 : vector<16xf32>
      %mul3A_308 = arith.constant 5.120000e+02 : f32
      %mul3A_309 = vector.broadcast %mul3A_308 : f32 to vector<16xf32>
      %mul3A_310 = arith.mulf %add3A_307, %mul3A_309 : vector<16xf32>
      %add3A_311 = arith.constant 2 : i32
      %add3A_312 = vector.broadcast %add3A_311 : i32 to vector<16xi32>
      %add3A_313 = arith.addi %mul3A_243, %add3A_312 : vector<16xi32>
      tpu.vector_store_idx %arg15[%add3A_313], %mul3A_310 masked %lt3A_240 : memref<10600xf32, #tpu.memory_space<vmem>>[vector<16xi32>], vector<16xf32>, vector<16xi1>
      %mul3A_314 = arith.constant 16 : i32
      %mul3A_315 = arith.muli %add3A_233, %mul3A_314 : i32
      %add3A_316 = arith.constant 416 : i32
      %add3A_317 = arith.addi %add3A_316, %mul3A_315 : i32
      %get3A_318 = arith.index_cast %add3A_317 : i32 to index
      %get3A_319 = tpu.vector_load %arg10[%get3A_318] {strides = array<i32>} : memref<12064xf32, #tpu.memory_space<vmem>>, vector<16xf32>,
      %mul3A_320 = arith.mulf %get3A_319, %get3A_265 : vector<16xf32>
      %mul3A_321 = arith.mulf %mul3A_320, %get3A_277 : vector<16xf32>
      %add3A_322 = arith.addf %mul3A_321, %get3A_253 : vector<16xf32>
      %mul3A_323 = arith.constant 5.120000e+02 : f32
      %mul3A_324 = vector.broadcast %mul3A_323 : f32 to vector<16xf32>
      %mul3A_325 = arith.mulf %add3A_322, %mul3A_324 : vector<16xf32>
      %add3A_326 = arith.constant 3 : i32
      %add3A_327 = vector.broadcast %add3A_326 : i32 to vector<16xi32>
      %add3A_328 = arith.addi %mul3A_243, %add3A_327 : vector<16xi32>
      tpu.vector_store_idx %arg15[%add3A_328], %mul3A_325 masked %lt3A_240 : memref<10600xf32, #tpu.memory_space<vmem>>[vector<16xi32>], vector<16xf32>, vector<16xi1>
      %mul3A_329 = arith.constant 16 : i32
      %mul3A_330 = arith.muli %add3A_233, %mul3A_329 : i32
      %add3A_331 = arith.constant 624 : i32
      %add3A_332 = arith.addi %add3A_331, %mul3A_330 : i32
      %get3A_333 = arith.index_cast %add3A_332 : i32 to index
      %get3A_334 = tpu.vector_load %arg10[%get3A_333] {strides = array<i32>} : memref<12064xf32, #tpu.memory_space<vmem>>, vector<16xf32>,
      %mul3A_335 = arith.mulf %get3A_334, %get3A_271 : vector<16xf32>
      %mul3A_336 = arith.mulf %mul3A_335, %get3A_283 : vector<16xf32>
      %add3A_337 = arith.addf %mul3A_336, %get3A_259 : vector<16xf32>
      %mul3A_338 = arith.constant 5.120000e+02 : f32
      %mul3A_339 = vector.broadcast %mul3A_338 : f32 to vector<16xf32>
      %mul3A_340 = arith.mulf %add3A_337, %mul3A_339 : vector<16xf32>
      %add3A_341 = arith.constant 4 : i32
      %add3A_342 = vector.broadcast %add3A_341 : i32 to vector<16xi32>
      %add3A_343 = arith.addi %mul3A_243, %add3A_342 : vector<16xi32>
      tpu.vector_store_idx %arg15[%add3A_343], %mul3A_340 masked %lt3A_240 : memref<10600xf32, #tpu.memory_space<vmem>>[vector<16xi32>], vector<16xf32>, vector<16xi1>
      %mul3A_344 = arith.constant 16 : i32
      %mul3A_345 = arith.muli %add3A_233, %mul3A_344 : i32
      %add3A_346 = arith.constant 832 : i32
      %add3A_347 = arith.addi %add3A_346, %mul3A_345 : i32
      %get3A_348 = arith.index_cast %add3A_347 : i32 to index
      %get3A_349 = tpu.vector_load %arg10[%get3A_348] {strides = array<i32>} : memref<12064xf32, #tpu.memory_space<vmem>>, vector<16xf32>,
      %mul3A_350 = arith.mulf %get3A_349, %get3A_265 : vector<16xf32>
      %mul3A_351 = arith.mulf %mul3A_350, %get3A_277 : vector<16xf32>
      %add3A_352 = arith.addf %mul3A_351, %get3A_253 : vector<16xf32>
      %mul3A_353 = arith.constant 5.120000e+02 : f32
      %mul3A_354 = vector.broadcast %mul3A_353 : f32 to vector<16xf32>
      %mul3A_355 = arith.mulf %add3A_352, %mul3A_354 : vector<16xf32>
      %add3A_356 = arith.constant 5 : i32
      %add3A_357 = vector.broadcast %add3A_356 : i32 to vector<16xi32>
      %add3A_358 = arith.addi %mul3A_243, %add3A_357 : vector<16xi32>
      tpu.vector_store_idx %arg15[%add3A_358], %mul3A_355 masked %lt3A_240 : memref<10600xf32, #tpu.memory_space<vmem>>[vector<16xi32>], vector<16xf32>, vector<16xi1>
      %mul3A_359 = arith.constant 16 : i32
      %mul3A_360 = arith.muli %add3A_233, %mul3A_359 : i32
      %add3A_361 = arith.constant 1040 : i32
      %add3A_362 = arith.addi %add3A_361, %mul3A_360 : i32
      %get3A_363 = arith.index_cast %add3A_362 : i32 to index
      %get3A_364 = tpu.vector_load %arg10[%get3A_363] {strides = array<i32>} : memref<12064xf32, #tpu.memory_space<vmem>>, vector<16xf32>,
      %mul3A_365 = arith.mulf %get3A_364, %get3A_271 : vector<16xf32>
      %mul3A_366 = arith.mulf %mul3A_365, %get3A_283 : vector<16xf32>
      %add3A_367 = arith.addf %mul3A_366, %get3A_259 : vector<16xf32>
      %mul3A_368 = arith.constant 5.120000e+02 : f32
      %mul3A_369 = vector.broadcast %mul3A_368 : f32 to vector<16xf32>
      %mul3A_370 = arith.mulf %add3A_367, %mul3A_369 : vector<16xf32>
      %add3A_371 = arith.constant 6 : i32
      %add3A_372 = vector.broadcast %add3A_371 : i32 to vector<16xi32>
      %add3A_373 = arith.addi %mul3A_243, %add3A_372 : vector<16xi32>
      tpu.vector_store_idx %arg15[%add3A_373], %mul3A_370 masked %lt3A_240 : memref<10600xf32, #tpu.memory_space<vmem>>[vector<16xi32>], vector<16xf32>, vector<16xi1>
      %mul3A_374 = arith.constant 16 : i32
      %mul3A_375 = arith.muli %add3A_233, %mul3A_374 : i32
      %add3A_376 = arith.constant 1248 : i32
      %add3A_377 = arith.addi %add3A_376, %mul3A_375 : i32
      %get3A_378 = arith.index_cast %add3A_377 : i32 to index
      %get3A_379 = tpu.vector_load %arg10[%get3A_378] {strides = array<i32>} : memref<12064xf32, #tpu.memory_space<vmem>>, vector<16xf32>,
      %mul3A_380 = arith.mulf %get3A_379, %get3A_265 : vector<16xf32>
      %mul3A_381 = arith.mulf %mul3A_380, %get3A_277 : vector<16xf32>
      %add3A_382 = arith.addf %mul3A_381, %get3A_253 : vector<16xf32>
      %mul3A_383 = arith.constant 5.120000e+02 : f32
      %mul3A_384 = vector.broadcast %mul3A_383 : f32 to vector<16xf32>
      %mul3A_385 = arith.mulf %add3A_382, %mul3A_384 : vector<16xf32>
      %add3A_386 = arith.constant 7 : i32
      %add3A_387 = vector.broadcast %add3A_386 : i32 to vector<16xi32>
      %add3A_388 = arith.addi %mul3A_243, %add3A_387 : vector<16xi32>
      tpu.vector_store_idx %arg15[%add3A_388], %mul3A_385 masked %lt3A_240 : memref<10600xf32, #tpu.memory_space<vmem>>[vector<16xi32>], vector<16xf32>, vector<16xi1>
      %mul3A_389 = arith.constant 16 : i32
      %mul3A_390 = arith.muli %add3A_233, %mul3A_389 : i32
      %add3A_391 = arith.constant 1456 : i32
      %add3A_392 = arith.addi %add3A_391, %mul3A_390 : i32
      %get3A_393 = arith.index_cast %add3A_392 : i32 to index
      %get3A_394 = tpu.vector_load %arg10[%get3A_393] {strides = array<i32>} : memref<12064xf32, #tpu.memory_space<vmem>>, vector<16xf32>,
      %mul3A_395 = arith.mulf %get3A_394, %get3A_271 : vector<16xf32>
      %mul3A_396 = arith.mulf %mul3A_395, %get3A_283 : vector<16xf32>
      %add3A_397 = arith.addf %mul3A_396, %get3A_259 : vector<16xf32>
      %mul3A_398 = arith.constant 5.120000e+02 : f32
      %mul3A_399 = vector.broadcast %mul3A_398 : f32 to vector<16xf32>
      %mul3A_400 = arith.mulf %add3A_397, %mul3A_399 : vector<16xf32>
      %add3A_401 = arith.constant 8 : i32
      %add3A_402 = vector.broadcast %add3A_401 : i32 to vector<16xi32>
      %add3A_403 = arith.addi %mul3A_243, %add3A_402 : vector<16xi32>
      tpu.vector_store_idx %arg15[%add3A_403], %mul3A_400 masked %lt3A_240 : memref<10600xf32, #tpu.memory_space<vmem>>[vector<16xi32>], vector<16xf32>, vector<16xi1>
      %mul3A_404 = arith.constant 16 : i32
      %mul3A_405 = arith.muli %add3A_233, %mul3A_404 : i32
      %add3A_406 = arith.constant 1664 : i32
      %add3A_407 = arith.addi %add3A_406, %mul3A_405 : i32
      %get3A_408 = arith.index_cast %add3A_407 : i32 to index
      %get3A_409 = tpu.vector_load %arg10[%get3A_408] {strides = array<i32>} : memref<12064xf32, #tpu.memory_space<vmem>>, vector<16xf32>,
      %mul3A_410 = arith.mulf %get3A_409, %get3A_265 : vector<16xf32>
      %mul3A_411 = arith.mulf %mul3A_410, %get3A_277 : vector<16xf32>
      %add3A_412 = arith.addf %mul3A_411, %get3A_253 : vector<16xf32>
      %mul3A_413 = arith.constant 5.120000e+02 : f32
      %mul3A_414 = vector.broadcast %mul3A_413 : f32 to vector<16xf32>
      %mul3A_415 = arith.mulf %add3A_412, %mul3A_414 : vector<16xf32>
      %add3A_416 = arith.constant 9 : i32
      %add3A_417 = vector.broadcast %add3A_416 : i32 to vector<16xi32>
      %add3A_418 = arith.addi %mul3A_243, %add3A_417 : vector<16xi32>
      tpu.vector_store_idx %arg15[%add3A_418], %mul3A_415 masked %lt3A_240 : memref<10600xf32, #tpu.memory_space<vmem>>[vector<16xi32>], vector<16xf32>, vector<16xi1>
      %mul3A_419 = arith.constant 16 : i32
      %mul3A_420 = arith.muli %add3A_233, %mul3A_419 : i32
      %add3A_421 = arith.constant 1872 : i32
      %add3A_422 = arith.addi %add3A_421, %mul3A_420 : i32
      %get3A_423 = arith.index_cast %add3A_422 : i32 to index
      %get3A_424 = tpu.vector_load %arg10[%get3A_423] {strides = array<i32>} : memref<12064xf32, #tpu.memory_space<vmem>>, vector<16xf32>,
      %mul3A_425 = arith.mulf %get3A_424, %get3A_271 : vector<16xf32>
      %mul3A_426 = arith.mulf %mul3A_425, %get3A_283 : vector<16xf32>
      %add3A_427 = arith.addf %mul3A_426, %get3A_259 : vector<16xf32>
      %mul3A_428 = arith.constant 5.120000e+02 : f32
      %mul3A_429 = vector.broadcast %mul3A_428 : f32 to vector<16xf32>
      %mul3A_430 = arith.mulf %add3A_427, %mul3A_429 : vector<16xf32>
      %add3A_431 = arith.constant 10 : i32
      %add3A_432 = vector.broadcast %add3A_431 : i32 to vector<16xi32>
      %add3A_433 = arith.addi %mul3A_243, %add3A_432 : vector<16xi32>
      tpu.vector_store_idx %arg15[%add3A_433], %mul3A_430 masked %lt3A_240 : memref<10600xf32, #tpu.memory_space<vmem>>[vector<16xi32>], vector<16xf32>, vector<16xi1>
      %mul3A_434 = arith.constant 16 : i32
      %mul3A_435 = arith.muli %add3A_233, %mul3A_434 : i32
      %add3A_436 = arith.constant 2080 : i32
      %add3A_437 = arith.addi %add3A_436, %mul3A_435 : i32
      %get3A_438 = arith.index_cast %add3A_437 : i32 to index
      %get3A_439 = tpu.vector_load %arg10[%get3A_438] {strides = array<i32>} : memref<12064xf32, #tpu.memory_space<vmem>>, vector<16xf32>,
      %mul3A_440 = arith.mulf %get3A_439, %get3A_265 : vector<16xf32>
      %mul3A_441 = arith.mulf %mul3A_440, %get3A_277 : vector<16xf32>
      %add3A_442 = arith.addf %mul3A_441, %get3A_253 : vector<16xf32>
      %mul3A_443 = arith.constant 5.120000e+02 : f32
      %mul3A_444 = vector.broadcast %mul3A_443 : f32 to vector<16xf32>
      %mul3A_445 = arith.mulf %add3A_442, %mul3A_444 : vector<16xf32>
      %add3A_446 = arith.constant 11 : i32
      %add3A_447 = vector.broadcast %add3A_446 : i32 to vector<16xi32>
      %add3A_448 = arith.addi %mul3A_243, %add3A_447 : vector<16xi32>
      tpu.vector_store_idx %arg15[%add3A_448], %mul3A_445 masked %lt3A_240 : memref<10600xf32, #tpu.memory_space<vmem>>[vector<16xi32>], vector<16xf32>, vector<16xi1>
      %mul3A_449 = arith.constant 16 : i32
      %mul3A_450 = arith.muli %add3A_233, %mul3A_449 : i32
      %add3A_451 = arith.constant 2288 : i32
      %add3A_452 = arith.addi %add3A_451, %mul3A_450 : i32
      %get3A_453 = arith.index_cast %add3A_452 : i32 to index
      %get3A_454 = tpu.vector_load %arg10[%get3A_453] {strides = array<i32>} : memref<12064xf32, #tpu.memory_space<vmem>>, vector<16xf32>,
      %mul3A_455 = arith.mulf %get3A_454, %get3A_271 : vector<16xf32>
      %mul3A_456 = arith.mulf %mul3A_455, %get3A_283 : vector<16xf32>
      %add3A_457 = arith.addf %mul3A_456, %get3A_259 : vector<16xf32>
      %mul3A_458 = arith.constant 5.120000e+02 : f32
      %mul3A_459 = vector.broadcast %mul3A_458 : f32 to vector<16xf32>
      %mul3A_460 = arith.mulf %add3A_457, %mul3A_459 : vector<16xf32>
      %add3A_461 = arith.constant 12 : i32
      %add3A_462 = vector.broadcast %add3A_461 : i32 to vector<16xi32>
      %add3A_463 = arith.addi %mul3A_243, %add3A_462 : vector<16xi32>
      tpu.vector_store_idx %arg15[%add3A_463], %mul3A_460 masked %lt3A_240 : memref<10600xf32, #tpu.memory_space<vmem>>[vector<16xi32>], vector<16xf32>, vector<16xi1>
      %mul3A_464 = arith.constant 16 : i32
      %mul3A_465 = arith.muli %add3A_233, %mul3A_464 : i32
      %add3A_466 = arith.constant 2496 : i32
      %add3A_467 = arith.addi %add3A_466, %mul3A_465 : i32
      %get3A_468 = arith.index_cast %add3A_467 : i32 to index
      %get3A_469 = tpu.vector_load %arg10[%get3A_468] {strides = array<i32>} : memref<12064xf32, #tpu.memory_space<vmem>>, vector<16xf32>,
      %mul3A_470 = arith.mulf %get3A_469, %get3A_265 : vector<16xf32>
      %mul3A_471 = arith.mulf %mul3A_470, %get3A_277 : vector<16xf32>
      %add3A_472 = arith.addf %mul3A_471, %get3A_253 : vector<16xf32>
      %mul3A_473 = arith.constant 5.120000e+02 : f32
      %mul3A_474 = vector.broadcast %mul3A_473 : f32 to vector<16xf32>
      %mul3A_475 = arith.mulf %add3A_472, %mul3A_474 : vector<16xf32>
      %add3A_476 = arith.constant 13 : i32
      %add3A_477 = vector.broadcast %add3A_476 : i32 to vector<16xi32>
      %add3A_478 = arith.addi %mul3A_243, %add3A_477 : vector<16xi32>
      tpu.vector_store_idx %arg15[%add3A_478], %mul3A_475 masked %lt3A_240 : memref<10600xf32, #tpu.memory_space<vmem>>[vector<16xi32>], vector<16xf32>, vector<16xi1>
      %mul3A_479 = arith.constant 16 : i32
      %mul3A_480 = arith.muli %add3A_233, %mul3A_479 : i32
      %add3A_481 = arith.constant 2704 : i32
      %add3A_482 = arith.addi %add3A_481, %mul3A_480 : i32
      %get3A_483 = arith.index_cast %add3A_482 : i32 to index
      %get3A_484 = tpu.vector_load %arg10[%get3A_483] {strides = array<i32>} : memref<12064xf32, #tpu.memory_space<vmem>>, vector<16xf32>,
      %mul3A_485 = arith.mulf %get3A_484, %get3A_271 : vector<16xf32>
      %mul3A_486 = arith.mulf %mul3A_485, %get3A_283 : vector<16xf32>
      %add3A_487 = arith.addf %mul3A_486, %get3A_259 : vector<16xf32>
      %mul3A_488 = arith.constant 5.120000e+02 : f32
      %mul3A_489 = vector.broadcast %mul3A_488 : f32 to vector<16xf32>
      %mul3A_490 = arith.mulf %add3A_487, %mul3A_489 : vector<16xf32>
      %add3A_491 = arith.constant 14 : i32
      %add3A_492 = vector.broadcast %add3A_491 : i32 to vector<16xi32>
      %add3A_493 = arith.addi %mul3A_243, %add3A_492 : vector<16xi32>
      tpu.vector_store_idx %arg15[%add3A_493], %mul3A_490 masked %lt3A_240 : memref<10600xf32, #tpu.memory_space<vmem>>[vector<16xi32>], vector<16xf32>, vector<16xi1>
      %mul3A_494 = arith.constant 16 : i32
      %mul3A_495 = arith.muli %add3A_233, %mul3A_494 : i32
      %add3A_496 = arith.constant 2912 : i32
      %add3A_497 = arith.addi %add3A_496, %mul3A_495 : i32
      %get3A_498 = arith.index_cast %add3A_497 : i32 to index
      %get3A_499 = tpu.vector_load %arg10[%get3A_498] {strides = array<i32>} : memref<12064xf32, #tpu.memory_space<vmem>>, vector<16xf32>,
      %mul3A_500 = arith.mulf %get3A_499, %get3A_265 : vector<16xf32>
      %mul3A_501 = arith.mulf %mul3A_500, %get3A_277 : vector<16xf32>
      %add3A_502 = arith.addf %mul3A_501, %get3A_253 : vector<16xf32>
      %mul3A_503 = arith.constant 5.120000e+02 : f32
      %mul3A_504 = vector.broadcast %mul3A_503 : f32 to vector<16xf32>
      %mul3A_505 = arith.mulf %add3A_502, %mul3A_504 : vector<16xf32>
      %add3A_506 = arith.constant 15 : i32
      %add3A_507 = vector.broadcast %add3A_506 : i32 to vector<16xi32>
      %add3A_508 = arith.addi %mul3A_243, %add3A_507 : vector<16xi32>
      tpu.vector_store_idx %arg15[%add3A_508], %mul3A_505 masked %lt3A_240 : memref<10600xf32, #tpu.memory_space<vmem>>[vector<16xi32>], vector<16xf32>, vector<16xi1>
      %mul3A_509 = arith.constant 16 : i32
      %mul3A_510 = arith.muli %add3A_233, %mul3A_509 : i32
      %add3A_511 = arith.constant 3120 : i32
      %add3A_512 = arith.addi %add3A_511, %mul3A_510 : i32
      %get3A_513 = arith.index_cast %add3A_512 : i32 to index
      %get3A_514 = tpu.vector_load %arg10[%get3A_513] {strides = array<i32>} : memref<12064xf32, #tpu.memory_space<vmem>>, vector<16xf32>,
      %mul3A_515 = arith.mulf %get3A_514, %get3A_271 : vector<16xf32>
      %mul3A_516 = arith.mulf %mul3A_515, %get3A_283 : vector<16xf32>
      %add3A_517 = arith.addf %mul3A_516, %get3A_259 : vector<16xf32>
      %mul3A_518 = arith.constant 5.120000e+02 : f32
      %mul3A_519 = vector.broadcast %mul3A_518 : f32 to vector<16xf32>
      %mul3A_520 = arith.mulf %add3A_517, %mul3A_519 : vector<16xf32>
      %add3A_521 = arith.constant 16 : i32
      %add3A_522 = vector.broadcast %add3A_521 : i32 to vector<16xi32>
      %add3A_523 = arith.addi %mul3A_243, %add3A_522 : vector<16xi32>
      tpu.vector_store_idx %arg15[%add3A_523], %mul3A_520 masked %lt3A_240 : memref<10600xf32, #tpu.memory_space<vmem>>[vector<16xi32>], vector<16xf32>, vector<16xi1>
      %mul3A_524 = arith.constant 16 : i32
      %mul3A_525 = arith.muli %add3A_233, %mul3A_524 : i32
      %add3A_526 = arith.constant 3328 : i32
      %add3A_527 = arith.addi %add3A_526, %mul3A_525 : i32
      %get3A_528 = arith.index_cast %add3A_527 : i32 to index
      %get3A_529 = tpu.vector_load %arg10[%get3A_528] {strides = array<i32>} : memref<12064xf32, #tpu.memory_space<vmem>>, vector<16xf32>,
      %mul3A_530 = arith.mulf %get3A_529, %get3A_265 : vector<16xf32>
      %mul3A_531 = arith.mulf %mul3A_530, %get3A_277 : vector<16xf32>
      %add3A_532 = arith.addf %mul3A_531, %get3A_253 : vector<16xf32>
      %mul3A_533 = arith.constant 5.120000e+02 : f32
      %mul3A_534 = vector.broadcast %mul3A_533 : f32 to vector<16xf32>
      %mul3A_535 = arith.mulf %add3A_532, %mul3A_534 : vector<16xf32>
      %add3A_536 = arith.constant 17 : i32
      %add3A_537 = vector.broadcast %add3A_536 : i32 to vector<16xi32>
      %add3A_538 = arith.addi %mul3A_243, %add3A_537 : vector<16xi32>
      tpu.vector_store_idx %arg15[%add3A_538], %mul3A_535 masked %lt3A_240 : memref<10600xf32, #tpu.memory_space<vmem>>[vector<16xi32>], vector<16xf32>, vector<16xi1>
      %mul3A_539 = arith.constant 16 : i32
      %mul3A_540 = arith.muli %add3A_233, %mul3A_539 : i32
      %add3A_541 = arith.constant 3536 : i32
      %add3A_542 = arith.addi %add3A_541, %mul3A_540 : i32
      %get3A_543 = arith.index_cast %add3A_542 : i32 to index
      %get3A_544 = tpu.vector_load %arg10[%get3A_543] {strides = array<i32>} : memref<12064xf32, #tpu.memory_space<vmem>>, vector<16xf32>,
      %mul3A_545 = arith.mulf %get3A_544, %get3A_271 : vector<16xf32>
      %mul3A_546 = arith.mulf %mul3A_545, %get3A_283 : vector<16xf32>
      %add3A_547 = arith.addf %mul3A_546, %get3A_259 : vector<16xf32>
      %mul3A_548 = arith.constant 5.120000e+02 : f32
      %mul3A_549 = vector.broadcast %mul3A_548 : f32 to vector<16xf32>
      %mul3A_550 = arith.mulf %add3A_547, %mul3A_549 : vector<16xf32>
      %add3A_551 = arith.constant 18 : i32
      %add3A_552 = vector.broadcast %add3A_551 : i32 to vector<16xi32>
      %add3A_553 = arith.addi %mul3A_243, %add3A_552 : vector<16xi32>
      tpu.vector_store_idx %arg15[%add3A_553], %mul3A_550 masked %lt3A_240 : memref<10600xf32, #tpu.memory_space<vmem>>[vector<16xi32>], vector<16xf32>, vector<16xi1>
      %mul3A_554 = arith.constant 16 : i32
      %mul3A_555 = arith.muli %add3A_233, %mul3A_554 : i32
      %add3A_556 = arith.constant 3744 : i32
      %add3A_557 = arith.addi %add3A_556, %mul3A_555 : i32
      %get3A_558 = arith.index_cast %add3A_557 : i32 to index
      %get3A_559 = tpu.vector_load %arg10[%get3A_558] {strides = array<i32>} : memref<12064xf32, #tpu.memory_space<vmem>>, vector<16xf32>,
      %mul3A_560 = arith.mulf %get3A_559, %get3A_265 : vector<16xf32>
      %mul3A_561 = arith.mulf %mul3A_560, %get3A_277 : vector<16xf32>
      %add3A_562 = arith.addf %mul3A_561, %get3A_253 : vector<16xf32>
      %mul3A_563 = arith.constant 5.120000e+02 : f32
      %mul3A_564 = vector.broadcast %mul3A_563 : f32 to vector<16xf32>
      %mul3A_565 = arith.mulf %add3A_562, %mul3A_564 : vector<16xf32>
      %add3A_566 = arith.constant 19 : i32
      %add3A_567 = vector.broadcast %add3A_566 : i32 to vector<16xi32>
      %add3A_568 = arith.addi %mul3A_243, %add3A_567 : vector<16xi32>
      tpu.vector_store_idx %arg15[%add3A_568], %mul3A_565 masked %lt3A_240 : memref<10600xf32, #tpu.memory_space<vmem>>[vector<16xi32>], vector<16xf32>, vector<16xi1>
      %mul3A_569 = arith.constant 16 : i32
      %mul3A_570 = arith.muli %add3A_233, %mul3A_569 : i32
      %add3A_571 = arith.constant 3952 : i32
      %add3A_572 = arith.addi %add3A_571, %mul3A_570 : i32
      %get3A_573 = arith.index_cast %add3A_572 : i32 to index
      %get3A_574 = tpu.vector_load %arg10[%get3A_573] {strides = array<i32>} : memref<12064xf32, #tpu.memory_space<vmem>>, vector<16xf32>,
      %mul3A_575 = arith.mulf %get3A_574, %get3A_271 : vector<16xf32>
      %mul3A_576 = arith.mulf %mul3A_575, %get3A_283 : vector<16xf32>
      %add3A_577 = arith.addf %mul3A_576, %get3A_259 : vector<16xf32>
      %mul3A_578 = arith.constant 5.120000e+02 : f32
      %mul3A_579 = vector.broadcast %mul3A_578 : f32 to vector<16xf32>
      %mul3A_580 = arith.mulf %add3A_577, %mul3A_579 : vector<16xf32>
      %add3A_581 = arith.constant 20 : i32
      %add3A_582 = vector.broadcast %add3A_581 : i32 to vector<16xi32>
      %add3A_583 = arith.addi %mul3A_243, %add3A_582 : vector<16xi32>
      tpu.vector_store_idx %arg15[%add3A_583], %mul3A_580 masked %lt3A_240 : memref<10600xf32, #tpu.memory_space<vmem>>[vector<16xi32>], vector<16xf32>, vector<16xi1>
      %mul3A_584 = arith.constant 16 : i32
      %mul3A_585 = arith.muli %add3A_233, %mul3A_584 : i32
      %add3A_586 = arith.constant 4160 : i32
      %add3A_587 = arith.addi %add3A_586, %mul3A_585 : i32
      %get3A_588 = arith.index_cast %add3A_587 : i32 to index
      %get3A_589 = tpu.vector_load %arg10[%get3A_588] {strides = array<i32>} : memref<12064xf32, #tpu.memory_space<vmem>>, vector<16xf32>,
      %mul3A_590 = arith.mulf %get3A_589, %get3A_265 : vector<16xf32>
      %mul3A_591 = arith.mulf %mul3A_590, %get3A_277 : vector<16xf32>
      %add3A_592 = arith.addf %mul3A_591, %get3A_253 : vector<16xf32>
      %mul3A_593 = arith.constant 5.120000e+02 : f32
      %mul3A_594 = vector.broadcast %mul3A_593 : f32 to vector<16xf32>
      %mul3A_595 = arith.mulf %add3A_592, %mul3A_594 : vector<16xf32>
      %add3A_596 = arith.constant 21 : i32
      %add3A_597 = vector.broadcast %add3A_596 : i32 to vector<16xi32>
      %add3A_598 = arith.addi %mul3A_243, %add3A_597 : vector<16xi32>
      tpu.vector_store_idx %arg15[%add3A_598], %mul3A_595 masked %lt3A_240 : memref<10600xf32, #tpu.memory_space<vmem>>[vector<16xi32>], vector<16xf32>, vector<16xi1>
      %mul3A_599 = arith.constant 16 : i32
      %mul3A_600 = arith.muli %add3A_233, %mul3A_599 : i32
      %add3A_601 = arith.constant 4368 : i32
      %add3A_602 = arith.addi %add3A_601, %mul3A_600 : i32
      %get3A_603 = arith.index_cast %add3A_602 : i32 to index
      %get3A_604 = tpu.vector_load %arg10[%get3A_603] {strides = array<i32>} : memref<12064xf32, #tpu.memory_space<vmem>>, vector<16xf32>,
      %mul3A_605 = arith.mulf %get3A_604, %get3A_271 : vector<16xf32>
      %mul3A_606 = arith.mulf %mul3A_605, %get3A_283 : vector<16xf32>
      %add3A_607 = arith.addf %mul3A_606, %get3A_259 : vector<16xf32>
      %mul3A_608 = arith.constant 5.120000e+02 : f32
      %mul3A_609 = vector.broadcast %mul3A_608 : f32 to vector<16xf32>
      %mul3A_610 = arith.mulf %add3A_607, %mul3A_609 : vector<16xf32>
      %add3A_611 = arith.constant 22 : i32
      %add3A_612 = vector.broadcast %add3A_611 : i32 to vector<16xi32>
      %add3A_613 = arith.addi %mul3A_243, %add3A_612 : vector<16xi32>
      tpu.vector_store_idx %arg15[%add3A_613], %mul3A_610 masked %lt3A_240 : memref<10600xf32, #tpu.memory_space<vmem>>[vector<16xi32>], vector<16xf32>, vector<16xi1>
      %mul3A_614 = arith.constant 16 : i32
      %mul3A_615 = arith.muli %add3A_233, %mul3A_614 : i32
      %add3A_616 = arith.constant 4576 : i32
      %add3A_617 = arith.addi %add3A_616, %mul3A_615 : i32
      %get3A_618 = arith.index_cast %add3A_617 : i32 to index
      %get3A_619 = tpu.vector_load %arg10[%get3A_618] {strides = array<i32>} : memref<12064xf32, #tpu.memory_space<vmem>>, vector<16xf32>,
      %mul3A_620 = arith.mulf %get3A_619, %get3A_265 : vector<16xf32>
      %mul3A_621 = arith.mulf %mul3A_620, %get3A_277 : vector<16xf32>
      %add3A_622 = arith.addf %mul3A_621, %get3A_253 : vector<16xf32>
      %mul3A_623 = arith.constant 5.120000e+02 : f32
      %mul3A_624 = vector.broadcast %mul3A_623 : f32 to vector<16xf32>
      %mul3A_625 = arith.mulf %add3A_622, %mul3A_624 : vector<16xf32>
      %add3A_626 = arith.constant 23 : i32
      %add3A_627 = vector.broadcast %add3A_626 : i32 to vector<16xi32>
      %add3A_628 = arith.addi %mul3A_243, %add3A_627 : vector<16xi32>
      tpu.vector_store_idx %arg15[%add3A_628], %mul3A_625 masked %lt3A_240 : memref<10600xf32, #tpu.memory_space<vmem>>[vector<16xi32>], vector<16xf32>, vector<16xi1>
      %mul3A_629 = arith.constant 16 : i32
      %mul3A_630 = arith.muli %add3A_233, %mul3A_629 : i32
      %add3A_631 = arith.constant 4784 : i32
      %add3A_632 = arith.addi %add3A_631, %mul3A_630 : i32
      %get3A_633 = arith.index_cast %add3A_632 : i32 to index
      %get3A_634 = tpu.vector_load %arg10[%get3A_633] {strides = array<i32>} : memref<12064xf32, #tpu.memory_space<vmem>>, vector<16xf32>,
      %mul3A_635 = arith.mulf %get3A_634, %get3A_271 : vector<16xf32>
      %mul3A_636 = arith.mulf %mul3A_635, %get3A_283 : vector<16xf32>
      %add3A_637 = arith.addf %mul3A_636, %get3A_259 : vector<16xf32>
      %mul3A_638 = arith.constant 5.120000e+02 : f32
      %mul3A_639 = vector.broadcast %mul3A_638 : f32 to vector<16xf32>
      %mul3A_640 = arith.mulf %add3A_637, %mul3A_639 : vector<16xf32>
      %add3A_641 = arith.constant 24 : i32
      %add3A_642 = vector.broadcast %add3A_641 : i32 to vector<16xi32>
      %add3A_643 = arith.addi %mul3A_243, %add3A_642 : vector<16xi32>
      tpu.vector_store_idx %arg15[%add3A_643], %mul3A_640 masked %lt3A_240 : memref<10600xf32, #tpu.memory_space<vmem>>[vector<16xi32>], vector<16xf32>, vector<16xi1>
      %mul3A_644 = arith.constant 16 : i32
      %mul3A_645 = arith.muli %add3A_233, %mul3A_644 : i32
      %add3A_646 = arith.constant 4992 : i32
      %add3A_647 = arith.addi %add3A_646, %mul3A_645 : i32
      %get3A_648 = arith.index_cast %add3A_647 : i32 to index
      %get3A_649 = tpu.vector_load %arg10[%get3A_648] {strides = array<i32>} : memref<12064xf32, #tpu.memory_space<vmem>>, vector<16xf32>,
      %mul3A_650 = arith.mulf %get3A_649, %get3A_265 : vector<16xf32>
      %mul3A_651 = arith.mulf %mul3A_650, %get3A_277 : vector<16xf32>
      %add3A_652 = arith.addf %mul3A_651, %get3A_253 : vector<16xf32>
      %mul3A_653 = arith.constant 5.120000e+02 : f32
      %mul3A_654 = vector.broadcast %mul3A_653 : f32 to vector<16xf32>
      %mul3A_655 = arith.mulf %add3A_652, %mul3A_654 : vector<16xf32>
      %add3A_656 = arith.constant 25 : i32
      %add3A_657 = vector.broadcast %add3A_656 : i32 to vector<16xi32>
      %add3A_658 = arith.addi %mul3A_243, %add3A_657 : vector<16xi32>
      tpu.vector_store_idx %arg15[%add3A_658], %mul3A_655 masked %lt3A_240 : memref<10600xf32, #tpu.memory_space<vmem>>[vector<16xi32>], vector<16xf32>, vector<16xi1>
      %mul3A_659 = arith.constant 16 : i32
      %mul3A_660 = arith.muli %add3A_233, %mul3A_659 : i32
      %add3A_661 = arith.constant 5200 : i32
      %add3A_662 = arith.addi %add3A_661, %mul3A_660 : i32
      %get3A_663 = arith.index_cast %add3A_662 : i32 to index
      %get3A_664 = tpu.vector_load %arg10[%get3A_663] {strides = array<i32>} : memref<12064xf32, #tpu.memory_space<vmem>>, vector<16xf32>,
      %mul3A_665 = arith.mulf %get3A_664, %get3A_271 : vector<16xf32>
      %mul3A_666 = arith.mulf %mul3A_665, %get3A_283 : vector<16xf32>
      %add3A_667 = arith.addf %mul3A_666, %get3A_259 : vector<16xf32>
      %mul3A_668 = arith.constant 5.120000e+02 : f32
      %mul3A_669 = vector.broadcast %mul3A_668 : f32 to vector<16xf32>
      %mul3A_670 = arith.mulf %add3A_667, %mul3A_669 : vector<16xf32>
      %add3A_671 = arith.constant 26 : i32
      %add3A_672 = vector.broadcast %add3A_671 : i32 to vector<16xi32>
      %add3A_673 = arith.addi %mul3A_243, %add3A_672 : vector<16xi32>
      tpu.vector_store_idx %arg15[%add3A_673], %mul3A_670 masked %lt3A_240 : memref<10600xf32, #tpu.memory_space<vmem>>[vector<16xi32>], vector<16xf32>, vector<16xi1>
      %mul3A_674 = arith.constant 16 : i32
      %mul3A_675 = arith.muli %add3A_233, %mul3A_674 : i32
      %add3A_676 = arith.constant 5408 : i32
      %add3A_677 = arith.addi %add3A_676, %mul3A_675 : i32
      %get3A_678 = arith.index_cast %add3A_677 : i32 to index
      %get3A_679 = tpu.vector_load %arg10[%get3A_678] {strides = array<i32>} : memref<12064xf32, #tpu.memory_space<vmem>>, vector<16xf32>,
      %mul3A_680 = arith.mulf %get3A_679, %get3A_265 : vector<16xf32>
      %mul3A_681 = arith.mulf %mul3A_680, %get3A_277 : vector<16xf32>
      %add3A_682 = arith.addf %mul3A_681, %get3A_253 : vector<16xf32>
      %mul3A_683 = arith.constant 5.120000e+02 : f32
      %mul3A_684 = vector.broadcast %mul3A_683 : f32 to vector<16xf32>
      %mul3A_685 = arith.mulf %add3A_682, %mul3A_684 : vector<16xf32>
      %add3A_686 = arith.constant 27 : i32
      %add3A_687 = vector.broadcast %add3A_686 : i32 to vector<16xi32>
      %add3A_688 = arith.addi %mul3A_243, %add3A_687 : vector<16xi32>
      tpu.vector_store_idx %arg15[%add3A_688], %mul3A_685 masked %lt3A_240 : memref<10600xf32, #tpu.memory_space<vmem>>[vector<16xi32>], vector<16xf32>, vector<16xi1>
      %mul3A_689 = arith.constant 16 : i32
      %mul3A_690 = arith.muli %add3A_233, %mul3A_689 : i32
      %add3A_691 = arith.constant 5616 : i32
      %add3A_692 = arith.addi %add3A_691, %mul3A_690 : i32
      %get3A_693 = arith.index_cast %add3A_692 : i32 to index
      %get3A_694 = tpu.vector_load %arg10[%get3A_693] {strides = array<i32>} : memref<12064xf32, #tpu.memory_space<vmem>>, vector<16xf32>,
      %mul3A_695 = arith.mulf %get3A_694, %get3A_271 : vector<16xf32>
      %mul3A_696 = arith.mulf %mul3A_695, %get3A_283 : vector<16xf32>
      %add3A_697 = arith.addf %mul3A_696, %get3A_259 : vector<16xf32>
      %mul3A_698 = arith.constant 5.120000e+02 : f32
      %mul3A_699 = vector.broadcast %mul3A_698 : f32 to vector<16xf32>
      %mul3A_700 = arith.mulf %add3A_697, %mul3A_699 : vector<16xf32>
      %add3A_701 = arith.constant 28 : i32
      %add3A_702 = vector.broadcast %add3A_701 : i32 to vector<16xi32>
      %add3A_703 = arith.addi %mul3A_243, %add3A_702 : vector<16xi32>
      tpu.vector_store_idx %arg15[%add3A_703], %mul3A_700 masked %lt3A_240 : memref<10600xf32, #tpu.memory_space<vmem>>[vector<16xi32>], vector<16xf32>, vector<16xi1>
      %mul3A_704 = arith.constant 16 : i32
      %mul3A_705 = arith.muli %add3A_233, %mul3A_704 : i32
      %add3A_706 = arith.constant 5824 : i32
      %add3A_707 = arith.addi %add3A_706, %mul3A_705 : i32
      %get3A_708 = arith.index_cast %add3A_707 : i32 to index
      %get3A_709 = tpu.vector_load %arg10[%get3A_708] {strides = array<i32>} : memref<12064xf32, #tpu.memory_space<vmem>>, vector<16xf32>,
      %mul3A_710 = arith.mulf %get3A_709, %get3A_265 : vector<16xf32>
      %mul3A_711 = arith.mulf %mul3A_710, %get3A_277 : vector<16xf32>
      %add3A_712 = arith.addf %mul3A_711, %get3A_253 : vector<16xf32>
      %mul3A_713 = arith.constant 5.120000e+02 : f32
      %mul3A_714 = vector.broadcast %mul3A_713 : f32 to vector<16xf32>
      %mul3A_715 = arith.mulf %add3A_712, %mul3A_714 : vector<16xf32>
      %add3A_716 = arith.constant 29 : i32
      %add3A_717 = vector.broadcast %add3A_716 : i32 to vector<16xi32>
      %add3A_718 = arith.addi %mul3A_243, %add3A_717 : vector<16xi32>
      tpu.vector_store_idx %arg15[%add3A_718], %mul3A_715 masked %lt3A_240 : memref<10600xf32, #tpu.memory_space<vmem>>[vector<16xi32>], vector<16xf32>, vector<16xi1>
      %mul3A_719 = arith.constant 16 : i32
      %mul3A_720 = arith.muli %add3A_233, %mul3A_719 : i32
      %add3A_721 = arith.constant 6032 : i32
      %add3A_722 = arith.addi %add3A_721, %mul3A_720 : i32
      %get3A_723 = arith.index_cast %add3A_722 : i32 to index
      %get3A_724 = tpu.vector_load %arg10[%get3A_723] {strides = array<i32>} : memref<12064xf32, #tpu.memory_space<vmem>>, vector<16xf32>,
      %mul3A_725 = arith.mulf %get3A_724, %get3A_271 : vector<16xf32>
      %mul3A_726 = arith.mulf %mul3A_725, %get3A_283 : vector<16xf32>
      %add3A_727 = arith.addf %mul3A_726, %get3A_259 : vector<16xf32>
      %mul3A_728 = arith.constant 5.120000e+02 : f32
      %mul3A_729 = vector.broadcast %mul3A_728 : f32 to vector<16xf32>
      %mul3A_730 = arith.mulf %add3A_727, %mul3A_729 : vector<16xf32>
      %add3A_731 = arith.constant 30 : i32
      %add3A_732 = vector.broadcast %add3A_731 : i32 to vector<16xi32>
      %add3A_733 = arith.addi %mul3A_243, %add3A_732 : vector<16xi32>
      tpu.vector_store_idx %arg15[%add3A_733], %mul3A_730 masked %lt3A_240 : memref<10600xf32, #tpu.memory_space<vmem>>[vector<16xi32>], vector<16xf32>, vector<16xi1>
      %mul3A_734 = arith.constant 16 : i32
      %mul3A_735 = arith.muli %add3A_233, %mul3A_734 : i32
      %add3A_736 = arith.constant 6240 : i32
      %add3A_737 = arith.addi %add3A_736, %mul3A_735 : i32
      %get3A_738 = arith.index_cast %add3A_737 : i32 to index
      %get3A_739 = tpu.vector_load %arg10[%get3A_738] {strides = array<i32>} : memref<12064xf32, #tpu.memory_space<vmem>>, vector<16xf32>,
      %mul3A_740 = arith.mulf %get3A_739, %get3A_265 : vector<16xf32>
      %mul3A_741 = arith.mulf %mul3A_740, %get3A_277 : vector<16xf32>
      %add3A_742 = arith.addf %mul3A_741, %get3A_253 : vector<16xf32>
      %mul3A_743 = arith.constant 5.120000e+02 : f32
      %mul3A_744 = vector.broadcast %mul3A_743 : f32 to vector<16xf32>
      %mul3A_745 = arith.mulf %add3A_742, %mul3A_744 : vector<16xf32>
      %add3A_746 = arith.constant 31 : i32
      %add3A_747 = vector.broadcast %add3A_746 : i32 to vector<16xi32>
      %add3A_748 = arith.addi %mul3A_243, %add3A_747 : vector<16xi32>
      tpu.vector_store_idx %arg15[%add3A_748], %mul3A_745 masked %lt3A_240 : memref<10600xf32, #tpu.memory_space<vmem>>[vector<16xi32>], vector<16xf32>, vector<16xi1>
      %mul3A_749 = arith.constant 16 : i32
      %mul3A_750 = arith.muli %add3A_233, %mul3A_749 : i32
      %add3A_751 = arith.constant 6448 : i32
      %add3A_752 = arith.addi %add3A_751, %mul3A_750 : i32
      %get3A_753 = arith.index_cast %add3A_752 : i32 to index
      %get3A_754 = tpu.vector_load %arg10[%get3A_753] {strides = array<i32>} : memref<12064xf32, #tpu.memory_space<vmem>>, vector<16xf32>,
      %mul3A_755 = arith.mulf %get3A_754, %get3A_271 : vector<16xf32>
      %mul3A_756 = arith.mulf %mul3A_755, %get3A_283 : vector<16xf32>
      %add3A_757 = arith.addf %mul3A_756, %get3A_259 : vector<16xf32>
      %mul3A_758 = arith.constant 5.120000e+02 : f32
      %mul3A_759 = vector.broadcast %mul3A_758 : f32 to vector<16xf32>
      %mul3A_760 = arith.mulf %add3A_757, %mul3A_759 : vector<16xf32>
      %add3A_761 = arith.constant 32 : i32
      %add3A_762 = vector.broadcast %add3A_761 : i32 to vector<16xi32>
      %add3A_763 = arith.addi %mul3A_243, %add3A_762 : vector<16xi32>
      tpu.vector_store_idx %arg15[%add3A_763], %mul3A_760 masked %lt3A_240 : memref<10600xf32, #tpu.memory_space<vmem>>[vector<16xi32>], vector<16xf32>, vector<16xi1>
      %mul3A_764 = arith.constant 16 : i32
      %mul3A_765 = arith.muli %add3A_233, %mul3A_764 : i32
      %add3A_766 = arith.constant 6656 : i32
      %add3A_767 = arith.addi %add3A_766, %mul3A_765 : i32
      %get3A_768 = arith.index_cast %add3A_767 : i32 to index
      %get3A_769 = tpu.vector_load %arg10[%get3A_768] {strides = array<i32>} : memref<12064xf32, #tpu.memory_space<vmem>>, vector<16xf32>,
      %mul3A_770 = arith.mulf %get3A_769, %get3A_265 : vector<16xf32>
      %mul3A_771 = arith.mulf %mul3A_770, %get3A_277 : vector<16xf32>
      %add3A_772 = arith.addf %mul3A_771, %get3A_253 : vector<16xf32>
      %mul3A_773 = arith.constant 5.120000e+02 : f32
      %mul3A_774 = vector.broadcast %mul3A_773 : f32 to vector<16xf32>
      %mul3A_775 = arith.mulf %add3A_772, %mul3A_774 : vector<16xf32>
      %add3A_776 = arith.constant 33 : i32
      %add3A_777 = vector.broadcast %add3A_776 : i32 to vector<16xi32>
      %add3A_778 = arith.addi %mul3A_243, %add3A_777 : vector<16xi32>
      tpu.vector_store_idx %arg15[%add3A_778], %mul3A_775 masked %lt3A_240 : memref<10600xf32, #tpu.memory_space<vmem>>[vector<16xi32>], vector<16xf32>, vector<16xi1>
      %mul3A_779 = arith.constant 16 : i32
      %mul3A_780 = arith.muli %add3A_233, %mul3A_779 : i32
      %add3A_781 = arith.constant 6864 : i32
      %add3A_782 = arith.addi %add3A_781, %mul3A_780 : i32
      %get3A_783 = arith.index_cast %add3A_782 : i32 to index
      %get3A_784 = tpu.vector_load %arg10[%get3A_783] {strides = array<i32>} : memref<12064xf32, #tpu.memory_space<vmem>>, vector<16xf32>,
      %mul3A_785 = arith.mulf %get3A_784, %get3A_271 : vector<16xf32>
      %mul3A_786 = arith.mulf %mul3A_785, %get3A_283 : vector<16xf32>
      %add3A_787 = arith.addf %mul3A_786, %get3A_259 : vector<16xf32>
      %mul3A_788 = arith.constant 5.120000e+02 : f32
      %mul3A_789 = vector.broadcast %mul3A_788 : f32 to vector<16xf32>
      %mul3A_790 = arith.mulf %add3A_787, %mul3A_789 : vector<16xf32>
      %add3A_791 = arith.constant 34 : i32
      %add3A_792 = vector.broadcast %add3A_791 : i32 to vector<16xi32>
      %add3A_793 = arith.addi %mul3A_243, %add3A_792 : vector<16xi32>
      tpu.vector_store_idx %arg15[%add3A_793], %mul3A_790 masked %lt3A_240 : memref<10600xf32, #tpu.memory_space<vmem>>[vector<16xi32>], vector<16xf32>, vector<16xi1>
      %mul3A_794 = arith.constant 16 : i32
      %mul3A_795 = arith.muli %add3A_233, %mul3A_794 : i32
      %add3A_796 = arith.constant 7072 : i32
      %add3A_797 = arith.addi %add3A_796, %mul3A_795 : i32
      %get3A_798 = arith.index_cast %add3A_797 : i32 to index
      %get3A_799 = tpu.vector_load %arg10[%get3A_798] {strides = array<i32>} : memref<12064xf32, #tpu.memory_space<vmem>>, vector<16xf32>,
      %mul3A_800 = arith.mulf %get3A_799, %get3A_265 : vector<16xf32>
      %mul3A_801 = arith.mulf %mul3A_800, %get3A_277 : vector<16xf32>
      %add3A_802 = arith.addf %mul3A_801, %get3A_253 : vector<16xf32>
      %mul3A_803 = arith.constant 5.120000e+02 : f32
      %mul3A_804 = vector.broadcast %mul3A_803 : f32 to vector<16xf32>
      %mul3A_805 = arith.mulf %add3A_802, %mul3A_804 : vector<16xf32>
      %add3A_806 = arith.constant 35 : i32
      %add3A_807 = vector.broadcast %add3A_806 : i32 to vector<16xi32>
      %add3A_808 = arith.addi %mul3A_243, %add3A_807 : vector<16xi32>
      tpu.vector_store_idx %arg15[%add3A_808], %mul3A_805 masked %lt3A_240 : memref<10600xf32, #tpu.memory_space<vmem>>[vector<16xi32>], vector<16xf32>, vector<16xi1>
      %mul3A_809 = arith.constant 16 : i32
      %mul3A_810 = arith.muli %add3A_233, %mul3A_809 : i32
      %add3A_811 = arith.constant 7280 : i32
      %add3A_812 = arith.addi %add3A_811, %mul3A_810 : i32
      %get3A_813 = arith.index_cast %add3A_812 : i32 to index
      %get3A_814 = tpu.vector_load %arg10[%get3A_813] {strides = array<i32>} : memref<12064xf32, #tpu.memory_space<vmem>>, vector<16xf32>,
      %mul3A_815 = arith.mulf %get3A_814, %get3A_271 : vector<16xf32>
      %mul3A_816 = arith.mulf %mul3A_815, %get3A_283 : vector<16xf32>
      %add3A_817 = arith.addf %mul3A_816, %get3A_259 : vector<16xf32>
      %mul3A_818 = arith.constant 5.120000e+02 : f32
      %mul3A_819 = vector.broadcast %mul3A_818 : f32 to vector<16xf32>
      %mul3A_820 = arith.mulf %add3A_817, %mul3A_819 : vector<16xf32>
      %add3A_821 = arith.constant 36 : i32
      %add3A_822 = vector.broadcast %add3A_821 : i32 to vector<16xi32>
      %add3A_823 = arith.addi %mul3A_243, %add3A_822 : vector<16xi32>
      tpu.vector_store_idx %arg15[%add3A_823], %mul3A_820 masked %lt3A_240 : memref<10600xf32, #tpu.memory_space<vmem>>[vector<16xi32>], vector<16xf32>, vector<16xi1>
      %mul3A_824 = arith.constant 16 : i32
      %mul3A_825 = arith.muli %add3A_233, %mul3A_824 : i32
      %add3A_826 = arith.constant 7488 : i32
      %add3A_827 = arith.addi %add3A_826, %mul3A_825 : i32
      %get3A_828 = arith.index_cast %add3A_827 : i32 to index
      %get3A_829 = tpu.vector_load %arg10[%get3A_828] {strides = array<i32>} : memref<12064xf32, #tpu.memory_space<vmem>>, vector<16xf32>,
      %mul3A_830 = arith.mulf %get3A_829, %get3A_265 : vector<16xf32>
      %mul3A_831 = arith.mulf %mul3A_830, %get3A_277 : vector<16xf32>
      %add3A_832 = arith.addf %mul3A_831, %get3A_253 : vector<16xf32>
      %mul3A_833 = arith.constant 5.120000e+02 : f32
      %mul3A_834 = vector.broadcast %mul3A_833 : f32 to vector<16xf32>
      %mul3A_835 = arith.mulf %add3A_832, %mul3A_834 : vector<16xf32>
      %add3A_836 = arith.constant 37 : i32
      %add3A_837 = vector.broadcast %add3A_836 : i32 to vector<16xi32>
      %add3A_838 = arith.addi %mul3A_243, %add3A_837 : vector<16xi32>
      tpu.vector_store_idx %arg15[%add3A_838], %mul3A_835 masked %lt3A_240 : memref<10600xf32, #tpu.memory_space<vmem>>[vector<16xi32>], vector<16xf32>, vector<16xi1>
      %mul3A_839 = arith.constant 16 : i32
      %mul3A_840 = arith.muli %add3A_233, %mul3A_839 : i32
      %add3A_841 = arith.constant 7696 : i32
      %add3A_842 = arith.addi %add3A_841, %mul3A_840 : i32
      %get3A_843 = arith.index_cast %add3A_842 : i32 to index
      %get3A_844 = tpu.vector_load %arg10[%get3A_843] {strides = array<i32>} : memref<12064xf32, #tpu.memory_space<vmem>>, vector<16xf32>,
      %mul3A_845 = arith.mulf %get3A_844, %get3A_271 : vector<16xf32>
      %mul3A_846 = arith.mulf %mul3A_845, %get3A_283 : vector<16xf32>
      %add3A_847 = arith.addf %mul3A_846, %get3A_259 : vector<16xf32>
      %mul3A_848 = arith.constant 5.120000e+02 : f32
      %mul3A_849 = vector.broadcast %mul3A_848 : f32 to vector<16xf32>
      %mul3A_850 = arith.mulf %add3A_847, %mul3A_849 : vector<16xf32>
      %add3A_851 = arith.constant 38 : i32
      %add3A_852 = vector.broadcast %add3A_851 : i32 to vector<16xi32>
      %add3A_853 = arith.addi %mul3A_243, %add3A_852 : vector<16xi32>
      tpu.vector_store_idx %arg15[%add3A_853], %mul3A_850 masked %lt3A_240 : memref<10600xf32, #tpu.memory_space<vmem>>[vector<16xi32>], vector<16xf32>, vector<16xi1>
      %mul3A_854 = arith.constant 16 : i32
      %mul3A_855 = arith.muli %add3A_233, %mul3A_854 : i32
      %add3A_856 = arith.constant 7904 : i32
      %add3A_857 = arith.addi %add3A_856, %mul3A_855 : i32
      %get3A_858 = arith.index_cast %add3A_857 : i32 to index
      %get3A_859 = tpu.vector_load %arg10[%get3A_858] {strides = array<i32>} : memref<12064xf32, #tpu.memory_space<vmem>>, vector<16xf32>,
      %mul3A_860 = arith.mulf %get3A_859, %get3A_265 : vector<16xf32>
      %mul3A_861 = arith.mulf %mul3A_860, %get3A_277 : vector<16xf32>
      %add3A_862 = arith.addf %mul3A_861, %get3A_253 : vector<16xf32>
      %mul3A_863 = arith.constant 5.120000e+02 : f32
      %mul3A_864 = vector.broadcast %mul3A_863 : f32 to vector<16xf32>
      %mul3A_865 = arith.mulf %add3A_862, %mul3A_864 : vector<16xf32>
      %add3A_866 = arith.constant 39 : i32
      %add3A_867 = vector.broadcast %add3A_866 : i32 to vector<16xi32>
      %add3A_868 = arith.addi %mul3A_243, %add3A_867 : vector<16xi32>
      tpu.vector_store_idx %arg15[%add3A_868], %mul3A_865 masked %lt3A_240 : memref<10600xf32, #tpu.memory_space<vmem>>[vector<16xi32>], vector<16xf32>, vector<16xi1>
      %mul3A_869 = arith.constant 16 : i32
      %mul3A_870 = arith.muli %add3A_233, %mul3A_869 : i32
      %add3A_871 = arith.constant 8112 : i32
      %add3A_872 = arith.addi %add3A_871, %mul3A_870 : i32
      %get3A_873 = arith.index_cast %add3A_872 : i32 to index
      %get3A_874 = tpu.vector_load %arg10[%get3A_873] {strides = array<i32>} : memref<12064xf32, #tpu.memory_space<vmem>>, vector<16xf32>,
      %mul3A_875 = arith.mulf %get3A_874, %get3A_271 : vector<16xf32>
      %mul3A_876 = arith.mulf %mul3A_875, %get3A_283 : vector<16xf32>
      %add3A_877 = arith.addf %mul3A_876, %get3A_259 : vector<16xf32>
      %mul3A_878 = arith.constant 5.120000e+02 : f32
      %mul3A_879 = vector.broadcast %mul3A_878 : f32 to vector<16xf32>
      %mul3A_880 = arith.mulf %add3A_877, %mul3A_879 : vector<16xf32>
      %add3A_881 = arith.constant 40 : i32
      %add3A_882 = vector.broadcast %add3A_881 : i32 to vector<16xi32>
      %add3A_883 = arith.addi %mul3A_243, %add3A_882 : vector<16xi32>
      tpu.vector_store_idx %arg15[%add3A_883], %mul3A_880 masked %lt3A_240 : memref<10600xf32, #tpu.memory_space<vmem>>[vector<16xi32>], vector<16xf32>, vector<16xi1>
      %mul3A_884 = arith.constant 16 : i32
      %mul3A_885 = arith.muli %add3A_233, %mul3A_884 : i32
      %add3A_886 = arith.constant 8320 : i32
      %add3A_887 = arith.addi %add3A_886, %mul3A_885 : i32
      %get3A_888 = arith.index_cast %add3A_887 : i32 to index
      %get3A_889 = tpu.vector_load %arg10[%get3A_888] {strides = array<i32>} : memref<12064xf32, #tpu.memory_space<vmem>>, vector<16xf32>,
      %mul3A_890 = arith.mulf %get3A_889, %get3A_265 : vector<16xf32>
      %mul3A_891 = arith.mulf %mul3A_890, %get3A_277 : vector<16xf32>
      %add3A_892 = arith.addf %mul3A_891, %get3A_253 : vector<16xf32>
      %mul3A_893 = arith.constant 5.120000e+02 : f32
      %mul3A_894 = vector.broadcast %mul3A_893 : f32 to vector<16xf32>
      %mul3A_895 = arith.mulf %add3A_892, %mul3A_894 : vector<16xf32>
      %add3A_896 = arith.constant 41 : i32
      %add3A_897 = vector.broadcast %add3A_896 : i32 to vector<16xi32>
      %add3A_898 = arith.addi %mul3A_243, %add3A_897 : vector<16xi32>
      tpu.vector_store_idx %arg15[%add3A_898], %mul3A_895 masked %lt3A_240 : memref<10600xf32, #tpu.memory_space<vmem>>[vector<16xi32>], vector<16xf32>, vector<16xi1>
      %mul3A_899 = arith.constant 16 : i32
      %mul3A_900 = arith.muli %add3A_233, %mul3A_899 : i32
      %add3A_901 = arith.constant 8528 : i32
      %add3A_902 = arith.addi %add3A_901, %mul3A_900 : i32
      %get3A_903 = arith.index_cast %add3A_902 : i32 to index
      %get3A_904 = tpu.vector_load %arg10[%get3A_903] {strides = array<i32>} : memref<12064xf32, #tpu.memory_space<vmem>>, vector<16xf32>,
      %mul3A_905 = arith.mulf %get3A_904, %get3A_271 : vector<16xf32>
      %mul3A_906 = arith.mulf %mul3A_905, %get3A_283 : vector<16xf32>
      %add3A_907 = arith.addf %mul3A_906, %get3A_259 : vector<16xf32>
      %mul3A_908 = arith.constant 5.120000e+02 : f32
      %mul3A_909 = vector.broadcast %mul3A_908 : f32 to vector<16xf32>
      %mul3A_910 = arith.mulf %add3A_907, %mul3A_909 : vector<16xf32>
      %add3A_911 = arith.constant 42 : i32
      %add3A_912 = vector.broadcast %add3A_911 : i32 to vector<16xi32>
      %add3A_913 = arith.addi %mul3A_243, %add3A_912 : vector<16xi32>
      tpu.vector_store_idx %arg15[%add3A_913], %mul3A_910 masked %lt3A_240 : memref<10600xf32, #tpu.memory_space<vmem>>[vector<16xi32>], vector<16xf32>, vector<16xi1>
      %mul3A_914 = arith.constant 16 : i32
      %mul3A_915 = arith.muli %add3A_233, %mul3A_914 : i32
      %add3A_916 = arith.constant 8736 : i32
      %add3A_917 = arith.addi %add3A_916, %mul3A_915 : i32
      %get3A_918 = arith.index_cast %add3A_917 : i32 to index
      %get3A_919 = tpu.vector_load %arg10[%get3A_918] {strides = array<i32>} : memref<12064xf32, #tpu.memory_space<vmem>>, vector<16xf32>,
      %mul3A_920 = arith.mulf %get3A_919, %get3A_265 : vector<16xf32>
      %mul3A_921 = arith.mulf %mul3A_920, %get3A_277 : vector<16xf32>
      %add3A_922 = arith.addf %mul3A_921, %get3A_253 : vector<16xf32>
      %mul3A_923 = arith.constant 5.120000e+02 : f32
      %mul3A_924 = vector.broadcast %mul3A_923 : f32 to vector<16xf32>
      %mul3A_925 = arith.mulf %add3A_922, %mul3A_924 : vector<16xf32>
      %add3A_926 = arith.constant 43 : i32
      %add3A_927 = vector.broadcast %add3A_926 : i32 to vector<16xi32>
      %add3A_928 = arith.addi %mul3A_243, %add3A_927 : vector<16xi32>
      tpu.vector_store_idx %arg15[%add3A_928], %mul3A_925 masked %lt3A_240 : memref<10600xf32, #tpu.memory_space<vmem>>[vector<16xi32>], vector<16xf32>, vector<16xi1>
      %mul3A_929 = arith.constant 16 : i32
      %mul3A_930 = arith.muli %add3A_233, %mul3A_929 : i32
      %add3A_931 = arith.constant 8944 : i32
      %add3A_932 = arith.addi %add3A_931, %mul3A_930 : i32
      %get3A_933 = arith.index_cast %add3A_932 : i32 to index
      %get3A_934 = tpu.vector_load %arg10[%get3A_933] {strides = array<i32>} : memref<12064xf32, #tpu.memory_space<vmem>>, vector<16xf32>,
      %mul3A_935 = arith.mulf %get3A_934, %get3A_271 : vector<16xf32>
      %mul3A_936 = arith.mulf %mul3A_935, %get3A_283 : vector<16xf32>
      %add3A_937 = arith.addf %mul3A_936, %get3A_259 : vector<16xf32>
      %mul3A_938 = arith.constant 5.120000e+02 : f32
      %mul3A_939 = vector.broadcast %mul3A_938 : f32 to vector<16xf32>
      %mul3A_940 = arith.mulf %add3A_937, %mul3A_939 : vector<16xf32>
      %add3A_941 = arith.constant 44 : i32
      %add3A_942 = vector.broadcast %add3A_941 : i32 to vector<16xi32>
      %add3A_943 = arith.addi %mul3A_243, %add3A_942 : vector<16xi32>
      tpu.vector_store_idx %arg15[%add3A_943], %mul3A_940 masked %lt3A_240 : memref<10600xf32, #tpu.memory_space<vmem>>[vector<16xi32>], vector<16xf32>, vector<16xi1>
      %mul3A_944 = arith.constant 16 : i32
      %mul3A_945 = arith.muli %add3A_233, %mul3A_944 : i32
      %add3A_946 = arith.constant 9152 : i32
      %add3A_947 = arith.addi %add3A_946, %mul3A_945 : i32
      %get3A_948 = arith.index_cast %add3A_947 : i32 to index
      %get3A_949 = tpu.vector_load %arg10[%get3A_948] {strides = array<i32>} : memref<12064xf32, #tpu.memory_space<vmem>>, vector<16xf32>,
      %mul3A_950 = arith.mulf %get3A_949, %get3A_265 : vector<16xf32>
      %mul3A_951 = arith.mulf %mul3A_950, %get3A_277 : vector<16xf32>
      %add3A_952 = arith.addf %mul3A_951, %get3A_253 : vector<16xf32>
      %mul3A_953 = arith.constant 5.120000e+02 : f32
      %mul3A_954 = vector.broadcast %mul3A_953 : f32 to vector<16xf32>
      %mul3A_955 = arith.mulf %add3A_952, %mul3A_954 : vector<16xf32>
      %add3A_956 = arith.constant 45 : i32
      %add3A_957 = vector.broadcast %add3A_956 : i32 to vector<16xi32>
      %add3A_958 = arith.addi %mul3A_243, %add3A_957 : vector<16xi32>
      tpu.vector_store_idx %arg15[%add3A_958], %mul3A_955 masked %lt3A_240 : memref<10600xf32, #tpu.memory_space<vmem>>[vector<16xi32>], vector<16xf32>, vector<16xi1>
      %mul3A_959 = arith.constant 16 : i32
      %mul3A_960 = arith.muli %add3A_233, %mul3A_959 : i32
      %add3A_961 = arith.constant 9360 : i32
      %add3A_962 = arith.addi %add3A_961, %mul3A_960 : i32
      %get3A_963 = arith.index_cast %add3A_962 : i32 to index
      %get3A_964 = tpu.vector_load %arg10[%get3A_963] {strides = array<i32>} : memref<12064xf32, #tpu.memory_space<vmem>>, vector<16xf32>,
      %mul3A_965 = arith.mulf %get3A_964, %get3A_271 : vector<16xf32>
      %mul3A_966 = arith.mulf %mul3A_965, %get3A_283 : vector<16xf32>
      %add3A_967 = arith.addf %mul3A_966, %get3A_259 : vector<16xf32>
      %mul3A_968 = arith.constant 5.120000e+02 : f32
      %mul3A_969 = vector.broadcast %mul3A_968 : f32 to vector<16xf32>
      %mul3A_970 = arith.mulf %add3A_967, %mul3A_969 : vector<16xf32>
      %add3A_971 = arith.constant 46 : i32
      %add3A_972 = vector.broadcast %add3A_971 : i32 to vector<16xi32>
      %add3A_973 = arith.addi %mul3A_243, %add3A_972 : vector<16xi32>
      tpu.vector_store_idx %arg15[%add3A_973], %mul3A_970 masked %lt3A_240 : memref<10600xf32, #tpu.memory_space<vmem>>[vector<16xi32>], vector<16xf32>, vector<16xi1>
      %mul3A_974 = arith.constant 16 : i32
      %mul3A_975 = arith.muli %add3A_233, %mul3A_974 : i32
      %add3A_976 = arith.constant 9568 : i32
      %add3A_977 = arith.addi %add3A_976, %mul3A_975 : i32
      %get3A_978 = arith.index_cast %add3A_977 : i32 to index
      %get3A_979 = tpu.vector_load %arg10[%get3A_978] {strides = array<i32>} : memref<12064xf32, #tpu.memory_space<vmem>>, vector<16xf32>,
      %mul3A_980 = arith.mulf %get3A_979, %get3A_265 : vector<16xf32>
      %mul3A_981 = arith.mulf %mul3A_980, %get3A_277 : vector<16xf32>
      %add3A_982 = arith.addf %mul3A_981, %get3A_253 : vector<16xf32>
      %mul3A_983 = arith.constant 5.120000e+02 : f32
      %mul3A_984 = vector.broadcast %mul3A_983 : f32 to vector<16xf32>
      %mul3A_985 = arith.mulf %add3A_982, %mul3A_984 : vector<16xf32>
      %add3A_986 = arith.constant 47 : i32
      %add3A_987 = vector.broadcast %add3A_986 : i32 to vector<16xi32>
      %add3A_988 = arith.addi %mul3A_243, %add3A_987 : vector<16xi32>
      tpu.vector_store_idx %arg15[%add3A_988], %mul3A_985 masked %lt3A_240 : memref<10600xf32, #tpu.memory_space<vmem>>[vector<16xi32>], vector<16xf32>, vector<16xi1>
      %mul3A_989 = arith.constant 16 : i32
      %mul3A_990 = arith.muli %add3A_233, %mul3A_989 : i32
      %add3A_991 = arith.constant 9776 : i32
      %add3A_992 = arith.addi %add3A_991, %mul3A_990 : i32
      %get3A_993 = arith.index_cast %add3A_992 : i32 to index
      %get3A_994 = tpu.vector_load %arg10[%get3A_993] {strides = array<i32>} : memref<12064xf32, #tpu.memory_space<vmem>>, vector<16xf32>,
      %mul3A_995 = arith.mulf %get3A_994, %get3A_271 : vector<16xf32>
      %mul3A_996 = arith.mulf %mul3A_995, %get3A_283 : vector<16xf32>
      %add3A_997 = arith.addf %mul3A_996, %get3A_259 : vector<16xf32>
      %mul3A_998 = arith.constant 5.120000e+02 : f32
      %mul3A_999 = vector.broadcast %mul3A_998 : f32 to vector<16xf32>
      %mul3A_1000 = arith.mulf %add3A_997, %mul3A_999 : vector<16xf32>
      %add3A_1001 = arith.constant 48 : i32
      %add3A_1002 = vector.broadcast %add3A_1001 : i32 to vector<16xi32>
      %add3A_1003 = arith.addi %mul3A_243, %add3A_1002 : vector<16xi32>
      tpu.vector_store_idx %arg15[%add3A_1003], %mul3A_1000 masked %lt3A_240 : memref<10600xf32, #tpu.memory_space<vmem>>[vector<16xi32>], vector<16xf32>, vector<16xi1>
      %mul3A_1004 = arith.constant 16 : i32
      %mul3A_1005 = arith.muli %add3A_233, %mul3A_1004 : i32
      %add3A_1006 = arith.constant 9984 : i32
      %add3A_1007 = arith.addi %add3A_1006, %mul3A_1005 : i32
      %get3A_1008 = arith.index_cast %add3A_1007 : i32 to index
      %get3A_1009 = tpu.vector_load %arg10[%get3A_1008] {strides = array<i32>} : memref<12064xf32, #tpu.memory_space<vmem>>, vector<16xf32>,
      %mul3A_1010 = arith.mulf %get3A_1009, %get3A_265 : vector<16xf32>
      %mul3A_1011 = arith.mulf %mul3A_1010, %get3A_277 : vector<16xf32>
      %add3A_1012 = arith.addf %mul3A_1011, %get3A_253 : vector<16xf32>
      %mul3A_1013 = arith.constant 5.120000e+02 : f32
      %mul3A_1014 = vector.broadcast %mul3A_1013 : f32 to vector<16xf32>
      %mul3A_1015 = arith.mulf %add3A_1012, %mul3A_1014 : vector<16xf32>
      %add3A_1016 = arith.constant 49 : i32
      %add3A_1017 = vector.broadcast %add3A_1016 : i32 to vector<16xi32>
      %add3A_1018 = arith.addi %mul3A_243, %add3A_1017 : vector<16xi32>
      tpu.vector_store_idx %arg15[%add3A_1018], %mul3A_1015 masked %lt3A_240 : memref<10600xf32, #tpu.memory_space<vmem>>[vector<16xi32>], vector<16xf32>, vector<16xi1>
      %mul3A_1019 = arith.constant 16 : i32
      %mul3A_1020 = arith.muli %add3A_233, %mul3A_1019 : i32
      %add3A_1021 = arith.constant 10192 : i32
      %add3A_1022 = arith.addi %add3A_1021, %mul3A_1020 : i32
      %get3A_1023 = arith.index_cast %add3A_1022 : i32 to index
      %get3A_1024 = tpu.vector_load %arg10[%get3A_1023] {strides = array<i32>} : memref<12064xf32, #tpu.memory_space<vmem>>, vector<16xf32>,
      %mul3A_1025 = arith.mulf %get3A_1024, %get3A_271 : vector<16xf32>
      %mul3A_1026 = arith.mulf %mul3A_1025, %get3A_283 : vector<16xf32>
      %add3A_1027 = arith.addf %mul3A_1026, %get3A_259 : vector<16xf32>
      %mul3A_1028 = arith.constant 5.120000e+02 : f32
      %mul3A_1029 = vector.broadcast %mul3A_1028 : f32 to vector<16xf32>
      %mul3A_1030 = arith.mulf %add3A_1027, %mul3A_1029 : vector<16xf32>
      %add3A_1031 = arith.constant 50 : i32
      %add3A_1032 = vector.broadcast %add3A_1031 : i32 to vector<16xi32>
      %add3A_1033 = arith.addi %mul3A_243, %add3A_1032 : vector<16xi32>
      tpu.vector_store_idx %arg15[%add3A_1033], %mul3A_1030 masked %lt3A_240 : memref<10600xf32, #tpu.memory_space<vmem>>[vector<16xi32>], vector<16xf32>, vector<16xi1>
      %mul3A_1034 = arith.constant 16 : i32
      %mul3A_1035 = arith.muli %add3A_233, %mul3A_1034 : i32
      %add3A_1036 = arith.constant 10400 : i32
      %add3A_1037 = arith.addi %add3A_1036, %mul3A_1035 : i32
      %get3A_1038 = arith.index_cast %add3A_1037 : i32 to index
      %get3A_1039 = tpu.vector_load %arg10[%get3A_1038] {strides = array<i32>} : memref<12064xf32, #tpu.memory_space<vmem>>, vector<16xf32>,
      %mul3A_1040 = arith.mulf %get3A_1039, %get3A_265 : vector<16xf32>
      %mul3A_1041 = arith.mulf %mul3A_1040, %get3A_277 : vector<16xf32>
      %add3A_1042 = arith.addf %mul3A_1041, %get3A_253 : vector<16xf32>
      %mul3A_1043 = arith.constant 5.120000e+02 : f32
      %mul3A_1044 = vector.broadcast %mul3A_1043 : f32 to vector<16xf32>
      %mul3A_1045 = arith.mulf %add3A_1042, %mul3A_1044 : vector<16xf32>
      %add3A_1046 = arith.constant 51 : i32
      %add3A_1047 = vector.broadcast %add3A_1046 : i32 to vector<16xi32>
      %add3A_1048 = arith.addi %mul3A_243, %add3A_1047 : vector<16xi32>
      tpu.vector_store_idx %arg15[%add3A_1048], %mul3A_1045 masked %lt3A_240 : memref<10600xf32, #tpu.memory_space<vmem>>[vector<16xi32>], vector<16xf32>, vector<16xi1>
      %mul3A_1049 = arith.constant 16 : i32
      %mul3A_1050 = arith.muli %add3A_233, %mul3A_1049 : i32
      %add3A_1051 = arith.constant 10608 : i32
      %add3A_1052 = arith.addi %add3A_1051, %mul3A_1050 : i32
      %get3A_1053 = arith.index_cast %add3A_1052 : i32 to index
      %get3A_1054 = tpu.vector_load %arg10[%get3A_1053] {strides = array<i32>} : memref<12064xf32, #tpu.memory_space<vmem>>, vector<16xf32>,
      %mul3A_1055 = arith.mulf %get3A_1054, %get3A_271 : vector<16xf32>
      %mul3A_1056 = arith.mulf %mul3A_1055, %get3A_283 : vector<16xf32>
      %add3A_1057 = arith.addf %mul3A_1056, %get3A_259 : vector<16xf32>
      %mul3A_1058 = arith.constant 5.120000e+02 : f32
      %mul3A_1059 = vector.broadcast %mul3A_1058 : f32 to vector<16xf32>
      %mul3A_1060 = arith.mulf %add3A_1057, %mul3A_1059 : vector<16xf32>
      %add3A_1061 = arith.constant 52 : i32
      %add3A_1062 = vector.broadcast %add3A_1061 : i32 to vector<16xi32>
      %add3A_1063 = arith.addi %mul3A_243, %add3A_1062 : vector<16xi32>
      tpu.vector_store_idx %arg15[%add3A_1063], %mul3A_1060 masked %lt3A_240 : memref<10600xf32, #tpu.memory_space<vmem>>[vector<16xi32>], vector<16xf32>, vector<16xi1>
    }
    %scan3A_228 = arith.constant 13 : i32
    "tpu.trace_stop"() : () -> ()
    "tpu.trace_start"() <{level = 10 : i32, message = "out_dma"}> : () -> ()
    "tpu.region"() ({
      %run_scoped3A = tpu.sem_alloc : memref<!tpu.dma_semaphore, #tpu.memory_space<semaphore_mem>>
      %dma_start3A_229 = arith.constant 0 : i32
      %dma_start3A_230 = tpu.memref_slice %arg3[%add3A, %dma_start3A_229] : memref<32x10600xf32, #tpu.memory_space<hbm>> -> memref<1x10600xf32, #tpu.memory_space<hbm>>
      %dma_start3A_231 = tpu.memref_squeeze %dma_start3A_230 : memref<1x10600xf32, #tpu.memory_space<hbm>> -> memref<10600xf32, #tpu.memory_space<hbm>>
      %dma_start3A_232 = arith.constant 0 : i32
      %dma_start3A_233 = tpu.memref_slice %arg3[%add3A, %dma_start3A_232] : memref<32x10600xf32, #tpu.memory_space<hbm>> -> memref<1x10600xf32, #tpu.memory_space<hbm>>
      %dma_start3A_234 = tpu.memref_squeeze %dma_start3A_233 : memref<1x10600xf32, #tpu.memory_space<hbm>> -> memref<10600xf32, #tpu.memory_space<hbm>>
      tpu.enqueue_dma source(%arg15 : memref<10600xf32, #tpu.memory_space<vmem>>) target(%dma_start3A_234 : memref<10600xf32, #tpu.memory_space<hbm>>) target_semaphore(%run_scoped3A : memref<!tpu.dma_semaphore, #tpu.memory_space<semaphore_mem>>)
      %dma_wait3A = arith.constant 0 : i32
      %dma_wait3A_235 = tpu.memref_slice %arg3[%add3A, %dma_wait3A] : memref<32x10600xf32, #tpu.memory_space<hbm>> -> memref<1x10600xf32, #tpu.memory_space<hbm>>
      %dma_wait3A_236 = tpu.memref_squeeze %dma_wait3A_235 : memref<1x10600xf32, #tpu.memory_space<hbm>> -> memref<10600xf32, #tpu.memory_space<hbm>>
      %dma_wait3A_237 = arith.constant 0 : i32
      %dma_wait3A_238 = tpu.memref_slice %arg3[%add3A, %dma_wait3A_237] : memref<32x10600xf32, #tpu.memory_space<hbm>> -> memref<1x10600xf32, #tpu.memory_space<hbm>>
      %dma_wait3A_239 = tpu.memref_squeeze %dma_wait3A_238 : memref<1x10600xf32, #tpu.memory_space<hbm>> -> memref<10600xf32, #tpu.memory_space<hbm>>
      tpu.wait_dma2 semaphore(%run_scoped3A : memref<!tpu.dma_semaphore, #tpu.memory_space<semaphore_mem>>) src(%arg15 : memref<10600xf32, #tpu.memory_space<vmem>>) dst(%dma_wait3A_239 : memref<10600xf32, #tpu.memory_space<hbm>>)
      tpu.yield
    }) : () -> ()
    "tpu.trace_stop"() : () -> ()
    return
  }
}

</mosaic_0001>

<sc_bundles>
// kernel: kernel.3.cloned.1.call-start
scs
__scs_entry_jumppad:
0x0: {  	(pc) =	sbr.rel $0x88, $3  }
0x1: {  	(tag) =	ssettag $0x0;
	lr =	simm.s32 $0x1  }
0x2: {  	[smem:$0x3FA0] =	sst lr;
	_ =	strace $0xD0000000  }
0x3: {  	_ = 	snop  }
0x4: {  	_ = 	snop  }
0x5: {  	_ = 	snop  }
0x6: {  	_ = 	snop  }
0x7: {  	_ = 	snop  }
__scs_overlays_trampoline_lowered:
0x8: {  	[smem:$0x3FAF] =	sst s0  }
0x9: {  	[smem:$0x3FB0] =	sst s1  }
0xa: {  	[smem:$0x3FB1] =	sst s2  }
0xb: {  	[smem:$0x3FB2] =	sst s3  }
0xc: {  	[smem:$0x3FB3] =	sst s4  }
0xd: {  	[smem:$0x3FB4] =	sst s5  }
0xe: {  	[smem:$0x3FB5] =	sst s6  }
0xf: {  	[smem:$0x3FB6] =	sst s7  }
0x10: {  	[smem:$0x3FB7] =	sst s8  }
0x11: {  	[smem:$0x3FB8] =	sst s9;
	s0 =	simm.s32 @!p0 $0x0  }
0x12: {  	s1 =	sld [smem:$0x3F9E];
	s0 =	simm.s32 @p0 $0x1  }
0x13: {  	[smem:$0x3FB9] =	sst s0;
	s0 =	simm.s32 @!p1 $0x0  }
0x14: {  	s2 =	sld [smem:$0x3F9D];
	s0 =	simm.s32 @p1 $0x1  }
0x15: {  	[smem:$0x3FBA] =	sst s0;
	s0 =	simm.s32 @!p2 $0x0  }
0x16: {  	s3 =	sld [smem:$0x3FDB];
	s0 =	simm.s32 @p2 $0x1  }
0x17: {  	s4 =	simm.s32 $0x1BF5;
	[smem:$0x3FBC] =	sst s0  }
0x18: {  	s0 =	sld [smem:$0x3F9F];
	_ =	swait.ge [sflag:s4], $0x0  }
0x19: {  	s7 =	sld [smem:$0x3FA0]  }
0x1a: {  	s8 =	sadd.s32 $0xFFFFE003, lr  }
0x1b: {  	s9 =	sadd.s32 $0xFFFFFEF7, lr;
	s5 =	simm.s32 $0xFFFFFFFF;
	p2 =	slt.u32 s8, $0xFFFFF086  }
0x1c: {  	p1 =	slt.u32 s9, $0xF7A;
	s5 =	simm.s32 @!p2 $0x0  }
0x1d: {  	s5 =	simm.s32 @p1 $0x1;
	p0 =	seq.s32 s7, s2  }
0x1e: {  	s7 =	smul.u32 @!p0 $0xF7A, s2;
	p2 =	seq.s32 @!p0 s5, $0x0  }
0x1f: {  	s9 =	smul.u32 $0xF7A, s1;
	s8 =	simm.s32 @!p0 $0x1BF5;
	p2 =	por !p2, p0  }
0x20: {  	[sflag:s8] =	ssyncset.s32 @!p0 $0xFFFFF086;
	s6 =	sadd.s32 @!p0 s3, s7;
	s7 =	simm.s32 @!p0 $0x108  }
0x21: {  	s3 =	sadd.s32 s3, s9;
	s6 =	sadd.s32 @!p0 $0x88, s6;
	s7 =	simm.s32 @p2 $0x1082  }
0x22: {  	[simem:s7], [sflag:s8] =	dma.local @!p0 [hbm:s6], $0xF7A  }
0x23: {  	s9 =	sor.u32 $0xD0000000, s2;
	s6 =	simm.s32 $0x108;
	_ =	swait.ge @!p0 [sflag:s8], $0x0  }
0x24: {  	s3 =	sadd.s32 $0x88, s3;
	s6 =	simm.s32 @!p1 $0x1082;
	[sflag:s4] =	ssyncset.s32 $0xFFFFF086  }
0x25: {  	[simem:s6], [sflag:s4] =	dma.local [hbm:s3], $0xF7A  }
0x26: {  	[smem:$0x3FA0] =	sst s1;
	(tag) =	ssettag s2;
	_ =	strace s9  }
0x27: {  	s1 =	sld [smem:$0x3FB0]  }
0x28: {  	s2 =	sld [smem:$0x3FB1]  }
0x29: {  	s4 =	sld [smem:$0x3FB3]  }
0x2a: {  	p0 =	seq.s32 s5, $0x0;
	s5 =	sld [smem:$0x3FB4]  }
0x2b: {  	s6 =	sld [smem:$0x3FB5]  }
0x2c: {  	s7 =	sld [smem:$0x3FB6]  }
0x2d: {  	s3 =	simm.s32 $0x108;
	s8 =	sld [smem:$0x3FB7]  }
0x2e: {  	s3 =	simm.s32 @!p0 $0x1082;
	s9 =	sld [smem:$0x3FB8]  }
0x2f: {  	lr =	sadd.s32 s0, s3;
	s0 =	sld [smem:$0x3FAF]  }
0x30: {  	s3 =	sld [smem:$0x3FB2]  }
0x31: {  	[smem:$0x3FBB] =	sst s10  }
0x32: {  	s10 =	sld [smem:$0x3FB9];
	_ =	sdelay $0x3  }
0x33: {  	p0 =	seq.s32 s10, $0x1;
	s10 =	sld [smem:$0x3FBB];
	_ =	sdelay $0x3  }
0x34: {  	[smem:$0x3FBB] =	sst s10  }
0x35: {  	s10 =	sld [smem:$0x3FBA];
	_ =	sdelay $0x3  }
0x36: {  	p1 =	seq.s32 s10, $0x1;
	s10 =	sld [smem:$0x3FBB];
	_ =	sdelay $0x3  }
0x37: {  	[smem:$0x3FBB] =	sst s10  }
0x38: {  	s10 =	sld [smem:$0x3FBC]  }
0x39: {  	_ = 	snop;
	(pc) =	sbr.ind lr, $3  }
0x3a: {  	_ = 	snop  }
0x3b: {  	_ = 	snop  }
0x3c: {  	p2 =	seq.s32 s10, $0x1;
	s10 =	sld [smem:$0x3FBB]  }
0x3d: {  	_ =	shalt  }
0x3e: {  	_ =	shalt  }
0x3f: {  	_ =	shalt  }
0x40: {  	_ =	shalt  }
0x41: {  	_ =	shalt  }
0x42: {  	_ =	shalt  }
0x43: {  	_ =	shalt  }
0x44: {  	_ =	shalt  }
0x45: {  	_ =	shalt  }
0x46: {  	_ =	shalt  }
0x47: {  	_ =	shalt  }
0x48: {  	_ =	shalt  }
0x49: {  	_ =	shalt  }
0x4a: {  	_ =	shalt  }
0x4b: {  	_ =	shalt  }
0x4c: {  	_ =	shalt  }
0x4d: {  	_ =	shalt  }
0x4e: {  	_ =	shalt  }
0x4f: {  	_ =	shalt  }
0x50: {  	_ =	shalt  }
0x51: {  	_ =	shalt  }
0x52: {  	_ =	shalt  }
0x53: {  	_ =	shalt  }
0x54: {  	_ =	shalt  }
0x55: {  	_ =	shalt  }
0x56: {  	_ =	shalt  }
0x57: {  	_ =	shalt  }
0x58: {  	_ =	shalt  }
0x59: {  	_ =	shalt  }
0x5a: {  	_ =	shalt  }
0x5b: {  	_ =	shalt  }
0x5c: {  	_ =	shalt  }
0x5d: {  	_ =	shalt  }
0x5e: {  	_ =	shalt  }
0x5f: {  	_ =	shalt  }
0x60: {  	_ =	shalt  }
0x61: {  	_ =	shalt  }
0x62: {  	_ =	shalt  }
0x63: {  	_ =	shalt  }
0x64: {  	_ =	shalt  }
0x65: {  	_ =	shalt  }
0x66: {  	_ =	shalt  }
0x67: {  	_ =	shalt  }
0x68: {  	_ =	shalt  }
0x69: {  	_ =	shalt  }
0x6a: {  	_ =	shalt  }
0x6b: {  	_ =	shalt  }
0x6c: {  	_ =	shalt  }
0x6d: {  	_ =	shalt  }
0x6e: {  	_ =	shalt  }
0x6f: {  	_ =	shalt  }
0x70: {  	_ =	shalt  }
0x71: {  	_ =	shalt  }
0x72: {  	_ =	shalt  }
0x73: {  	_ =	shalt  }
0x74: {  	_ =	shalt  }
0x75: {  	_ =	shalt  }
0x76: {  	_ =	shalt  }
0x77: {  	_ =	shalt  }
0x78: {  	_ =	shalt  }
0x79: {  	_ =	shalt  }
0x7a: {  	_ =	shalt  }
0x7b: {  	_ =	shalt  }
0x7c: {  	_ =	shalt  }
0x7d: {  	_ =	shalt  }
0x7e: {  	_ =	shalt  }
0x7f: {  	_ =	shalt  }
0x80: {  	_ =	shalt  }
0x81: {  	_ =	shalt  }
0x82: {  	_ =	shalt  }
0x83: {  	_ =	shalt  }
0x84: {  	_ =	shalt  }
0x85: {  	_ =	shalt  }
0x86: {  	_ =	shalt  }
0x87: {  	_ =	shalt  }
.Lfunc_end0:
.L_simem_size_0:
called_computation_lowered:
.L_overlay_start_0:
0x88: {  	s2 =	sld [smem:$0x3FD9]  }
0x89: {  	s3 =	sld [smem:$0x3FFE];
	_ =	sdelay $0x1  }
0x8a: {  	s1 =	srdreg.scid  }
0x8b: {  	s0 =	sand.u32 $0x1, s1  }
0x8c: {  	s18 =	sshll.u32 s0, $0xA;
	s2 =	sadd.s32 s3, s2  }
0x8d: {  	s2 =	sadd.s32 s2, s18  }
0x8e: {  	[smem:$0x3FC7] =	sst s2  }
0x8f: {  	_ = 	snop  }
0x90: {  	s2 =	sld [smem:$0x3FC9]  }
0x91: {  	s19 =	sld [smem:$0x3FD0];
	(tm) =	ssettm $0x1  }
0x92: {  	s4 =	sld [smem:$0x3FFB];
	_ =	sdelay $0x3  }
0x93: {  	_ =	strace s4  }
0x94: {  	s4 =	sld [smem:$0x3FFC];
	_ =	sdelay $0x3  }
0x95: {  	_ =	strace s4  }
0x96: {  	s4 =	sld [smem:$0x3FFD];
	_ =	sdelay $0x3  }
0x97: {  	_ =	strace s4  }
0x98: {  	_ =	strace $0x8FFFFFFF  }
0x99: {  	s20 =	sld [smem:$0x3FDB];
	_ =	sdelay $0x1  }
0x9a: {  	s5 =	simm.s32 $_scs_section_size  }
0x9b: {  	s6 =	simm.s32 $_size__tile_overlayer_lowered;
	s7 =	simm.s32 $_tile_overlayer_lowered  }
0x9c: {  	s23 =	simm.s32 $0x1BFF;
	s22 =	sshll.u32 s7, $0x1;
	s4 =	sadd.s32 s5, s20  }
0x9d: {  	s8 =	simm.s32 $0x0;
	s21 =	sshll.u32 s6, $0x1;
	s6 =	sadd.s32 s22, s4  }
0x9e: {  	[timem:s8], [sflag:s23] =	dma.local [hbm:s6], s21  }
0x9f: {  	_ =	swait.ge [sflag:s23], s21  }
0xa0: {  	s5 =	ssub.s32 $0x0, s21;
	[sflag:s23] =	ssyncset.done $0x0  }
0xa1: {  	[sflag:s23] =	ssyncadd.s32 s5;
	_ =	sdelay $0x1  }
0xa2: {  	s24 =	simm.s32 $0x1B8B  }
0xa3: {  	_ =	swait.ge [sflag:s24], $0x1  }
0xa4: {  	[sflag:s24] =	ssyncset.done $0x0  }
0xa5: {  	s25 =	simm.s32 $0x1B8E;
	[sflag:s24] =	ssyncadd.s32 $0xFFFFFFFF  }
0xa6: {  	s26 =	simm.s32 $execute0_lowered;
	[smem:$0x3FD2] =	sst s25  }
0xa7: {  	s5 =	sshll.u32 s26, $0x1;
	_ =	strace $0x80000046;
	[dreg:$0x1] =	wrdreg $0xFFFFFFFF  }
0xa8: {  	s28 =	simm.s32 $_size_execute0_lowered;
	s4 =	sadd.s32 s4, s5;
	[dreg:$0x0] =	wrdreg $0x0  }
0xa9: {  	s5 =	sshll.u32 s28, $0x1;
	[dreg:$0x2] =	wrdreg s4  }
0xaa: {  	[dreg:$0x3] =	wrdreg s5  }
0xab: {  	[dreg:$0x4] =	wrdreg $0xC0  }
0xac: {  	_ =	task [dreg:s8], $0x5FFFF  }
0xad: {  	[dreg:$0x1] =	wrdreg $0xFFFFFFFF  }
0xae: {  	[dreg:$0x0] =	wrdreg $0x60  }
0xaf: {  	[dreg:$0x2] =	wrdreg s2  }
0xb0: {  	[dreg:$0x3] =	wrdreg s19  }
0xb1: {  	[dreg:$0x4] =	wrdreg $0x9  }
0xb2: {  	_ =	task.clear_ibuf [dreg:s8], $0x5FFFF;
	_ =	strace $0x90000046  }
0xb3: {  	s29 =	simm.s32 $0x9;
	_ =	strace $0x8000004F  }
0xb4: {  	_ =	swait.ge [sflag:s29], $0x1  }
0xb5: {  	[sflag:s29] =	ssyncadd.s32 $0xFFFFFFFF  }
0xb6: {  	_ =	strace $0x9000004F  }
0xb7: {  	_ =	sfence  }
0xb8: {  	s30 =	sld [smem:$0x0];
	_ =	sdelay $0x2  }
0xb9: {  	s31 =	sshll.u32 s1, $0xD;
	s1 =	sshrl.u32 s1, $0x2  }
0xba: {  	s3 =	sand.u32 $0x4000, s31;
	s1 =	sadd.s32 s1, s30  }
0xbb: {  	s0 =	sor.u32 s3, s0;
	s1 =	sshll.u32 s1, $0x11  }
0xbc: {  	s0 =	sor.u32 s1, s0  }
0xbd: {  	s0 =	sadd.s32 $0x8F2B, s0  }
0xbe: {  	[sflag:s0] =	ssyncadd.remote.s32 $0x1  }
0xbf: {  	_ =	sfence.sel $0xFFFF  }
0xc0: {  	[dreg:$0x0] =	wrdreg $0xFFFFFFFF;
	(pc) =	sbr.abs _section_cstart, $3  }
0xc1: {  	[dreg:$0x1] =	wrdreg $0xFFFFFFFF  }
0xc2: {  	_ =	task.clear_ibuf [dreg:s8], $0x2FFFF;
	_ =	strace $0x9FFFFFFF  }
0xc3: {  	(tm) =	ssettm $0x7FFFFFFF  }
tec
execute0_lowered:
.L_overlay_start_1:
0x0: {  	(tag) =	ssettag $0x1  }
0x1: {  	s0 =	rddreg [dreg:$0x0];
	s2 =	simm.s32 $0x0  }
0x2: {  	[smem:$0x7FF] =	sst s2  }
0x3: {  	s1 =	rddreg [dreg:$0x1];
	v0 =	vimm.s32 $0x0;
	_ =	strace $0x80000047  }
0x4: {  	(xrf1) =	vunique.msk.u32 $0xffff, v0;
	_ =	sdelay $0xd  }
0x5: {  	_, v1, _ =	vpop (xrf1)  }
0x6: {  	v1 =	vxor.u32 $0x80000000, v1  }
0x7: {  	(xrf0) =	vmax.scan.msk.u32 $0xffff, v1;
	_ =	sdelay $0x3  }
0x8: {  	s18 =	srdreg.scid;
	s4 =	stileid.u32;
	s10 =	simm.s32 $0x80  }
0x9: {  	s11 =	simm.s32 $0x400;
	s15 =	simm.s32 $0x18880;
	s16 =	simm.s32 $0x4E80  }
0xa: {  	s2 =	sand.u32 $0x1, s18;
	s3 =	sshrl.u32 s4, $0x2;
	s4 =	sshll.u32 s4, $0x8;
	v1, _, _ =	vpop (xrf0)  }
0xb: {  	s5 =	sshll.u32 s2, $0x7;
	s2 =	ssub.s32 $0x2, s2;
	s6 =	smul.u32 $0x27400, s3;
	(v2sf) =	vpush v1, $0xF  }
0xc: {  	s23 =	smul.u32 $0x14C00, s3;
	s24 =	sor.u32 $0x1C, s3;
	s9 =	sor.u32 $0x18, s3  }
0xd: {  	s3 =	sor.u32 $0x14, s3;
	s4 =	sor.u32 s5, s4;
	s9 =	smul.u32 $0x27400, s9  }
0xe: {  	s19 =	sshrl.u32 s2, $0x1;
	s25 =	smul.u32 $0x27400, s3;
	s4 =	sand.u32 $0x380, s4  }
0xf: {  	s2 =	ssub.s32 s2, s19;
	s19 =	simm.s32 $0x1C000;
	s6 =	sor.u32 s4, s6  }
0x10: {  	s2 =	smax.u32 s2, $0x1;
	s28 =	sor.u32 s4, s9;
	s7 =	sadd.s32 $0x9D000, s6  }
0x11: {  	s8 =	sadd.s32 $0x13A000, s6;
	s22 =	sadd.s32 $0x1D7000, s6;
	s6 =	sadd.s32 $0x274000, s6  }
0x12: {  	[dreg:$0x8] =	wrdreg s2;
	s3 =	sshrl.u32 s28, $0x3;
	s7 =	sshrl.u32 s7, $0x3  }
0x13: {  	s8 =	sshrl.u32 s8, $0x3;
	s6 =	sshrl.u32 s6, $0x3;
	s30 =	sadd.s32 s3, s0  }
0x14: {  	s7 =	sadd.s32 s0, s7;
	s21 =	sadd.s32 s0, s8;
	[dreg:$0xa] =	wrdreg s30  }
0x15: {  	s8 =	sor.u32 s23, s4;
	[dreg:$0x3] =	wrdreg s7;
	s7 =	sshrl.u32 s22, $0x3  }
0x16: {  	[dreg:$0x4] =	wrdreg s21;
	s8 =	sshrl.u32 s8, $0x3;
	s7 =	sadd.s32 s0, s7  }
0x17: {  	s6 =	sadd.s32 s0, s6;
	s1 =	sadd.s32 s1, s8;
	[dreg:$0x5] =	wrdreg s7  }
0x18: {  	s7 =	smul.u32 $0x27400, s24;
	[dreg:$0x7] =	wrdreg s1;
	s1 =	sor.u32 s4, s25  }
0x19: {  	[dreg:$0x6] =	wrdreg s6;
	s21 =	simm.s32 $0x1C400;
	s1 =	sshrl.u32 s1, $0x3  }
0x1a: {  	s26 =	sor.u32 s4, s7;
	s31 =	sadd.s32 s1, s0;
	v1 =	vlaneseq.u32;
	s20 =	spop (v2sf)  }
0x1b: {  	s1 =	simm.s32 $0x0;
	s2 =	sshrl.u32 s26, $0x3;
	v3 =	vmul.u32 $0xFFFFFFFF, v1;
	s5 =	sxor.u32 $0x80000000, s20  }
0x1c: {  	vm0 =	vmmov $0xff;
	[dreg:$0xb] =	wrdreg s31;
	s29 =	sadd.s32 s2, s0;
	s5 =	ssub.s32 $0x10, s5  }
0x1d: {  	s2 =	simm.s32 $0x4;
	[dreg:$0x9] =	wrdreg s29;
	v4 =	vor.u32 $0x80000000, v1;
	v3 =	vadd.s32 $0xF, v3;
	s20 =	simm.s32 $0x1C100;
	v2 =	vmov s5  }
.LBB2_1:
0x1e: {  	[dreg:$0xc] =	wrdreg s1  }
0x1f: {  	_ =	strace $0x80000048  }
0x20: {  	s0 =	simm.s32 $0x0;
	s31 =	rddreg [dreg:$0x3]  }
0x21: {  	[tilespmem:s0], [sflag:$0x4] =	stream.strided.gather [hbm4b:s31+s10], $0x4E80, s11, s10, $0x200038;
	[tilespmem:$0x1ED80] =	vst v63  }
0x22: {  	_ =	swait.ge [sflag:s2], $0x4E80  }
0x23: {  	[sflag:s2] =	ssyncset.done $0x0  }
0x24: {  	[sflag:s2] =	ssyncadd.s32 $0xFFFFB180  }
0x25: {  	_ =	strace $0x90000048  }
0x26: {  	s0 =	simm.s32 $0x0;
	_ =	strace $0x80000049  }
.LBB2_2:
0x27: {  	p0 =	sne.s32 s0, $0x1FC0  }
.Ltmp0:
0x28: {  	_ = 	snop;
	(pc) =	sbr.rel @p0 .LBB2_2-.Ltmp0, $3  }
0x29: {  	_ =	sdelay $0x1  }
0x2a: {  	s1 =	sshra.s32 s0, $0x2  }
0x2b: {  	s0 =	sadd.s32 $0x40, s0;
	[tilespmem:s1+$0x18880] =	vst v0  }
0x2c: {  	s0 =	simm.s32 $0xFFFFFFFC;
	s1 =	simm.s32 $0x20  }
.LBB2_4:
0x2d: {  	v5 =	vld [tilespmem:s1+$0xFFFFFFE0];
	_ =	sdelay $0x4  }
0x2e: {  	v5 =	vshra.s32 v5, $0x15  }
0x2f: {  	(xrf1) =	vunique.msk.u32 $0xffff, v5;
	_ =	sdelay $0xd  }
0x30: {  	_, v6, vm1 =	vpop (xrf1);
	_ =	sdelay $0x4  }
0x31: {  	v6 =	vadd.s32 v2, v6  }
0x32: {  	[tilespmem:v5+s15+$0x0] =	vst.idx.add.s32.msk vm1, v6  }
0x33: {  	v5 =	vld [tilespmem:s1+$0xFFFFFFF0];
	_ =	sdelay $0x4  }
0x34: {  	v5 =	vshra.s32 v5, $0x15  }
0x35: {  	(xrf1) =	vunique.msk.u32 $0xffff, v5;
	_ =	sdelay $0xd  }
0x36: {  	_, v6, vm1 =	vpop (xrf1);
	_ =	sdelay $0x4  }
0x37: {  	v6 =	vadd.s32 v2, v6  }
0x38: {  	[tilespmem:v5+s15+$0x0] =	vst.idx.add.s32.msk vm1, v6  }
0x39: {  	v5 =	vld [tilespmem:s1+$0x0];
	_ =	sdelay $0x4  }
0x3a: {  	v5 =	vshra.s32 v5, $0x15  }
0x3b: {  	(xrf1) =	vunique.msk.u32 $0xffff, v5;
	_ =	sdelay $0xd  }
0x3c: {  	_, v6, vm1 =	vpop (xrf1);
	_ =	sdelay $0x4  }
0x3d: {  	v6 =	vadd.s32 v2, v6  }
0x3e: {  	[tilespmem:v5+s15+$0x0] =	vst.idx.add.s32.msk vm1, v6  }
0x3f: {  	v5 =	vld [tilespmem:s1+$0x10];
	_ =	sdelay $0x4  }
0x40: {  	v5 =	vshra.s32 v5, $0x15  }
0x41: {  	(xrf1) =	vunique.msk.u32 $0xffff, v5;
	_ =	sdelay $0xd  }
0x42: {  	s0 =	sadd.s32 $0x4, s0;
	_, v6, vm1 =	vpop (xrf1)  }
0x43: {  	p0 =	slt.u32 s0, $0x4DC  }
.Ltmp1:
0x44: {  	_ = 	snop;
	(pc) =	sbr.rel @p0 .LBB2_4-.Ltmp1, $3  }
0x45: {  	_ =	sdelay $0x1  }
0x46: {  	v6 =	vadd.s32 v2, v6  }
0x47: {  	s1 =	sadd.s32 $0x40, s1;
	[tilespmem:v5+s15+$0x0] =	vst.idx.add.s32.msk vm1, v6  }
0x48: {  	v5 =	vld [tilespmem:$0x4E00];
	_ =	sdelay $0x4  }
0x49: {  	v5 =	vshra.s32 v5, $0x15  }
0x4a: {  	(xrf1) =	vunique.msk.u32 $0xffff, v5;
	_ =	sdelay $0xd  }
0x4b: {  	_, v6, vm1 =	vpop (xrf1);
	_ =	sdelay $0x4  }
0x4c: {  	v6 =	vadd.s32 v2, v6  }
0x4d: {  	[tilespmem:v5+s15+$0x0] =	vst.idx.add.s32.msk vm1, v6  }
0x4e: {  	v5 =	vld [tilespmem:$0x4E10];
	_ =	sdelay $0x4  }
0x4f: {  	v5 =	vshra.s32 v5, $0x15  }
0x50: {  	(xrf1) =	vunique.msk.u32 $0xffff, v5;
	_ =	sdelay $0xd  }
0x51: {  	_, v6, vm1 =	vpop (xrf1);
	_ =	sdelay $0x4  }
0x52: {  	v6 =	vadd.s32 v2, v6  }
0x53: {  	s0 =	simm.s32 $0x19070;
	[tilespmem:v5+s15+$0x0] =	vst.idx.add.s32.msk vm1, v6  }
0x54: {  	v5 =	vld [tilespmem:s0+$0x0];
	_ =	sdelay $0x4  }
0x55: {  	(xrf0) =	vadd.scan.msk.s32 $0xffff, v5;
	_ =	sdelay $0x2  }
0x56: {  	s8 =	simm.s32 $0x19060  }
0x57: {  	v6 =	vld [tilespmem:s8+$0x0];
	_ =	sdelay $0x1  }
0x58: {  	v8 =	vperm.xlane v5, v3;
	v5, _, _ =	vpop (xrf0)  }
0x59: {  	(v2sf) =	vpush v5, $0xF  }
0x5a: {  	(xrf0) =	vadd.scan.msk.s32 $0xffff, v8  }
0x5b: {  	(xrf0) =	vadd.scan.msk.s32 $0xffff, v6;
	_ =	sdelay $0x4  }
0x5c: {  	v5, _, _ =	vpop (xrf0)  }
0x5d: {  	v7, _, _ =	vpop (xrf0)  }
0x5e: {  	s9 =	simm.s32 $0x19050;
	(v2sf) =	vpush v7, $0xF  }
0x5f: {  	v7 =	vld [tilespmem:s9+$0x0];
	_ =	sdelay $0x1  }
0x60: {  	v9 =	vperm.xlane v6, v3;
	_ =	sdelay $0x1  }
0x61: {  	(xrf0) =	vadd.scan.msk.s32 $0xffff, v9  }
0x62: {  	s23 =	simm.s32 $0x0;
	(xrf0) =	vadd.scan.msk.s32 $0xffff, v7;
	s10 =	spop (v2sf)  }
0x63: {  	s1 =	simm.s32 $0x19040;
	v10 =	vadd.s32 s23, v5;
	s0 =	sadd.s32 $0x0, s10  }
0x64: {  	p0 =	por $0x1, $0x1;
	v6 =	vld [tilespmem:s1+$0x0];
	vm1 =	vgt.s32 v10, $0xC7;
	p1 =	sgt.s32 s0, $0xC7  }
0x65: {  	v11 =	vnsel vm1, $0x80000010, v4;
	v7 =	vperm.xlane v7, v3;
	p0 =	por !p0, !p1  }
0x66: {  	s26 =	simm.s32 $0x0;
	p0 =	por !p0, !p0  }
0x67: {  	v5, _, _ =	vpop (xrf0);
	(xrf0) =	vadd.scan.msk.s32 $0xffff, v7;
	s26 =	simm.s32 @p0 $0x1  }
0x68: {  	s25 =	simm.s32 $0x0;
	(xrf0) =	vmin.scan.msk.u32 $0xffff, v11;
	v11, _, _ =	vpop (xrf0);
	p1 =	seq.s32 s26, $0x0  }
0x69: {  	(xrf0) =	vadd.scan.msk.s32 $0xffff, v6;
	(v2sf) =	vpush v11, $0xF;
	s25 =	smov.u32 @p1 s0  }
0x6a: {  	v11 =	vperm.xlane v6, v3;
	v12 =	vadd.s32 s25, v5  }
0x6b: {  	s11 =	spop (v2sf);
	vm1 =	vgt.s32 v12, $0xC7  }
0x6c: {  	s12 =	simm.s32 $0x19030;
	(xrf0) =	vadd.scan.msk.s32 $0xffff, v11;
	s0 =	sadd.s32 s25, s11;
	v6 =	vnsel vm1, $0x80000010, v4  }
0x6d: {  	v5, _, _ =	vpop (xrf0);
	p2 =	sgt.s32 s0, $0xC7;
	(xrf0) =	vmin.scan.msk.u32 $0xffff, v6;
	v6 =	vld [tilespmem:s12+$0x0]  }
0x6e: {  	v13, _, _ =	vpop (xrf0);
	p1 =	por !p1, !p2  }
0x6f: {  	(v2sf) =	vpush v13, $0xF;
	v13, _, _ =	vpop (xrf0);
	p1 =	por !p1, !p1  }
0x70: {  	(v2sf) =	vpush v13, $0xF;
	s26 =	simm.s32 @p1 $0x1  }
0x71: {  	p2 =	seq.s32 s26, $0x0  }
0x72: {  	s25 =	smov.u32 @p2 s0;
	(xrf0) =	vadd.scan.msk.s32 $0xffff, v6  }
0x73: {  	v13, _, _ =	vpop (xrf0);
	v15 =	vadd.s32 s25, v5;
	v14 =	vperm.xlane v6, v3  }
0x74: {  	vm1 =	vgt.s32 v15, $0xC7;
	v5, _, _ =	vpop (xrf0)  }
0x75: {  	(v2sf) =	vpush v5, $0xF;
	(xrf0) =	vadd.scan.msk.s32 $0xffff, v14;
	v5 =	vnsel vm1, $0x80000010, v4  }
0x76: {  	(xrf0) =	vmin.scan.msk.u32 $0xffff, v5;
	_ =	sdelay $0x1  }
0x77: {  	s13 =	spop (v2sf);
	v5, _, _ =	vpop (xrf0)  }
0x78: {  	s0 =	sadd.s32 s25, s13;
	(v2sf) =	vpush v5, $0xF  }
0x79: {  	p3 =	sgt.s32 s0, $0xC7  }
0x7a: {  	s14 =	simm.s32 $0x19020;
	s2 =	simm.s32 $0x7CF;
	p2 =	por !p2, !p3;
	v16, _, _ =	vpop (xrf0)  }
0x7b: {  	s5 =	simm.s32 $0x19010;
	s30 =	simm.s32 $0x79F;
	p2 =	por !p2, !p2;
	v5, _, _ =	vpop (xrf0)  }
0x7c: {  	s29 =	simm.s32 $0x78F;
	s28 =	simm.s32 $0x77F;
	s26 =	simm.s32 @p2 $0x1;
	(v2sf) =	vpush v5, $0xF  }
0x7d: {  	s31 =	simm.s32 $0x75F;
	v6 =	vld [tilespmem:s14+$0x0];
	p3 =	seq.s32 s26, $0x0;
	s3 =	spop (v2sf)  }
0x7e: {  	s24 =	simm.s32 $0x0;
	s25 =	smov.u32 @p3 s0;
	s4 =	spop (v2sf)  }
0x7f: {  	s1 =	simm.s32 $0x7BF;
	p6 =	por p0, p0;
	s4 =	sadd.s32 s25, s4  }
0x80: {  	p1 =	por p1, p1;
	s3 =	sxor.u32 $0x80000000, s3;
	p4 =	sgt.s32 s4, $0xC7  }
0x81: {  	v17 =	vld [tilespmem:s5+$0x0];
	p1 =	por p1, p1;
	p5 =	slt.s32 s3, $0xF;
	p3 =	por !p3, !p4  }
0x82: {  	p2 =	por p2, p2;
	(xrf0) =	vadd.scan.msk.s32 $0xffff, v6;
	v13 =	vadd.s32 s25, v13;
	v5 =	vperm.xlane v6, v3;
	s3 =	simm.s32 @!p5 $0xF;
	p4 =	por !p3, !p3  }
0x83: {  	p2 =	por p2, p2;
	vm1 =	vgt.s32 v13, $0xC7;
	v6 =	vmov s3;
	s26 =	simm.s32 @p4 $0x1;
	s17 =	spop (v2sf)  }
0x84: {  	v8 =	vsub.s32 v10, v8;
	(xrf0) =	vadd.scan.msk.s32 $0xffff, v5;
	s3 =	ssub.s32 $0x7FF, s3;
	vm2 =	veq.s32 v6, v1;
	v6 =	vnsel vm1, $0x80000010, v4;
	p0 =	seq.s32 s26, $0x0;
	s5 =	sxor.u32 $0x80000000, s17  }
0x85: {  	p3 =	por p6, p6;
	v8 =	vnsel vm2, $0x0, v8;
	(xrf0) =	vmin.scan.msk.u32 $0xffff, v6;
	s25 =	smov.u32 @p0 s4;
	p5 =	slt.s32 s5, $0xF  }
0x86: {  	s0 =	simm.s32 $0x7AF;
	v6 =	vperm.xlane v17, v3;
	s24 =	smov.u32 @p3 s3;
	(xrf0) =	vadd.scan.msk.s32 $0xffff, v8;
	v10 =	vadd.s32 s25, v16;
	s5 =	simm.s32 @!p5 $0xF  }
0x87: {  	p4 =	por p4, p4;
	(xrf0) =	vadd.scan.msk.s32 $0xffff, v17;
	s4 =	simm.s32 $0x19000;
	vm1 =	vgt.s32 v10, $0xC7;
	v8 =	vmov s5;
	s18 =	spop (v2sf)  }
0x88: {  	v9 =	vsub.s32 v12, v9;
	v12, _, _ =	vpop (xrf0);
	s17 =	simm.s32 $0x76F;
	(xrf0) =	vadd.scan.msk.s32 $0xffff, v6;
	s3 =	ssub.s32 $0x7EF, s5;
	vm2 =	veq.s32 v8, v1;
	v8 =	vnsel vm1, $0x80000010, v4;
	s6 =	sadd.s32 s25, s18  }
0x89: {  	(v2sf) =	vpush v12, $0xF;
	p5 =	por p3, p3;
	s24 =	smov.u32 @p1 s3;
	v9 =	vnsel vm2, $0x0, v9;
	(xrf0) =	vmin.scan.msk.u32 $0xffff, v8;
	p6 =	sgt.s32 s6, $0xC7  }
0x8a: {  	v62, _, _ =	vpop (xrf0);
	v63 =	vld [tilespmem:s4+$0x0];
	s3 =	simm.s32 $0x74F;
	p1 =	por p1, p1;
	(xrf0) =	vadd.scan.msk.s32 $0xffff, v9;
	p0 =	por !p0, !p6  }
0x8b: {  	v8, _, _ =	vpop (xrf0);
	s22 =	spop (v2sf);
	p3 =	por !p0, !p0;
	p0 =	por p5, p5  }
0x8c: {  	v18, _, _ =	vpop (xrf0);
	s5 =	sxor.u32 $0x80000000, s22;
	(v2sf) =	vpush v8, $0xF;
	s7 =	simm.s32 @!p0 $0x0;
	s26 =	simm.s32 @p3 $0x1  }
0x8d: {  	v19, _, _ =	vpop (xrf0);
	s7 =	simm.s32 @p0 $0x1;
	p0 =	slt.s32 s5, $0xF;
	p5 =	seq.s32 s26, $0x0  }
0x8e: {  	v10 =	vsub.s32 v10, v14;
	v9 =	vsub.s32 v13, v11;
	(v2sf) =	vpush v18, $0xF;
	v12, _, _ =	vpop (xrf0);
	[smem:$0x7FC] =	sst s7;
	s7 =	simm.s32 @!p1 $0x0;
	s5 =	simm.s32 @!p0 $0xF  }
0x8f: {  	v8 =	vsub.s32 v15, v7;
	v7 =	vperm.xlane v63, v3;
	(v2sf) =	vpush v19, $0xF;
	s25 =	smov.u32 @p5 s6;
	v13, _, _ =	vpop (xrf0);
	s7 =	simm.s32 @p1 $0x1;
	s6 =	ssub.s32 $0x7DF, s5  }
0x90: {  	(xrf0) =	vadd.scan.msk.s32 $0xffff, v63;
	v14 =	vmov s5;
	s5 =	simm.s32 $0x73F;
	v11 =	vadd.s32 s25, v62;
	(v2sf) =	vpush v13, $0xF;
	v13, _, _ =	vpop (xrf0);
	[smem:$0x7FD] =	sst s7;
	s24 =	smov.u32 @p2 s6  }
.LBB2_6:
0x91: {  	s7 =	sld [smem:$0x7FC]  }
0x92: {  	s18 =	sld [smem:$0x7FD];
	_ =	sdelay $0x1  }
0x93: {  	p5 =	sne.s32 s5, $0xF;
	s6 =	smov.u32 s0  }
0x94: {  	s0 =	smov.u32 s30;
	p0 =	seq.s32 s7, $0x1;
	p1 =	seq.s32 s18, $0x1  }
0x95: {  	s30 =	smov.u32 s29;
	p6 =	por p0, p0;
	p0 =	por p1, p1  }
0x96: {  	s29 =	smov.u32 s28;
	s28 =	smov.u32 s17;
	s7 =	simm.s32 @!p0 $0x0  }
0x97: {  	s22 =	spop (v2sf);
	s7 =	simm.s32 @p0 $0x1;
	p0 =	por p2, p2  }
0x98: {  	vm1 =	vgt.s32 v11, $0xC7;
	s17 =	smov.u32 s31;
	[smem:$0x7FC] =	sst s7;
	s7 =	simm.s32 @!p0 $0x0  }
0x99: {  	vm2 =	veq.s32 v14, v1;
	s31 =	smov.u32 s3;
	s4 =	sadd.s32 $0xFFFFFFF0, s4;
	(xrf0) =	vadd.scan.msk.s32 $0xffff, v7;
	v14 =	vnsel vm1, $0x80000010, v4;
	s7 =	simm.s32 @p0 $0x1  }
0x9a: {  	v11 =	vsub.s32 v11, v5;
	v15 =	vmovc v12;
	v12 =	vnsel vm2, $0x0, v8;
	s8 =	spop (v2sf);
	(xrf0) =	vmin.scan.msk.u32 $0xffff, v14;
	[smem:$0x7FD] =	sst s7;
	s7 =	sadd.s32 s25, s22  }
0x9b: {  	v8 =	vmovc v9;
	v9 =	vmov v10;
	v10 =	vmov v11;
	v11 =	vld [tilespmem:s4+$0x0];
	(xrf0) =	vadd.scan.msk.s32 $0xffff, v12;
	p2 =	por p4, p4;
	p4 =	seq.s32 s26, $0x0;
	p1 =	sgt.s32 s7, $0xC7  }
0x9c: {  	s3 =	smov.u32 s5;
	s8 =	sxor.u32 $0x80000000, s8;
	p0 =	por !p4, !p1  }
.Ltmp2:
0x9d: {  	p4 =	por p3, p3;
	p3 =	por !p0, !p0;
	(pc) =	sbr.rel @p5 .LBB2_6-.Ltmp2, $4  }
0x9e: {  	v5 =	vmov v6;
	s5 =	sadd.s32 $0xFFFFFFF0, s5;
	v6 =	vmov v7;
	v7, _, _ =	vpop (xrf0);
	p1 =	slt.s32 s8, $0xF;
	s26 =	simm.s32 @p3 $0x1  }
0x9f: {  	(v2sf) =	vpush v13, $0xF;
	v12, _, _ =	vpop (xrf0);
	s9 =	spop (v2sf);
	s8 =	simm.s32 @!p1 $0xF;
	p0 =	seq.s32 s26, $0x0  }
0xa0: {  	(v2sf) =	vpush v7, $0xF;
	v7 =	vperm.xlane v11, v3;
	v13, _, _ =	vpop (xrf0);
	s23 =	smov.u32 @p6 s9;
	s25 =	smov.u32 @p0 s7;
	s7 =	ssub.s32 s2, s8  }
0xa1: {  	(xrf0) =	vadd.scan.msk.s32 $0xffff, v11;
	(v2sf) =	vpush v13, $0xF;
	v13, _, _ =	vpop (xrf0);
	v14 =	vmov s8;
	s2 =	smov.u32 s1;
	s1 =	smov.u32 s6;
	v11 =	vadd.s32 s25, v15;
	s24 =	smov.u32 @p2 s7  }
0xa2: {  	_ =	sdelay $0x1  }
0xa3: {  	s4 =	sadd.s32 $0xFFFFFFF0, s4;
	vm2 =	veq.s32 v14, v1  }
0xa4: {  	s5 =	spop (v2sf);
	vm1 =	vgt.s32 v11, $0xC7;
	v15 =	vld [tilespmem:s4+$0x0];
	v8 =	vnsel vm2, $0x0, v8  }
0xa5: {  	(xrf0) =	vadd.scan.msk.s32 $0xffff, v7;
	s5 =	sadd.s32 s25, s5;
	v26 =	vnsel vm1, $0x80000010, v4  }
0xa6: {  	p1 =	sgt.s32 s5, $0xC7;
	(xrf0) =	vmin.scan.msk.u32 $0xffff, v26  }
0xa7: {  	(v2sf) =	vpush v13, $0xF;
	p0 =	por !p0, !p1;
	(xrf0) =	vadd.scan.msk.s32 $0xffff, v8;
	v8, _, _ =	vpop (xrf0)  }
0xa8: {  	s18 =	spop (v2sf);
	p0 =	por !p0, !p0;
	(v2sf) =	vpush v8, $0xF  }
0xa9: {  	s6 =	simm.s32 @!p0 $0x0;
	s26 =	simm.s32 @p0 $0x1;
	(xrf0) =	vadd.scan.msk.s32 $0xffff, v15  }
0xaa: {  	s6 =	simm.s32 @p0 $0x1;
	p0 =	seq.s32 s26, $0x0  }
0xab: {  	s12 =	sxor.u32 $0x80000000, s18;
	s25 =	smov.u32 @p0 s5  }
0xac: {  	s4 =	sadd.s32 $0xFFFFFFF0, s4;
	p1 =	slt.s32 s12, $0xF;
	v8 =	vperm.xlane v15, v3;
	v29, _, _ =	vpop (xrf0);
	v27 =	vadd.s32 s25, v12  }
0xad: {  	v28 =	vld [tilespmem:s4+$0x0];
	s12 =	simm.s32 @!p1 $0xF;
	v16, _, _ =	vpop (xrf0);
	vm1 =	vgt.s32 v27, $0xC7;
	s22 =	spop (v2sf)  }
0xae: {  	v30 =	vmov s12;
	[smem:$0x7F1] =	sst s6;
	(xrf0) =	vadd.scan.msk.s32 $0xffff, v8;
	v32, _, _ =	vpop (xrf0);
	v31 =	vnsel vm1, $0x80000010, v4;
	s6 =	spop (v2sf);
	(v2sf) =	vpush v16, $0xF  }
0xaf: {  	vm2 =	veq.s32 v30, v1;
	(xrf0) =	vmin.scan.msk.u32 $0xffff, v31;
	v33, _, _ =	vpop (xrf0);
	(v2sf) =	vpush v32, $0xF  }
0xb0: {  	v9 =	vnsel vm2, $0x0, v9;
	s5 =	sadd.s32 s25, s6;
	s7 =	spop (v2sf);
	(v2sf) =	vpush v33, $0xF  }
0xb1: {  	(xrf0) =	vadd.scan.msk.s32 $0xffff, v9;
	p6 =	sgt.s32 s5, $0xC7  }
0xb2: {  	(xrf0) =	vadd.scan.msk.s32 $0xffff, v28;
	p0 =	por !p0, !p6  }
0xb3: {  	p0 =	por !p0, !p0  }
0xb4: {  	v36, _, _ =	vpop (xrf0);
	s26 =	simm.s32 @p0 $0x1  }
0xb5: {  	v17, _, _ =	vpop (xrf0);
	p5 =	seq.s32 s26, $0x0  }
0xb6: {  	s4 =	sadd.s32 $0xFFFFFFF0, s4;
	(v2sf) =	vpush v17, $0xF;
	s25 =	smov.u32 @p5 s5;
	s5 =	spop (v2sf)  }
0xb7: {  	s13 =	sxor.u32 $0x80000000, s7;
	s6 =	simm.s32 @!p0 $0x0;
	v39, _, _ =	vpop (xrf0);
	s8 =	spop (v2sf)  }
0xb8: {  	s6 =	simm.s32 @p0 $0x1;
	p0 =	slt.s32 s13, $0xF;
	(v2sf) =	vpush v39, $0xF;
	v40, _, _ =	vpop (xrf0);
	s7 =	sadd.s32 s25, s8  }
0xb9: {  	v35 =	vld [tilespmem:s4+$0x0];
	v34 =	vperm.xlane v28, v3;
	s13 =	simm.s32 @!p0 $0xF;
	(v2sf) =	vpush v40, $0xF;
	v14 =	vadd.s32 s25, v29;
	p1 =	sgt.s32 s7, $0xC7  }
0xba: {  	v37 =	vmov s13;
	vm1 =	vgt.s32 v14, $0xC7;
	p0 =	por !p5, !p1  }
0xbb: {  	(xrf0) =	vadd.scan.msk.s32 $0xffff, v34;
	vm2 =	veq.s32 v37, v1;
	v38 =	vnsel vm1, $0x80000010, v4;
	p0 =	por !p0, !p0  }
0xbc: {  	[smem:$0x7F2] =	sst s6;
	v10 =	vnsel vm2, $0x0, v10;
	(xrf0) =	vmin.scan.msk.u32 $0xffff, v38;
	s6 =	simm.s32 @!p0 $0x0  }
0xbd: {  	(xrf0) =	vadd.scan.msk.s32 $0xffff, v10;
	s26 =	simm.s32 @p0 $0x1;
	s6 =	simm.s32 @p0 $0x1;
	s8 =	spop (v2sf)  }
0xbe: {  	(xrf0) =	vadd.scan.msk.s32 $0xffff, v35;
	p0 =	seq.s32 s26, $0x0;
	[smem:$0x7F3] =	sst s6;
	s6 =	spop (v2sf)  }
0xbf: {  	s25 =	smov.u32 @p0 s7;
	s9 =	spop (v2sf)  }
0xc0: {  	s9 =	sadd.s32 s25, s9  }
0xc1: {  	v41, _, _ =	vpop (xrf0);
	p6 =	sgt.s32 s9, $0xC7  }
0xc2: {  	v42, _, _ =	vpop (xrf0);
	p0 =	por !p0, !p6  }
0xc3: {  	(v2sf) =	vpush v42, $0xF;
	v43, _, _ =	vpop (xrf0);
	p0 =	por !p0, !p0  }
0xc4: {  	[dreg:$0xe] =	wrdreg s22;
	(v2sf) =	vpush v43, $0xF;
	v44, _, _ =	vpop (xrf0);
	s7 =	simm.s32 @!p0 $0x0  }
0xc5: {  	s22 =	sxor.u32 $0x80000000, s8;
	(v2sf) =	vpush v44, $0xF;
	s10 =	spop (v2sf);
	s7 =	simm.s32 @p0 $0x1  }
0xc6: {  	s26 =	simm.s32 @p0 $0x1;
	p0 =	slt.s32 s22, $0xF;
	[smem:$0x7F4] =	sst s7  }
0xc7: {  	s22 =	simm.s32 @!p0 $0xF;
	s7 =	spop (v2sf);
	p0 =	seq.s32 s26, $0x0  }
0xc8: {  	v46 =	vadd.s32 s25, v36;
	s25 =	smov.u32 @p0 s9;
	s11 =	spop (v2sf)  }
0xc9: {  	s4 =	sadd.s32 $0xFFFFFFF0, s4;
	s9 =	sadd.s32 s25, s11  }
0xca: {  	v47 =	vld [tilespmem:s4+$0x0];
	v45 =	vperm.xlane v35, v3;
	p5 =	sgt.s32 s9, $0xC7  }
0xcb: {  	p0 =	por !p0, !p5  }
0xcc: {  	(xrf0) =	vadd.scan.msk.s32 $0xffff, v45;
	vm1 =	vgt.s32 v46, $0xC7;
	v48 =	vmov s22;
	p0 =	por !p0, !p0  }
0xcd: {  	v5 =	vsub.s32 v11, v5;
	v49 =	vnsel vm1, $0x80000010, v4;
	s4 =	sxor.u32 $0x80000000, s10;
	vm2 =	veq.s32 v48, v1;
	s8 =	simm.s32 @!p0 $0x0  }
0xce: {  	(xrf0) =	vmin.scan.msk.u32 $0xffff, v49;
	v5 =	vnsel vm2, $0x0, v5;
	s26 =	simm.s32 @p0 $0x1;
	s8 =	simm.s32 @p0 $0x1;
	p0 =	slt.s32 s4, $0xF  }
0xcf: {  	v50 =	vadd.s32 s25, v41;
	(xrf0) =	vadd.scan.msk.s32 $0xffff, v5;
	v5 =	vperm.xlane v47, v3;
	s4 =	simm.s32 @!p0 $0xF  }
0xd0: {  	vm1 =	vgt.s32 v50, $0xC7;
	(xrf0) =	vadd.scan.msk.s32 $0xffff, v47;
	v53 =	vmov s4  }
0xd1: {  	v6 =	vsub.s32 v27, v6;
	v51 =	vnsel vm1, $0x80000010, v4;
	(xrf0) =	vadd.scan.msk.s32 $0xffff, v5;
	vm1 =	veq.s32 v53, v1  }
0xd2: {  	v52, _, _ =	vpop (xrf0);
	(xrf0) =	vmin.scan.msk.u32 $0xffff, v51;
	s10 =	spop (v2sf);
	v6 =	vnsel vm1, $0x0, v6  }
0xd3: {  	[smem:$0x7F5] =	sst s8;
	p0 =	seq.s32 s26, $0x0;
	s8 =	spop (v2sf)  }
0xd4: {  	v55, _, _ =	vpop (xrf0);
	s25 =	smov.u32 @p0 s9;
	s14 =	spop (v2sf)  }
0xd5: {  	s11 =	sadd.s32 s25, s14;
	(xrf0) =	vadd.scan.msk.s32 $0xffff, v6;
	v6, _, _ =	vpop (xrf0)  }
0xd6: {  	(v2sf) =	vpush v55, $0xF;
	v54 =	vadd.s32 s25, v52;
	p6 =	sgt.s32 s11, $0xC7;
	v57, _, _ =	vpop (xrf0)  }
0xd7: {  	s9 =	sxor.u32 $0x80000000, s10;
	vm1 =	vgt.s32 v54, $0xC7;
	p0 =	por !p0, !p6;
	(v2sf) =	vpush v6, $0xF;
	v6, _, _ =	vpop (xrf0)  }
0xd8: {  	v56 =	vnsel vm1, $0x80000010, v4;
	p6 =	por !p0, !p0;
	p0 =	slt.s32 s9, $0xF;
	(v2sf) =	vpush v57, $0xF;
	v58, _, _ =	vpop (xrf0)  }
0xd9: {  	(xrf0) =	vmin.scan.msk.u32 $0xffff, v56;
	s9 =	simm.s32 @!p0 $0xF;
	(v2sf) =	vpush v58, $0xF  }
0xda: {  	v59 =	vmov s9  }
0xdb: {  	v7 =	vsub.s32 v14, v7;
	vm1 =	veq.s32 v59, v1  }
0xdc: {  	v60, _, _ =	vpop (xrf0);
	v7 =	vnsel vm1, $0x0, v7  }
0xdd: {  	(v2sf) =	vpush v60, $0xF;
	_ =	sdelay $0x1  }
0xde: {  	s26 =	simm.s32 @p6 $0x1;
	(xrf0) =	vadd.scan.msk.s32 $0xffff, v7;
	v7, _, _ =	vpop (xrf0)  }
0xdf: {  	p5 =	seq.s32 s26, $0x0;
	(v2sf) =	vpush v7, $0xF  }
0xe0: {  	s25 =	smov.u32 @p5 s11  }
0xe1: {  	v6 =	vadd.s32 s25, v6  }
0xe2: {  	vm1 =	vgt.s32 v6, $0xC7  }
0xe3: {  	v61 =	vnsel vm1, $0x80000010, v4  }
0xe4: {  	(xrf0) =	vmin.scan.msk.u32 $0xffff, v61;
	s18 =	spop (v2sf)  }
0xe5: {  	s26 =	spop (v2sf)  }
0xe6: {  	s11 =	spop (v2sf)  }
0xe7: {  	s10 =	sxor.u32 $0x80000000, s18;
	s14 =	spop (v2sf)  }
0xe8: {  	p0 =	slt.s32 s10, $0xF;
	s18 =	sxor.u32 $0x80000000, s14  }
0xe9: {  	v7, _, _ =	vpop (xrf0);
	s10 =	simm.s32 @!p0 $0xF;
	p0 =	slt.s32 s18, $0xF  }
0xea: {  	(v2sf) =	vpush v7, $0xF;
	v7, _, _ =	vpop (xrf0);
	s18 =	simm.s32 @!p0 $0xF;
	p0 =	por p4, p4  }
0xeb: {  	(v2sf) =	vpush v7, $0xF;
	s14 =	spop (v2sf);
	[smem:$0x7F0] =	sst s0;
	s0 =	simm.s32 @!p0 $0x0  }
0xec: {  	s2 =	ssub.s32 s2, s12;
	s1 =	ssub.s32 s1, s13;
	s0 =	simm.s32 @p0 $0x1  }
0xed: {  	p4 =	por p3, p3;
	s24 =	smov.u32 @p0 s2;
	[smem:$0x7F6] =	sst s0  }
0xee: {  	p1 =	por p4, p4;
	s0 =	sld [smem:$0x7F0];
	s12 =	spop (v2sf)  }
0xef: {  	s2 =	sxor.u32 $0x80000000, s12;
	s12 =	simm.s32 @!p1 $0x0;
	s13 =	sld [smem:$0x7F1]  }
0xf0: {  	s4 =	ssub.s32 s30, s4;
	s24 =	smov.u32 @p1 s1;
	s12 =	simm.s32 @p1 $0x1  }
0xf1: {  	p0 =	slt.s32 s2, $0xF;
	s0 =	ssub.s32 s0, s22;
	s22 =	sld [smem:$0x7F2]  }
0xf2: {  	[smem:$0x7F7] =	sst s12;
	s2 =	simm.s32 @!p0 $0xF;
	p1 =	seq.s32 s13, $0x1  }
0xf3: {  	s12 =	sadd.s32 s25, s11;
	s25 =	sld [smem:$0x7F4];
	p0 =	por p1, p1  }
0xf4: {  	p4 =	sgt.s32 s12, $0xC7;
	p1 =	por p0, p0;
	p3 =	seq.s32 s22, $0x1  }
0xf5: {  	s22 =	sld [smem:$0x7F3];
	s1 =	simm.s32 @!p1 $0x0;
	p0 =	por p3, p3  }
0xf6: {  	s24 =	smov.u32 @p1 s0;
	s1 =	simm.s32 @p1 $0x1;
	p1 =	por p0, p0  }
0xf7: {  	p3 =	seq.s32 s25, $0x1;
	[smem:$0x7F8] =	sst s1;
	s1 =	simm.s32 @!p1 $0x0  }
0xf8: {  	p0 =	por !p5, !p4;
	s24 =	smov.u32 @p1 s4;
	s1 =	simm.s32 @p1 $0x1  }
0xf9: {  	p5 =	seq.s32 s22, $0x1;
	[smem:$0x7F9] =	sst s1;
	s1 =	spop (v2sf)  }
0xfa: {  	s4 =	ssub.s32 s29, s9;
	p1 =	por p5, p5;
	s13 =	spop (v2sf)  }
0xfb: {  	s29 =	sld [smem:$0x7F5];
	p4 =	por p1, p1;
	s9 =	sxor.u32 $0x80000000, s13  }
0xfc: {  	p1 =	por p3, p3;
	s0 =	simm.s32 @!p4 $0x0;
	p3 =	slt.s32 s9, $0xF  }
0xfd: {  	s0 =	simm.s32 @p4 $0x1;
	s9 =	simm.s32 @!p3 $0xF;
	p3 =	por p1, p1  }
0xfe: {  	p0 =	por !p0, !p0;
	[smem:$0x7FA] =	sst s0;
	s0 =	simm.s32 @!p3 $0x0  }
0xff: {  	p6 =	por p6, p6;
	p0 =	por p0, p0;
	s0 =	simm.s32 @p3 $0x1  }
0x100: {  	p5 =	seq.s32 s29, $0x1;
	[smem:$0x7FB] =	sst s0;
	s0 =	simm.s32 $0x10  }
0x101: {  	v10 =	vsub.s32 v54, v45;
	v6 =	vsub.s32 v6, v5;
	s24 =	smov.u32 @p4 s4;
	s4 =	ssub.s32 s28, s10;
	p1 =	por p5, p5;
	v9 =	vld [tilespmem:s0+$0xFFFFFFF0]  }
0x102: {  	v62 =	vmov s10;
	v7 =	vsub.s32 v46, v8;
	v8 =	vsub.s32 v50, v34;
	s24 =	smov.u32 @p3 s4;
	p4 =	por p1, p1;
	s4 =	ssub.s32 s17, s18  }
0x103: {  	vm1 =	veq.s32 v62, v1;
	v5 =	vmov s18;
	v63 =	vmov s2;
	p5 =	por p6, p6;
	s24 =	smov.u32 @p4 s4;
	s4 =	ssub.s32 s31, s2  }
0x104: {  	v7 =	vnsel vm1, $0x0, v7;
	vm1 =	veq.s32 v5, v1;
	vm2 =	veq.s32 v63, v1;
	p3 =	por p0, p0;
	s2 =	ssub.s32 s3, s9;
	s24 =	smov.u32 @p5 s4  }
0x105: {  	v5 =	vnsel vm1, $0x0, v8;
	(xrf0) =	vadd.scan.msk.s32 $0xffff, v7;
	v7 =	vnsel vm2, $0x0, v10;
	v8 =	vmov s9;
	s24 =	smov.u32 @p3 s2  }
0x106: {  	(xrf0) =	vadd.scan.msk.s32 $0xffff, v5;
	vm1 =	veq.s32 v8, v1;
	v5 =	vmov s24;
	v8 =	vshra.s32 v9, $0x15  }
0x107: {  	(xrf0) =	vadd.scan.msk.s32 $0xffff, v7;
	v6 =	vnsel vm1, $0x0, v6;
	vm1 =	vgt.s32 v8, v5  }
0x108: {  	(xrf0) =	vadd.scan.msk.s32 $0xffff, v6;
	v6 =	vsel vm1, $0x1, v0  }
0x109: {  	(xrf0) =	vadd.scan.msk.s32 $0xffff, v6;
	_ =	sdelay $0x1  }
0x10a: {  	v6, _, _ =	vpop (xrf0)  }
0x10b: {  	(v2sf) =	vpush v6, $0xF;
	v6, _, _ =	vpop (xrf0)  }
0x10c: {  	(v2sf) =	vpush v6, $0xF;
	v6, _, _ =	vpop (xrf0)  }
0x10d: {  	(v2sf) =	vpush v6, $0xF;
	v6, _, _ =	vpop (xrf0)  }
0x10e: {  	(v2sf) =	vpush v6, $0xF;
	v6, _, _ =	vpop (xrf0)  }
0x10f: {  	(v2sf) =	vpush v6, $0xF;
	_ =	sdelay $0xa  }
0x110: {  	s10 =	spop (v2sf)  }
0x111: {  	s9 =	spop (v2sf)  }
0x112: {  	s4 =	spop (v2sf)  }
0x113: {  	s3 =	spop (v2sf)  }
0x114: {  	s30 =	simm.s32 $0x0;
	s11 =	simm.s32 $0x0;
	vm1 =	veq.s32 v8, v5;
	s2 =	spop (v2sf)  }
0x115: {  	[tilespmem:s11+$0xEB80] =	vst.msk vm1, v9;
	v6 =	vor.u32 s30, v1;
	p0 =	slt.s32 s2, $0x1  }
0x116: {  	[tilespmem:s11+$0x13A00] =	vst.msk vm1, v6;
	vm2 =	vgt.s32 @!p0 v8, v5  }
0x117: {  	[tilespmem:s11+$0x1C000] =	vst.msk @!p0 vm2, v9  }
0x118: {  	[tilespmem:s11+$0x1C100] =	vst.msk @!p0 vm2, v6  }
0x119: {  	v7 =	vld [tilespmem:s0+$0x0];
	_ =	sdelay $0x4  }
0x11a: {  	v8 =	vshra.s32 v7, $0x15  }
0x11b: {  	s12 =	sld [smem:$0x7FD];
	v6 =	vsel vm1, $0x1, v0;
	vm1 =	vgt.s32 v8, v5  }
0x11c: {  	s22 =	sld [smem:$0x7F9];
	(xrf0) =	vadd.scan.msk.s32 $0xffff, v6;
	v6 =	vsel vm1, $0x1, v0  }
0x11d: {  	s31 =	sld [smem:$0x7FC];
	vm1 =	veq.s32 v8, v5;
	(xrf0) =	vadd.scan.msk.s32 $0xffff, v6  }
0x11e: {  	s13 =	sld [smem:$0x7F6];
	v6 =	vsel vm1, $0x1, v0  }
0x11f: {  	s25 =	sld [smem:$0x7FA];
	(xrf0) =	vadd.scan.msk.s32 $0xffff, v6  }
0x120: {  	p6 =	seq.s32 s12, $0x1;
	s17 =	sld [smem:$0x7F7];
	p1 =	seq.s32 s31, $0x1  }
0x121: {  	s18 =	sld [smem:$0x7F8];
	p0 =	por p1, p1;
	p1 =	por p6, p6  }
0x122: {  	s11 =	rddreg [dreg:$0xe];
	p6 =	por p2, p2;
	p2 =	seq.s32 s13, $0x1;
	v6, _, _ =	vpop (xrf0)  }
0x123: {  	s23 =	smov.u32 @p0 s11;
	p1 =	por p1, p1;
	p0 =	por p6, p6;
	(v2sf) =	vpush v6, $0xF;
	v6, _, _ =	vpop (xrf0)  }
0x124: {  	p6 =	seq.s32 s17, $0x1;
	s23 =	smov.u32 @p1 s5;
	p1 =	por p2, p2;
	(v2sf) =	vpush v6, $0xF  }
0x125: {  	p0 =	por p0, p0;
	p2 =	por p6, p6;
	p1 =	por p1, p1;
	v6, _, _ =	vpop (xrf0)  }
0x126: {  	p6 =	seq.s32 s18, $0x1;
	s23 =	smov.u32 @p0 s6;
	p0 =	por p1, p1;
	(v2sf) =	vpush v6, $0xF  }
0x127: {  	p2 =	por p2, p2;
	s23 =	smov.u32 @p0 s7;
	p0 =	por p6, p6  }
0x128: {  	p1 =	por p2, p2;
	p2 =	seq.s32 s22, $0x1;
	p0 =	por p0, p0  }
0x129: {  	p6 =	seq.s32 s25, $0x1;
	s23 =	smov.u32 @p1 s8;
	p0 =	por p0, p0  }
0x12a: {  	p1 =	por p2, p2;
	s23 =	smov.u32 @p0 s26;
	s26 =	sld [smem:$0x7FB]  }
0x12b: {  	p2 =	por p6, p6;
	p1 =	por p1, p1  }
0x12c: {  	p2 =	por p2, p2;
	p0 =	por p1, p1  }
0x12d: {  	p1 =	por p2, p2;
	p2 =	por p4, p4;
	p6 =	seq.s32 s26, $0x1  }
0x12e: {  	p4 =	por p5, p5;
	s23 =	smov.u32 @p0 s14;
	p0 =	por p6, p6  }
0x12f: {  	p5 =	por p4, p4;
	s23 =	smov.u32 @p1 s1;
	p0 =	por p0, p0  }
0x130: {  	p1 =	por p2, p2;
	s1 =	simm.s32 $0x0;
	p0 =	por p0, p0  }
0x131: {  	p6 =	por p3, p3;
	s23 =	smov.u32 @p0 s10;
	p0 =	por p1, p1  }
0x132: {  	p1 =	por p5, p5;
	s23 =	smov.u32 @p0 s9;
	s28 =	spop (v2sf)  }
0x133: {  	p0 =	por p6, p6;
	s29 =	sadd.s32 $0x0, s28;
	s30 =	spop (v2sf)  }
0x134: {  	s23 =	smov.u32 @p1 s4;
	p0 =	por p0, p0;
	v6 =	vor.u32 s0, v1;
	[tilespmem:s29+$0xEB80] =	vst.msk vm1, v7;
	p1 =	slt.s32 s30, $0x1  }
0x135: {  	s4 =	sadd.s32 $0x0, s2;
	s2 =	simm.s32 $0x10;
	[tilespmem:s29+$0x13A00] =	vst.msk vm1, v6;
	s31 =	spop (v2sf);
	vm1 =	vgt.s32 @!p1 v8, v5  }
0x136: {  	s23 =	smov.u32 @p0 s3;
	s25 =	sadd.s32 s4, s30;
	s3 =	sadd.s32 s29, s31;
	[tilespmem:s4+$0x1C000] =	vst.msk @!p1 vm1, v7  }
.LBB2_8:
0x137: {  	s1 =	sadd.s32 $0x2, s1;
	[tilespmem:s4+$0x1C100] =	vst.msk @!p1 vm1, v6;
	s0 =	sadd.s32 $0x20, s0;
	s2 =	sadd.s32 $0x20, s2  }
0x138: {  	v6 =	vld [tilespmem:s0+$0xFFFFFFF0];
	p0 =	slt.u32 s1, $0x4E0;
	_ =	sdelay $0x4  }
0x139: {  	v7 =	vshra.s32 v6, $0x15  }
0x13a: {  	vm1 =	veq.s32 v7, v5;
	vm2 =	vgt.s32 v7, v5  }
0x13b: {  	v8 =	vsel vm2, $0x1, v0  }
0x13c: {  	v9 =	vsel vm1, $0x1, v0;
	(xrf0) =	vadd.scan.msk.s32 $0xffff, v8  }
0x13d: {  	(xrf0) =	vadd.scan.msk.s32 $0xffff, v9;
	_ =	sdelay $0x4  }
0x13e: {  	v8, _, _ =	vpop (xrf0)  }
0x13f: {  	(v2sf) =	vpush v8, $0xF;
	v8, _, _ =	vpop (xrf0)  }
0x140: {  	(v2sf) =	vpush v8, $0xF;
	_ =	sdelay $0xd  }
0x141: {  	s4 =	sadd.s32 $0xFFFFFFF0, s2;
	s5 =	spop (v2sf)  }
0x142: {  	v8 =	vor.u32 s4, v1;
	[tilespmem:s3+$0xEB80] =	vst.msk vm1, v6;
	p1 =	slt.s32 s5, $0x1;
	s4 =	spop (v2sf)  }
0x143: {  	[tilespmem:s3+$0x13A00] =	vst.msk vm1, v8;
	vm1 =	vgt.s32 @!p1 v7, v5  }
0x144: {  	[tilespmem:s25+$0x1C000] =	vst.msk @!p1 vm1, v6  }
0x145: {  	[tilespmem:s25+$0x1C100] =	vst.msk @!p1 vm1, v8  }
0x146: {  	v7 =	vld [tilespmem:s0+$0x0];
	_ =	sdelay $0x4  }
0x147: {  	v8 =	vshra.s32 v7, $0x15  }
0x148: {  	s3 =	sadd.s32 s3, s4;
	vm1 =	veq.s32 v8, v5;
	vm2 =	vgt.s32 v8, v5  }
0x149: {  	v6 =	vor.u32 s2, v1;
	[tilespmem:s3+$0xEB80] =	vst.msk vm1, v7;
	v9 =	vsel vm2, $0x1, v0;
	v10 =	vsel vm1, $0x1, v0  }
0x14a: {  	[tilespmem:s3+$0x13A00] =	vst.msk vm1, v6;
	(xrf0) =	vadd.scan.msk.s32 $0xffff, v9  }
0x14b: {  	(xrf0) =	vadd.scan.msk.s32 $0xffff, v10;
	_ =	sdelay $0x4  }
0x14c: {  	v9, _, _ =	vpop (xrf0)  }
0x14d: {  	(v2sf) =	vpush v9, $0xF;
	v9, _, _ =	vpop (xrf0)  }
0x14e: {  	(v2sf) =	vpush v9, $0xF;
	_ =	sdelay $0xc  }
.Ltmp3:
0x14f: {  	(pc) =	sbr.rel @p0 .LBB2_8-.Ltmp3, $4  }
0x150: {  	s4 =	sadd.s32 s25, s5;
	s5 =	spop (v2sf)  }
0x151: {  	p1 =	slt.s32 s5, $0x1;
	s25 =	sadd.s32 s4, s5;
	s5 =	spop (v2sf)  }
0x152: {  	vm1 =	vgt.s32 @!p1 v8, v5;
	s3 =	sadd.s32 s3, s5  }
0x153: {  	[tilespmem:s4+$0x1C000] =	vst.msk @!p1 vm1, v7  }
0x154: {  	[tilespmem:s4+$0x1C100] =	vst.msk @!p1 vm1, v6;
	s0 =	simm.s32 $0x40;
	s1 =	simm.s32 $0x0  }
.LBB2_10:
0x155: {  	p0 =	seq.s32 s0, $0x1FC0;
	[tilespmem:s1+$0x18880] =	vst v0;
	s1 =	smov.u32 s0;
	s0 =	sadd.s32 $0x40, s0  }
.Ltmp4:
0x156: {  	(pc) =	sbr.rel @!p0 .LBB2_10-.Ltmp4, $2  }
0x157: {  	_ =	sdelay $0x2  }
0x158: {  	s1 =	sshra.s32 s1, $0x2  }
0x159: {  	s0 =	sadd.s32 $0xF, s3  }
0x15a: {  	s30 =	sand.u32 $0xF, s0  }
0x15b: {  	s2 =	sshra.s32 s0, $0x1F;
	p0 =	slt.s32 s0, $0x1;
	p1 =	sne.s32 s30, $0x0  }
0x15c: {  	s31 =	sshrl.u32 s2, $0x1C;
	p0 =	por !p0, !p1  }
0x15d: {  	[tilespmem:s1+$0x18880] =	vst v0;
	s1 =	simm.s32 $0x1;
	s0 =	sadd.s32 s31, s0;
	p0 =	por !p0, !p0  }
0x15e: {  	s0 =	sshra.s32 s0, $0x4;
	s1 =	simm.s32 @!p0 $0x0  }
0x15f: {  	s4 =	ssub.s32 s0, s1  }
0x160: {  	p0 =	slt.s32 s4, $0x1  }
.Ltmp5:
0x161: {  	_ = 	snop;
	(pc) =	sbr.rel @p0 .LBB2_18-.Ltmp5, $4  }
0x162: {  	_ = 	snop  }
0x163: {  	s0 =	simm.s32 @!p0 $0x0  }
0x164: {  	s0 =	simm.s32 @p0 $0x1  }
0x165: {  	v5 =	vmov s3;
	[smem:$0x7EF] =	sst s0  }
0x166: {  	p1 =	seq.s32 s4, $0x1  }
.Ltmp6:
0x167: {  	_ = 	snop;
	(pc) =	sbr.rel @p1 .LBB2_13-.Ltmp6, $3  }
0x168: {  	_ =	sdelay $0x1  }
0x169: {  	s1 =	simm.s32 $0xEB80  }
0x16a: {  	s0 =	simm.s32 $0x0;
	p0 =	por $0x0, $0x0;
	v6 =	vld [tilespmem:s1+$0x0];
	s1 =	sadd.s32 $0xFFFFFFFF, s4  }
0x16b: {  	_ =	sdelay $0x3  }
0x16c: {  	v7 =	vor.u32 s0, v1;
	v6 =	vshrl.u32 v6, $0xA  }
0x16d: {  	vm1 =	vlt.s32 v7, v5;
	v6 =	vand.u32 $0x7FF, v6  }
0x16e: {  	(xrf1) =	vunique.msk.u32 vm1, v6;
	_ =	sdelay $0xd  }
0x16f: {  	_, v7, vm1 =	vpop (xrf1);
	_ =	sdelay $0x1  }
0x170: {  	p1 =	seq.s32 s1, $0x1  }
.Ltmp7:
0x171: {  	_ = 	snop;
	(pc) =	sbr.rel @p1 .LBB2_15-.Ltmp7, $4  }
0x172: {  	_ = 	snop  }
0x173: {  	v7 =	vadd.s32 v2, v7  }
0x174: {  	s2 =	simm.s32 $0xEB90;
	[tilespmem:v6+s15+$0x0] =	vst.idx.add.s32.msk vm1, v7  }
0x175: {  	s3 =	sadd.s32 $0xFFFFFFFF, s1;
	p0 =	por $0x1, $0x1;
	s1 =	simm.s32 $0x0;
	v6 =	vld [tilespmem:s2+$0x0]  }
.LBB2_16:
0x176: {  	p1 =	seq.s32 s3, $0x1;
	_ =	sdelay $0x2  }
0x177: {  	s1 =	sadd.s32 $0x10, s1  }
0x178: {  	v7 =	vor.u32 s1, v1;
	v6 =	vshrl.u32 v6, $0xA  }
0x179: {  	vm1 =	vlt.s32 v7, v5;
	v6 =	vand.u32 $0x7FF, v6  }
0x17a: {  	(xrf1) =	vunique.msk.u32 vm1, v6;
	_ =	sdelay $0xd  }
0x17b: {  	_, v7, vm1 =	vpop (xrf1);
	_ =	sdelay $0x2  }
.Ltmp8:
0x17c: {  	(pc) =	sbr.rel @!p1 .LBB2_16-.Ltmp8, $4  }
0x17d: {  	_ = 	snop  }
0x17e: {  	v7 =	vadd.s32 v2, v7  }
0x17f: {  	s2 =	sadd.s32 $0x10, s2;
	[tilespmem:v6+s15+$0x0] =	vst.idx.add.s32.msk vm1, v7  }
0x180: {  	s3 =	sadd.s32 $0xFFFFFFFF, s3;
	v6 =	vld [tilespmem:s2+$0x0]  }
.LBB2_17:
0x181: {  	_ =	sdelay $0x1  }
0x182: {  	s1 =	sadd.s32 @p0 $0x10, s1  }
0x183: {  	s0 =	smov.u32 @p0 s1  }
0x184: {  	v7 =	vor.u32 s0, v1;
	v6 =	vshrl.u32 v6, $0xA  }
0x185: {  	vm1 =	vlt.s32 v7, v5;
	v6 =	vand.u32 $0x7FF, v6  }
0x186: {  	(xrf1) =	vunique.msk.u32 vm1, v6;
	_ =	sdelay $0xd  }
0x187: {  	_, v7, vm1 =	vpop (xrf1);
	_ =	sdelay $0x4  }
0x188: {  	v7 =	vadd.s32 v2, v7  }
0x189: {  	[tilespmem:v6+s15+$0x0] =	vst.idx.add.s32.msk vm1, v7  }
.LBB2_18:
0x18a: {  	s0 =	simm.s32 $0x19070  }
0x18b: {  	v7 =	vld [tilespmem:s0+$0x0];
	_ =	sdelay $0x4  }
0x18c: {  	(xrf0) =	vadd.scan.msk.s32 $0xffff, v7;
	_ =	sdelay $0x5  }
0x18d: {  	s5 =	simm.s32 $0x19060;
	v9, _, _ =	vpop (xrf0)  }
0x18e: {  	v8 =	vld [tilespmem:s5+$0x0];
	(v2sf) =	vpush v9, $0xF;
	_ =	sdelay $0x3  }
0x18f: {  	v7 =	vperm.xlane v7, v3  }
0x190: {  	(xrf0) =	vadd.scan.msk.s32 $0xffff, v8  }
0x191: {  	(xrf0) =	vadd.scan.msk.s32 $0xffff, v7;
	_ =	sdelay $0x1  }
0x192: {  	s6 =	simm.s32 $0x19050  }
0x193: {  	v9 =	vld [tilespmem:s6+$0x0];
	_ =	sdelay $0x1  }
0x194: {  	v10, _, _ =	vpop (xrf0)  }
0x195: {  	s30 =	ssub.s32 $0xC8, s23;
	s28 =	simm.s32 $0x0;
	(v2sf) =	vpush v10, $0xF;
	v10, _, _ =	vpop (xrf0)  }
0x196: {  	v6 =	vmov s30;
	v8 =	vperm.xlane v8, v3;
	v10 =	vadd.s32 s28, v10  }
0x197: {  	vm1 =	vlt.s32 v10, v6;
	(xrf0) =	vadd.scan.msk.s32 $0xffff, v9  }
0x198: {  	v11 =	vsel vm1, $0x80000010, v4;
	(xrf0) =	vadd.scan.msk.s32 $0xffff, v8;
	s7 =	spop (v2sf)  }
0x199: {  	s1 =	simm.s32 $0x19040;
	(xrf0) =	vmin.scan.msk.u32 $0xffff, v11;
	s2 =	sadd.s32 $0x0, s7  }
0x19a: {  	p0 =	por $0x1, $0x1;
	v12 =	vld [tilespmem:s1+$0x0];
	p1 =	sge.s32 s2, s30  }
0x19b: {  	p0 =	por !p0, !p1  }
0x19c: {  	[dreg:$0xd] =	wrdreg s4;
	s4 =	simm.s32 $0x0;
	p0 =	por !p0, !p0  }
0x19d: {  	v11, _, _ =	vpop (xrf0);
	s4 =	simm.s32 @p0 $0x1  }
0x19e: {  	s0 =	simm.s32 $0x0;
	v13, _, _ =	vpop (xrf0);
	p1 =	seq.s32 s4, $0x0  }
0x19f: {  	(v2sf) =	vpush v11, $0xF;
	v11, _, _ =	vpop (xrf0);
	(xrf0) =	vadd.scan.msk.s32 $0xffff, v12;
	s0 =	smov.u32 @p1 s2  }
0x1a0: {  	v9 =	vperm.xlane v9, v3;
	(v2sf) =	vpush v11, $0xF;
	v11 =	vadd.s32 s0, v13  }
0x1a1: {  	vm1 =	vlt.s32 v11, v6  }
0x1a2: {  	(xrf0) =	vadd.scan.msk.s32 $0xffff, v9;
	v48 =	vsel vm1, $0x80000010, v4  }
0x1a3: {  	(xrf0) =	vmin.scan.msk.u32 $0xffff, v48;
	_ =	sdelay $0x1  }
0x1a4: {  	v49, _, _ =	vpop (xrf0)  }
0x1a5: {  	s8 =	spop (v2sf);
	(v2sf) =	vpush v49, $0xF  }
0x1a6: {  	s9 =	simm.s32 $0x19030;
	s1 =	sadd.s32 s0, s8  }
0x1a7: {  	v14 =	vld [tilespmem:s9+$0x0];
	v15, _, _ =	vpop (xrf0);
	p2 =	sge.s32 s1, s30  }
0x1a8: {  	p1 =	por !p1, !p2;
	v51, _, _ =	vpop (xrf0)  }
0x1a9: {  	p1 =	por !p1, !p1;
	(v2sf) =	vpush v51, $0xF  }
0x1aa: {  	s4 =	simm.s32 @p1 $0x1  }
0x1ab: {  	p2 =	seq.s32 s4, $0x0  }
0x1ac: {  	(xrf0) =	vadd.scan.msk.s32 $0xffff, v14;
	s0 =	smov.u32 @p2 s1  }
0x1ad: {  	s11 =	simm.s32 $0x19020;
	v12 =	vperm.xlane v12, v3;
	s10 =	spop (v2sf);
	v50 =	vadd.s32 s0, v15  }
0x1ae: {  	v52 =	vld [tilespmem:s11+$0x0];
	s2 =	sadd.s32 s0, s10;
	vm1 =	vlt.s32 v50, v6  }
0x1af: {  	(xrf0) =	vadd.scan.msk.s32 $0xffff, v12;
	p5 =	sge.s32 s2, s30;
	v16 =	vsel vm1, $0x80000010, v4  }
0x1b0: {  	s12 =	spop (v2sf);
	p2 =	por !p2, !p5;
	(xrf0) =	vmin.scan.msk.u32 $0xffff, v16  }
0x1b1: {  	s5 =	sxor.u32 $0x80000000, s12;
	p2 =	por !p2, !p2  }
0x1b2: {  	p3 =	slt.s32 s5, $0xF;
	v53, _, _ =	vpop (xrf0);
	s4 =	simm.s32 @p2 $0x1  }
0x1b3: {  	v14 =	vperm.xlane v14, v3;
	s5 =	simm.s32 @!p3 $0xF;
	(v2sf) =	vpush v53, $0xF;
	(xrf0) =	vadd.scan.msk.s32 $0xffff, v52;
	p4 =	seq.s32 s4, $0x0  }
0x1b4: {  	v17 =	vmov s5;
	s13 =	spop (v2sf);
	s0 =	smov.u32 @p4 s2  }
0x1b5: {  	v7 =	vsub.s32 v10, v7;
	v54, _, _ =	vpop (xrf0);
	vm1 =	veq.s32 v17, v1;
	(xrf0) =	vadd.scan.msk.s32 $0xffff, v14;
	s7 =	sadd.s32 s0, s13  }
0x1b6: {  	v7 =	vnsel vm1, $0x0, v7;
	p5 =	sge.s32 s7, s30;
	v10, _, _ =	vpop (xrf0)  }
0x1b7: {  	p6 =	por p1, p1;
	p1 =	por !p4, !p5;
	(v2sf) =	vpush v10, $0xF  }
0x1b8: {  	s6 =	simm.s32 $0x19010;
	v16 =	vadd.s32 s0, v54;
	(xrf0) =	vadd.scan.msk.s32 $0xffff, v7;
	p1 =	por !p1, !p1;
	s14 =	spop (v2sf)  }
0x1b9: {  	vm1 =	vlt.s32 v16, v6;
	v7, _, _ =	vpop (xrf0);
	v10 =	vld [tilespmem:s6+$0x0];
	s4 =	simm.s32 @p1 $0x1;
	s6 =	sxor.u32 $0x80000000, s14  }
0x1ba: {  	v56 =	vsel vm1, $0x80000010, v4;
	(v2sf) =	vpush v7, $0xF;
	p5 =	seq.s32 s4, $0x0;
	p4 =	slt.s32 s6, $0xF  }
0x1bb: {  	(xrf0) =	vmin.scan.msk.u32 $0xffff, v56;
	v7, _, _ =	vpop (xrf0);
	s0 =	smov.u32 @p5 s7;
	s6 =	simm.s32 @!p4 $0xF  }
0x1bc: {  	v8 =	vsub.s32 v11, v8;
	v18 =	vadd.s32 s0, v7;
	v57 =	vmov s6  }
0x1bd: {  	v15 =	vperm.xlane v52, v3;
	vm2 =	vlt.s32 v18, v6;
	vm1 =	veq.s32 v57, v1  }
0x1be: {  	s31 =	simm.s32 $0x7CF;
	v55, _, _ =	vpop (xrf0);
	(xrf0) =	vadd.scan.msk.s32 $0xffff, v10;
	v7 =	vnsel vm1, $0x0, v8;
	v8 =	vsel vm2, $0x80000010, v4  }
0x1bf: {  	s17 =	simm.s32 $0x7BF;
	s3 =	simm.s32 $0x7AF;
	p0 =	por p0, p0;
	(v2sf) =	vpush v55, $0xF;
	(xrf0) =	vadd.scan.msk.s32 $0xffff, v15  }
0x1c0: {  	s29 =	simm.s32 $0x0;
	s9 =	simm.s32 $0x76F;
	p0 =	por p0, p0;
	(xrf0) =	vadd.scan.msk.s32 $0xffff, v7  }
0x1c1: {  	p0 =	por p0, p0;
	s8 =	simm.s32 $0x19000;
	p6 =	por p6, p6;
	(xrf0) =	vmin.scan.msk.u32 $0xffff, v8;
	v8, _, _ =	vpop (xrf0)  }
0x1c2: {  	s1 =	simm.s32 $0x79F;
	s5 =	ssub.s32 $0x7FF, s5;
	s18 =	spop (v2sf);
	(v2sf) =	vpush v8, $0xF  }
0x1c3: {  	p3 =	por p0, p0;
	s29 =	smov.u32 @p0 s5;
	s7 =	sadd.s32 s0, s18  }
0x1c4: {  	p2 =	por p2, p2;
	p4 =	por p6, p6;
	p6 =	sge.s32 s7, s30  }
0x1c5: {  	s5 =	simm.s32 $0x77F;
	s2 =	simm.s32 $0x78F;
	p0 =	por !p5, !p6  }
0x1c6: {  	v58 =	vld [tilespmem:s8+$0x0];
	p5 =	por p2, p2;
	p2 =	por !p0, !p0;
	s22 =	spop (v2sf)  }
0x1c7: {  	s6 =	ssub.s32 $0x7EF, s6;
	s4 =	simm.s32 @p2 $0x1;
	s8 =	sxor.u32 $0x80000000, s22  }
0x1c8: {  	s29 =	smov.u32 @p4 s6;
	p0 =	seq.s32 s4, $0x0;
	p6 =	slt.s32 s8, $0xF  }
0x1c9: {  	s0 =	smov.u32 @p0 s7;
	s26 =	spop (v2sf);
	v59, _, _ =	vpop (xrf0);
	s8 =	simm.s32 @!p6 $0xF  }
0x1ca: {  	v9 =	vsub.s32 v50, v9;
	v7 =	vperm.xlane v10, v3;
	s7 =	simm.s32 $0x18FF0;
	p6 =	por p1, p1;
	p1 =	por p3, p3;
	v10, _, _ =	vpop (xrf0);
	v60 =	vmov s8  }
0x1cb: {  	(xrf0) =	vadd.scan.msk.s32 $0xffff, v58;
	p3 =	por p4, p4;
	s6 =	simm.s32 @!p1 $0x0;
	(v2sf) =	vpush v59, $0xF;
	p4 =	por p6, p6;
	v61 =	vadd.s32 s0, v10;
	vm1 =	veq.s32 v60, v1;
	v8, _, _ =	vpop (xrf0)  }
0x1cc: {  	(xrf0) =	vadd.scan.msk.s32 $0xffff, v7;
	s6 =	simm.s32 @p1 $0x1;
	p1 =	por p5, p5;
	p5 =	por p2, p2;
	v9 =	vnsel vm1, $0x0, v9;
	vm1 =	vlt.s32 v61, v6;
	v62, _, _ =	vpop (xrf0);
	(v2sf) =	vpush v8, $0xF  }
0x1cd: {  	v11 =	vsub.s32 v16, v12;
	[smem:$0x7EE] =	sst s6;
	s6 =	ssub.s32 $0x7DF, s8;
	s8 =	sadd.s32 s0, s26;
	v63 =	vsel vm1, $0x80000010, v4;
	(xrf0) =	vadd.scan.msk.s32 $0xffff, v9;
	(v2sf) =	vpush v62, $0xF  }
0x1ce: {  	v10 =	vsub.s32 v18, v14;
	s29 =	smov.u32 @p1 s6;
	v8 =	vperm.xlane v58, v3;
	v9 =	vsub.s32 v61, v15;
	p2 =	sge.s32 s8, s30;
	s6 =	spop (v2sf);
	(xrf0) =	vmin.scan.msk.u32 $0xffff, v63  }
.LBB2_19:
0x1cf: {  	s11 =	sld [smem:$0x7EE]  }
0x1d0: {  	p0 =	por !p0, !p2  }
0x1d1: {  	s10 =	spop (v2sf);
	s18 =	smov.u32 s9;
	s22 =	sadd.s32 $0xFFFFFFF0, s9  }
0x1d2: {  	v12 =	vld [tilespmem:s7+$0x0];
	p6 =	seq.s32 s9, $0xF;
	s7 =	sadd.s32 $0xFFFFFFF0, s7;
	p2 =	seq.s32 s11, $0x1  }
0x1d3: {  	s10 =	sxor.u32 $0x80000000, s10;
	s28 =	smov.u32 @p2 s6;
	p2 =	por p3, p3  }
0x1d4: {  	p3 =	por p1, p1;
	p1 =	por p4, p4;
	s11 =	simm.s32 @!p2 $0x0  }
0x1d5: {  	p4 =	slt.s32 s10, $0xF;
	s11 =	simm.s32 @p2 $0x1;
	p2 =	por !p0, !p0  }
0x1d6: {  	s9 =	smov.u32 s22;
	v13, _, _ =	vpop (xrf0);
	s10 =	simm.s32 @!p4 $0xF;
	s4 =	simm.s32 @p2 $0x1  }
0x1d7: {  	v61, _, _ =	vpop (xrf0);
	p4 =	por p5, p5;
	[smem:$0x7EE] =	sst s11;
	p0 =	seq.s32 s4, $0x0  }
.Ltmp9:
0x1d8: {  	(v2sf) =	vpush v13, $0xF;
	v14, _, _ =	vpop (xrf0);
	v16 =	vmov s10;
	p5 =	por p2, p2;
	s0 =	smov.u32 @p0 s8;
	(pc) =	sbr.rel @!p6 .LBB2_19-.Ltmp9, $4  }
0x1d9: {  	v15, _, _ =	vpop (xrf0);
	(v2sf) =	vpush v14, $0xF;
	(xrf0) =	vadd.scan.msk.s32 $0xffff, v12;
	vm1 =	veq.s32 v16, v1;
	s8 =	ssub.s32 s31, s10;
	s31 =	smov.u32 s17;
	s17 =	smov.u32 s3;
	v13 =	vadd.s32 s0, v61  }
0x1da: {  	v12 =	vperm.xlane v12, v3;
	(xrf0) =	vadd.scan.msk.s32 $0xffff, v8;
	v62 =	vnsel vm1, $0x0, v11;
	s3 =	smov.u32 s1;
	s1 =	smov.u32 s2;
	vm2 =	vlt.s32 v13, v6;
	s26 =	spop (v2sf)  }
0x1db: {  	(v2sf) =	vpush v15, $0xF;
	v11 =	vmovc v10;
	s2 =	smov.u32 s5;
	(xrf0) =	vadd.scan.msk.s32 $0xffff, v62;
	s29 =	smov.u32 @p1 s8;
	v63 =	vsel vm2, $0x80000010, v4;
	s8 =	sadd.s32 s0, s26  }
0x1dc: {  	v10 =	vmovc v9;
	s5 =	smov.u32 s18;
	v9 =	vsub.s32 v13, v7;
	v7 =	vmov v8;
	v8 =	vmov v12;
	(xrf0) =	vmin.scan.msk.u32 $0xffff, v63;
	p2 =	sge.s32 s8, s30;
	s6 =	spop (v2sf)  }
0x1dd: {  	_ =	sdelay $0x1  }
0x1de: {  	v12, _, _ =	vpop (xrf0)  }
0x1df: {  	(v2sf) =	vpush v12, $0xF;
	v53, _, _ =	vpop (xrf0)  }
0x1e0: {  	v13, _, _ =	vpop (xrf0)  }
0x1e1: {  	v14, _, _ =	vpop (xrf0);
	(v2sf) =	vpush v13, $0xF  }
0x1e2: {  	(v2sf) =	vpush v14, $0xF  }
0x1e3: {  	p0 =	por !p0, !p2  }
0x1e4: {  	p0 =	por !p0, !p0  }
0x1e5: {  	s9 =	simm.s32 @!p0 $0x0;
	s4 =	simm.s32 @p0 $0x1  }
0x1e6: {  	v54 =	vld [tilespmem:s7+$0x0];
	s13 =	spop (v2sf);
	s9 =	simm.s32 @p0 $0x1;
	p0 =	seq.s32 s4, $0x0  }
0x1e7: {  	s7 =	sxor.u32 $0x80000000, s13;
	s0 =	smov.u32 @p0 s8;
	s14 =	spop (v2sf)  }
0x1e8: {  	p2 =	slt.s32 s7, $0xF;
	s8 =	sadd.s32 s0, s14  }
0x1e9: {  	s7 =	simm.s32 @!p2 $0xF;
	p6 =	sge.s32 s8, s30  }
0x1ea: {  	v55 =	vmov s7;
	p0 =	por !p0, !p6  }
0x1eb: {  	[smem:$0x7EC] =	sst s9;
	(xrf0) =	vadd.scan.msk.s32 $0xffff, v54;
	v12 =	vadd.s32 s0, v53;
	vm1 =	veq.s32 v55, v1;
	p0 =	por !p0, !p0  }
0x1ec: {  	(xrf0) =	vadd.scan.msk.s32 $0xffff, v8;
	vm2 =	vlt.s32 v12, v6;
	v11 =	vnsel vm1, $0x0, v11;
	s12 =	spop (v2sf);
	s9 =	simm.s32 @!p0 $0x0;
	s4 =	simm.s32 @p0 $0x1  }
0x1ed: {  	v13 =	vperm.xlane v54, v3;
	v56 =	vsel vm2, $0x80000010, v4;
	(xrf0) =	vadd.scan.msk.s32 $0xffff, v11;
	s18 =	spop (v2sf);
	s9 =	simm.s32 @p0 $0x1;
	p0 =	seq.s32 s4, $0x0  }
0x1ee: {  	(xrf0) =	vmin.scan.msk.u32 $0xffff, v56;
	s0 =	smov.u32 @p0 s8;
	s22 =	spop (v2sf)  }
0x1ef: {  	(xrf0) =	vadd.scan.msk.s32 $0xffff, v13;
	s10 =	sadd.s32 s0, s22  }
0x1f0: {  	s13 =	sxor.u32 $0x80000000, s18;
	s8 =	spop (v2sf);
	p6 =	sge.s32 s10, s30  }
0x1f1: {  	v57, _, _ =	vpop (xrf0);
	p2 =	slt.s32 s13, $0xF;
	p0 =	por !p0, !p6;
	s26 =	spop (v2sf)  }
0x1f2: {  	v58, _, _ =	vpop (xrf0);
	s13 =	simm.s32 @!p2 $0xF;
	p6 =	por !p0, !p0;
	s14 =	sxor.u32 $0x80000000, s26  }
0x1f3: {  	v15, _, _ =	vpop (xrf0);
	v16 =	vmov s13;
	s4 =	simm.s32 @p6 $0x1;
	p0 =	slt.s32 s14, $0xF  }
0x1f4: {  	v17, _, _ =	vpop (xrf0);
	v14 =	vadd.s32 s0, v58;
	vm1 =	veq.s32 v16, v1;
	s14 =	simm.s32 @!p0 $0xF;
	p0 =	seq.s32 s4, $0x0  }
0x1f5: {  	v59, _, _ =	vpop (xrf0);
	vm2 =	vlt.s32 v14, v6;
	v10 =	vnsel vm1, $0x0, v10;
	s0 =	smov.u32 @p0 s10;
	v18 =	vmov s14  }
0x1f6: {  	(xrf0) =	vadd.scan.msk.s32 $0xffff, v10;
	v60 =	vsel vm2, $0x80000010, v4;
	vm1 =	veq.s32 v18, v1;
	v16 =	vadd.s32 s0, v59  }
0x1f7: {  	(xrf0) =	vmin.scan.msk.u32 $0xffff, v60;
	v9 =	vnsel vm1, $0x0, v9;
	vm1 =	vlt.s32 v16, v6  }
0x1f8: {  	v6 =	vsel vm1, $0x80000010, v4;
	(xrf0) =	vadd.scan.msk.s32 $0xffff, v9  }
0x1f9: {  	(xrf0) =	vmin.scan.msk.u32 $0xffff, v6  }
0x1fa: {  	(v2sf) =	vpush v57, $0xF  }
0x1fb: {  	(v2sf) =	vpush v15, $0xF  }
0x1fc: {  	(v2sf) =	vpush v17, $0xF;
	v6, _, _ =	vpop (xrf0)  }
0x1fd: {  	v61, _, _ =	vpop (xrf0);
	(v2sf) =	vpush v6, $0xF  }
0x1fe: {  	(v2sf) =	vpush v61, $0xF;
	v6, _, _ =	vpop (xrf0)  }
0x1ff: {  	v62, _, _ =	vpop (xrf0);
	(v2sf) =	vpush v6, $0xF  }
0x200: {  	(v2sf) =	vpush v62, $0xF;
	_ =	sdelay $0x8  }
0x201: {  	s18 =	spop (v2sf)  }
0x202: {  	s11 =	spop (v2sf)  }
0x203: {  	s10 =	spop (v2sf)  }
0x204: {  	s10 =	sxor.u32 $0x80000000, s10;
	s26 =	spop (v2sf)  }
0x205: {  	p2 =	slt.s32 s10, $0xF;
	s22 =	spop (v2sf)  }
0x206: {  	s10 =	simm.s32 @!p2 $0xF;
	s4 =	spop (v2sf)  }
0x207: {  	[smem:$0x7ED] =	sst s9;
	v6 =	vmov s10;
	s9 =	sxor.u32 $0x80000000, s22;
	s22 =	spop (v2sf)  }
0x208: {  	v7 =	vsub.s32 v12, v7;
	vm1 =	veq.s32 v6, v1;
	p2 =	slt.s32 s9, $0xF;
	s22 =	sxor.u32 $0x80000000, s22  }
0x209: {  	v6 =	vnsel vm1, $0x0, v7;
	s9 =	simm.s32 @!p2 $0xF;
	p2 =	slt.s32 s22, $0xF  }
0x20a: {  	(xrf0) =	vadd.scan.msk.s32 $0xffff, v6;
	v7 =	vmov s9;
	s22 =	simm.s32 @!p2 $0xF  }
0x20b: {  	v63 =	vsub.s32 v14, v8;
	vm1 =	veq.s32 v7, v1;
	v6 =	vmov s22  }
0x20c: {  	v7 =	vsub.s32 v16, v13;
	v8 =	vnsel vm1, $0x0, v63;
	vm1 =	veq.s32 v6, v1  }
0x20d: {  	v6 =	vnsel vm1, $0x0, v7;
	_ =	sdelay $0x1  }
0x20e: {  	(xrf0) =	vadd.scan.msk.s32 $0xffff, v8  }
0x20f: {  	(xrf0) =	vadd.scan.msk.s32 $0xffff, v6;
	v6, _, _ =	vpop (xrf0);
	[smem:$0x7F0] =	sst s0  }
0x210: {  	s0 =	sld [smem:$0x7EE];
	_ =	sdelay $0x2  }
0x211: {  	p1 =	por p1, p1;
	p5 =	por p5, p5;
	p2 =	seq.s32 s0, $0x1  }
0x212: {  	p1 =	por p1, p1;
	s0 =	sld [smem:$0x7F0];
	s28 =	smov.u32 @p2 s6  }
0x213: {  	p2 =	por p3, p3;
	s6 =	ssub.s32 s31, s7;
	p3 =	por p5, p5  }
0x214: {  	(v2sf) =	vpush v6, $0xF;
	v6, _, _ =	vpop (xrf0);
	s31 =	sld [smem:$0x7ED];
	s28 =	smov.u32 @p2 s12;
	p2 =	por p4, p4  }
0x215: {  	(v2sf) =	vpush v6, $0xF;
	v6, _, _ =	vpop (xrf0);
	s29 =	smov.u32 @p2 s6;
	s6 =	ssub.s32 s17, s13;
	s28 =	smov.u32 @p1 s8  }
0x216: {  	(v2sf) =	vpush v6, $0xF;
	s0 =	sadd.s32 s0, s18;
	s18 =	sld [smem:$0x7EC];
	p2 =	por p2, p2  }
0x217: {  	s29 =	smov.u32 @p3 s6;
	p2 =	por p2, p2;
	p3 =	por p3, p3  }
0x218: {  	s3 =	ssub.s32 s3, s14;
	s28 =	smov.u32 @p2 s11;
	p2 =	por p3, p3  }
0x219: {  	p5 =	seq.s32 s31, $0x1;
	p4 =	seq.s32 s18, $0x1;
	s28 =	smov.u32 @p2 s26  }
0x21a: {  	p1 =	por p4, p4;
	p4 =	por p5, p5;
	p5 =	por p6, p6  }
0x21b: {  	p6 =	sge.s32 s0, s30;
	s0 =	ssub.s32 s1, s10;
	s1 =	ssub.s32 s5, s22  }
0x21c: {  	p1 =	por p1, p1;
	p4 =	por p4, p4;
	p0 =	por !p0, !p6  }
0x21d: {  	p5 =	por p5, p5;
	p1 =	por p1, p1;
	p3 =	por p4, p4  }
0x21e: {  	p0 =	por !p0, !p0;
	s29 =	smov.u32 @p1 s3;
	p1 =	por p1, p1  }
0x21f: {  	p0 =	por p0, p0;
	p6 =	por p3, p3;
	s29 =	smov.u32 @p3 s0  }
0x220: {  	p1 =	por p1, p1;
	p3 =	por p5, p5;
	s0 =	ssub.s32 s2, s9  }
0x221: {  	p0 =	por p0, p0;
	s29 =	smov.u32 @p3 s0;
	s28 =	smov.u32 @p1 s4  }
0x222: {  	p1 =	por p6, p6;
	p5 =	por p3, p3;
	p0 =	por p0, p0  }
0x223: {  	p6 =	por p0, p0;
	s29 =	smov.u32 @p0 s1;
	s0 =	spop (v2sf)  }
0x224: {  	s28 =	smov.u32 @p1 s0;
	p1 =	por p5, p5;
	s0 =	spop (v2sf)  }
0x225: {  	s28 =	smov.u32 @p1 s0;
	p1 =	por p6, p6;
	s0 =	spop (v2sf)  }
0x226: {  	s1 =	simm.s32 $0x0;
	s28 =	smov.u32 @p1 s0;
	s0 =	simm.s32 $0x40  }
.LBB2_21:
0x227: {  	p0 =	seq.s32 s0, $0xFC0;
	[tilespmem:s1+$0x18880] =	vst v0;
	s1 =	smov.u32 s0;
	s0 =	sadd.s32 $0x40, s0  }
.Ltmp10:
0x228: {  	(pc) =	sbr.rel @!p0 .LBB2_21-.Ltmp10, $2  }
0x229: {  	_ =	sdelay $0x2  }
0x22a: {  	s1 =	sshra.s32 s1, $0x2  }
0x22b: {  	s0 =	sld [smem:$0x7EF];
	_ =	sdelay $0x2  }
0x22c: {  	p0 =	seq.s32 s0, $0x1  }
.Ltmp11:
0x22d: {  	_ = 	snop;
	(pc) =	sbr.rel @p0 .LBB2_29-.Ltmp11, $2  }
0x22e: {  	_ =	sdelay $0x2  }
0x22f: {  	[tilespmem:s1+$0x18880] =	vst v0  }
0x230: {  	s2 =	rddreg [dreg:$0xd]  }
0x231: {  	p1 =	seq.s32 s2, $0x1  }
.Ltmp12:
0x232: {  	_ = 	snop;
	(pc) =	sbr.rel @p1 .LBB2_24-.Ltmp12, $3  }
0x233: {  	_ =	sdelay $0x1  }
0x234: {  	s1 =	simm.s32 $0xEB80  }
0x235: {  	v6 =	vmov s29;
	s0 =	simm.s32 $0x0;
	p0 =	por $0x0, $0x0;
	v7 =	vld [tilespmem:s1+$0x0];
	s1 =	sadd.s32 $0xFFFFFFFF, s2  }
0x236: {  	_ =	sdelay $0x3  }
0x237: {  	v8 =	vshrl.u32 v7, $0xA  }
0x238: {  	v9 =	vor.u32 s0, v1;
	v8 =	vand.u32 $0x7FF, v8  }
0x239: {  	vm2 =	vlt.s32 v9, v5;
	vm1 =	veq.s32 v8, v6  }
0x23a: {  	v7 =	vand.u32 $0x3FF, v7;
	vm1 =	vmand vm2, vm1  }
0x23b: {  	(xrf1) =	vunique.msk.u32 vm1, v7;
	_ =	sdelay $0xd  }
0x23c: {  	_, v8, vm1 =	vpop (xrf1);
	_ =	sdelay $0x1  }
0x23d: {  	p1 =	seq.s32 s1, $0x1  }
.Ltmp13:
0x23e: {  	_ = 	snop;
	(pc) =	sbr.rel @p1 .LBB2_26-.Ltmp13, $4  }
0x23f: {  	_ = 	snop  }
0x240: {  	v8 =	vadd.s32 v2, v8  }
0x241: {  	s2 =	simm.s32 $0xEB90;
	[tilespmem:v7+s15+$0x0] =	vst.idx.add.s32.msk vm1, v8  }
0x242: {  	s3 =	sadd.s32 $0xFFFFFFFF, s1;
	p0 =	por $0x1, $0x1;
	s1 =	simm.s32 $0x0;
	v7 =	vld [tilespmem:s2+$0x0]  }
.LBB2_27:
0x243: {  	p1 =	seq.s32 s3, $0x1;
	_ =	sdelay $0x3  }
0x244: {  	s1 =	sadd.s32 $0x10, s1;
	v8 =	vshrl.u32 v7, $0xA  }
0x245: {  	v9 =	vor.u32 s1, v1;
	v8 =	vand.u32 $0x7FF, v8  }
0x246: {  	vm2 =	vlt.s32 v9, v5;
	vm1 =	veq.s32 v8, v6  }
0x247: {  	v7 =	vand.u32 $0x3FF, v7;
	vm1 =	vmand vm2, vm1  }
0x248: {  	(xrf1) =	vunique.msk.u32 vm1, v7;
	_ =	sdelay $0xd  }
0x249: {  	_, v8, vm1 =	vpop (xrf1);
	_ =	sdelay $0x2  }
.Ltmp14:
0x24a: {  	(pc) =	sbr.rel @!p1 .LBB2_27-.Ltmp14, $4  }
0x24b: {  	_ = 	snop  }
0x24c: {  	v8 =	vadd.s32 v2, v8  }
0x24d: {  	s2 =	sadd.s32 $0x10, s2;
	[tilespmem:v7+s15+$0x0] =	vst.idx.add.s32.msk vm1, v8  }
0x24e: {  	s3 =	sadd.s32 $0xFFFFFFFF, s3;
	v7 =	vld [tilespmem:s2+$0x0]  }
.LBB2_28:
0x24f: {  	_ =	sdelay $0x2  }
0x250: {  	s1 =	sadd.s32 @p0 $0x10, s1  }
0x251: {  	s0 =	smov.u32 @p0 s1;
	v8 =	vshrl.u32 v7, $0xA  }
0x252: {  	v9 =	vor.u32 s0, v1;
	v8 =	vand.u32 $0x7FF, v8  }
0x253: {  	vm2 =	vlt.s32 v9, v5;
	vm1 =	veq.s32 v8, v6  }
0x254: {  	v6 =	vand.u32 $0x3FF, v7;
	vm1 =	vmand vm2, vm1  }
0x255: {  	(xrf1) =	vunique.msk.u32 vm1, v6;
	_ =	sdelay $0xd  }
0x256: {  	_, v7, vm1 =	vpop (xrf1);
	_ =	sdelay $0x4  }
0x257: {  	v7 =	vadd.s32 v2, v7  }
0x258: {  	[tilespmem:v6+s15+$0x0] =	vst.idx.add.s32.msk vm1, v7  }
.LBB2_29:
0x259: {  	s0 =	simm.s32 $0x18C70  }
0x25a: {  	v7 =	vld [tilespmem:s0+$0x0];
	_ =	sdelay $0x4  }
0x25b: {  	(xrf0) =	vadd.scan.msk.s32 $0xffff, v7;
	_ =	sdelay $0x5  }
0x25c: {  	s5 =	simm.s32 $0x18C60;
	v9, _, _ =	vpop (xrf0)  }
0x25d: {  	v8 =	vld [tilespmem:s5+$0x0];
	(v2sf) =	vpush v9, $0xF;
	_ =	sdelay $0x3  }
0x25e: {  	v7 =	vperm.xlane v7, v3  }
0x25f: {  	(xrf0) =	vadd.scan.msk.s32 $0xffff, v8  }
0x260: {  	(xrf0) =	vadd.scan.msk.s32 $0xffff, v7;
	_ =	sdelay $0x1  }
0x261: {  	s6 =	simm.s32 $0x18C50  }
0x262: {  	v9 =	vld [tilespmem:s6+$0x0];
	_ =	sdelay $0x1  }
0x263: {  	v10, _, _ =	vpop (xrf0)  }
0x264: {  	s30 =	ssub.s32 s30, s28;
	s31 =	simm.s32 $0x0;
	(v2sf) =	vpush v10, $0xF;
	v10, _, _ =	vpop (xrf0)  }
0x265: {  	v6 =	vmov s30;
	v8 =	vperm.xlane v8, v3;
	v10 =	vadd.s32 s31, v10  }
0x266: {  	vm1 =	vlt.s32 v10, v6;
	(xrf0) =	vadd.scan.msk.s32 $0xffff, v9  }
0x267: {  	v11 =	vsel vm1, $0x80000010, v4;
	(xrf0) =	vadd.scan.msk.s32 $0xffff, v8;
	s7 =	spop (v2sf)  }
0x268: {  	s1 =	simm.s32 $0x18C40;
	(xrf0) =	vmin.scan.msk.u32 $0xffff, v11;
	s2 =	sadd.s32 $0x0, s7  }
0x269: {  	p0 =	por $0x1, $0x1;
	v12 =	vld [tilespmem:s1+$0x0];
	p1 =	sge.s32 s2, s30  }
0x26a: {  	p0 =	por !p0, !p1  }
0x26b: {  	s4 =	simm.s32 $0x0;
	p0 =	por !p0, !p0  }
0x26c: {  	v11, _, _ =	vpop (xrf0);
	s4 =	simm.s32 @p0 $0x1  }
0x26d: {  	s0 =	simm.s32 $0x0;
	v13, _, _ =	vpop (xrf0);
	p1 =	seq.s32 s4, $0x0  }
0x26e: {  	(v2sf) =	vpush v11, $0xF;
	v11, _, _ =	vpop (xrf0);
	(xrf0) =	vadd.scan.msk.s32 $0xffff, v12;
	s0 =	smov.u32 @p1 s2  }
0x26f: {  	v9 =	vperm.xlane v9, v3;
	(v2sf) =	vpush v11, $0xF;
	v11 =	vadd.s32 s0, v13  }
0x270: {  	vm1 =	vlt.s32 v11, v6  }
0x271: {  	(xrf0) =	vadd.scan.msk.s32 $0xffff, v9;
	v48 =	vsel vm1, $0x80000010, v4  }
0x272: {  	(xrf0) =	vmin.scan.msk.u32 $0xffff, v48;
	_ =	sdelay $0x1  }
0x273: {  	v49, _, _ =	vpop (xrf0)  }
0x274: {  	(v2sf) =	vpush v49, $0xF  }
0x275: {  	s9 =	simm.s32 $0x18C30;
	s8 =	spop (v2sf)  }
0x276: {  	v14 =	vld [tilespmem:s9+$0x0];
	v15, _, _ =	vpop (xrf0);
	s1 =	sadd.s32 s0, s8  }
0x277: {  	p2 =	sge.s32 s1, s30;
	v51, _, _ =	vpop (xrf0)  }
0x278: {  	p1 =	por !p1, !p2;
	(v2sf) =	vpush v51, $0xF  }
0x279: {  	p1 =	por !p1, !p1  }
0x27a: {  	s4 =	simm.s32 @p1 $0x1  }
0x27b: {  	(xrf0) =	vadd.scan.msk.s32 $0xffff, v14;
	p2 =	seq.s32 s4, $0x0  }
0x27c: {  	v12 =	vperm.xlane v12, v3;
	s10 =	spop (v2sf);
	s0 =	smov.u32 @p2 s1  }
0x27d: {  	s11 =	simm.s32 $0x18C20;
	s1 =	sadd.s32 s0, s10  }
0x27e: {  	v52 =	vld [tilespmem:s11+$0x0];
	(xrf0) =	vadd.scan.msk.s32 $0xffff, v12;
	v50 =	vadd.s32 s0, v15;
	p4 =	sge.s32 s1, s30  }
0x27f: {  	vm1 =	vlt.s32 v50, v6;
	p2 =	por !p2, !p4  }
0x280: {  	s12 =	spop (v2sf);
	v16 =	vsel vm1, $0x80000010, v4;
	p2 =	por !p2, !p2  }
0x281: {  	s7 =	sxor.u32 $0x80000000, s12;
	(xrf0) =	vmin.scan.msk.u32 $0xffff, v16;
	v53, _, _ =	vpop (xrf0);
	s4 =	simm.s32 @p2 $0x1  }
0x282: {  	p5 =	por p0, p0;
	v14 =	vperm.xlane v14, v3;
	p3 =	slt.s32 s7, $0xF;
	(v2sf) =	vpush v53, $0xF;
	p0 =	seq.s32 s4, $0x0  }
0x283: {  	s7 =	simm.s32 @!p3 $0xF;
	(xrf0) =	vadd.scan.msk.s32 $0xffff, v52;
	s13 =	spop (v2sf);
	s0 =	smov.u32 @p0 s1  }
0x284: {  	v17 =	vmov s7;
	v54, _, _ =	vpop (xrf0);
	(xrf0) =	vadd.scan.msk.s32 $0xffff, v14;
	s8 =	sadd.s32 s0, s13  }
0x285: {  	v7 =	vsub.s32 v10, v7;
	p4 =	por p5, p5;
	vm1 =	veq.s32 v17, v1;
	p5 =	sge.s32 s8, s30  }
0x286: {  	v7 =	vnsel vm1, $0x0, v7;
	p0 =	por !p0, !p5  }
0x287: {  	s3 =	simm.s32 $0x18C10;
	v16 =	vadd.s32 s0, v54;
	v10, _, _ =	vpop (xrf0);
	p0 =	por !p0, !p0;
	s14 =	spop (v2sf)  }
0x288: {  	p6 =	por p1, p1;
	vm1 =	vlt.s32 v16, v6;
	(v2sf) =	vpush v10, $0xF;
	v10 =	vld [tilespmem:s3+$0x0];
	s4 =	simm.s32 @p0 $0x1;
	s9 =	sxor.u32 $0x80000000, s14  }
0x289: {  	p1 =	por p4, p4;
	(xrf0) =	vadd.scan.msk.s32 $0xffff, v7;
	v56 =	vsel vm1, $0x80000010, v4;
	v7, _, _ =	vpop (xrf0);
	p4 =	seq.s32 s4, $0x0;
	p5 =	slt.s32 s9, $0xF  }
0x28a: {  	(xrf0) =	vmin.scan.msk.u32 $0xffff, v56;
	(v2sf) =	vpush v7, $0xF;
	v7, _, _ =	vpop (xrf0);
	s0 =	smov.u32 @p4 s8;
	s9 =	simm.s32 @!p5 $0xF  }
0x28b: {  	v8 =	vsub.s32 v11, v8;
	v18 =	vadd.s32 s0, v7;
	v57 =	vmov s9  }
0x28c: {  	v15 =	vperm.xlane v52, v3;
	vm2 =	vlt.s32 v18, v6;
	vm1 =	veq.s32 v57, v1  }
0x28d: {  	(xrf0) =	vadd.scan.msk.s32 $0xffff, v10;
	v7 =	vnsel vm1, $0x0, v8;
	v8 =	vsel vm2, $0x80000010, v4  }
0x28e: {  	(xrf0) =	vadd.scan.msk.s32 $0xffff, v15  }
0x28f: {  	v55, _, _ =	vpop (xrf0);
	(xrf0) =	vadd.scan.msk.s32 $0xffff, v7  }
0x290: {  	s17 =	simm.s32 $0x3AF;
	(v2sf) =	vpush v55, $0xF;
	(xrf0) =	vmin.scan.msk.u32 $0xffff, v8;
	v8, _, _ =	vpop (xrf0)  }
0x291: {  	s5 =	simm.s32 $0x3CF;
	s6 =	simm.s32 $0x3BF;
	s18 =	spop (v2sf);
	(v2sf) =	vpush v8, $0xF  }
0x292: {  	s2 =	simm.s32 $0x39F;
	s10 =	simm.s32 $0x18C00;
	s12 =	simm.s32 $0x18BF0  }
0x293: {  	v58 =	vld [tilespmem:s10+$0x0];
	s10 =	simm.s32 $0x36F;
	p3 =	por p6, p6;
	s7 =	ssub.s32 $0x3FF, s7  }
0x294: {  	p3 =	por p3, p3;
	p2 =	por p2, p2;
	s1 =	simm.s32 $0x0  }
0x295: {  	s1 =	smov.u32 @p1 s7;
	p1 =	por p1, p1;
	s8 =	sadd.s32 s0, s18  }
0x296: {  	s7 =	simm.s32 $0x37F;
	s3 =	simm.s32 $0x38F;
	p6 =	sge.s32 s8, s30  }
0x297: {  	p0 =	por p0, p0;
	p4 =	por !p4, !p6;
	s22 =	spop (v2sf)  }
0x298: {  	p6 =	por p2, p2;
	p4 =	por !p4, !p4;
	s11 =	sxor.u32 $0x80000000, s22  }
0x299: {  	s9 =	ssub.s32 $0x3EF, s9;
	s4 =	simm.s32 @p4 $0x1;
	p2 =	slt.s32 s11, $0xF;
	v59, _, _ =	vpop (xrf0)  }
0x29a: {  	s1 =	smov.u32 @p3 s9;
	p5 =	seq.s32 s4, $0x0;
	v7 =	vperm.xlane v10, v3;
	s11 =	simm.s32 @!p2 $0xF;
	v10, _, _ =	vpop (xrf0)  }
0x29b: {  	v9 =	vsub.s32 v50, v9;
	s0 =	smov.u32 @p5 s8;
	p2 =	por p1, p1;
	p1 =	por p3, p3;
	v60 =	vmov s11;
	(v2sf) =	vpush v59, $0xF;
	v8, _, _ =	vpop (xrf0)  }
0x29c: {  	p4 =	por p4, p4;
	s26 =	spop (v2sf);
	(xrf0) =	vadd.scan.msk.s32 $0xffff, v58;
	s8 =	simm.s32 @!p1 $0x0;
	v61 =	vadd.s32 s0, v10;
	vm1 =	veq.s32 v60, v1;
	v62, _, _ =	vpop (xrf0);
	(v2sf) =	vpush v8, $0xF  }
0x29d: {  	s9 =	sadd.s32 s0, s26;
	p3 =	por p0, p0;
	(xrf0) =	vadd.scan.msk.s32 $0xffff, v7;
	s8 =	simm.s32 @p1 $0x1;
	v9 =	vnsel vm1, $0x0, v9;
	vm1 =	vlt.s32 v61, v6;
	(v2sf) =	vpush v62, $0xF  }
0x29e: {  	v11 =	vsub.s32 v16, v12;
	p1 =	por p6, p6;
	[smem:$0x7EB] =	sst s8;
	s8 =	ssub.s32 $0x3DF, s11;
	v63 =	vsel vm1, $0x80000010, v4;
	(xrf0) =	vadd.scan.msk.s32 $0xffff, v9  }
0x29f: {  	p0 =	sge.s32 s9, s30;
	v10 =	vsub.s32 v18, v14;
	s1 =	smov.u32 @p1 s8;
	v8 =	vperm.xlane v58, v3;
	v9 =	vsub.s32 v61, v15;
	s8 =	spop (v2sf);
	(xrf0) =	vmin.scan.msk.u32 $0xffff, v63  }
.LBB2_30:
0x2a0: {  	p0 =	por !p5, !p0;
	s11 =	spop (v2sf)  }
0x2a1: {  	s31 =	smov.u32 @p2 s8;
	s18 =	smov.u32 s10;
	s13 =	sld [smem:$0x7EB]  }
0x2a2: {  	p5 =	por p1, p1;
	p1 =	por p3, p3;
	s22 =	sadd.s32 $0xFFFFFFF0, s10  }
0x2a3: {  	v12 =	vld [tilespmem:s12+$0x0];
	s12 =	sadd.s32 $0xFFFFFFF0, s12;
	p0 =	por !p0, !p0;
	s11 =	sxor.u32 $0x80000000, s11  }
0x2a4: {  	s4 =	simm.s32 @p0 $0x1;
	p3 =	slt.s32 s11, $0xF;
	p6 =	seq.s32 s13, $0x1  }
0x2a5: {  	s13 =	simm.s32 @!p5 $0x0;
	s11 =	simm.s32 @!p3 $0xF;
	p3 =	por p4, p4  }
0x2a6: {  	v13, _, _ =	vpop (xrf0);
	p4 =	por p0, p0;
	p2 =	por p6, p6;
	s13 =	simm.s32 @p5 $0x1  }
0x2a7: {  	v61, _, _ =	vpop (xrf0);
	p6 =	sne.s32 s10, $0xF;
	p5 =	seq.s32 s4, $0x0;
	s10 =	smov.u32 s22  }
.Ltmp15:
0x2a8: {  	(v2sf) =	vpush v13, $0xF;
	v14, _, _ =	vpop (xrf0);
	v16 =	vmov s11;
	[smem:$0x7EB] =	sst s13;
	s0 =	smov.u32 @p5 s9;
	(pc) =	sbr.rel @p6 .LBB2_30-.Ltmp15, $4  }
0x2a9: {  	v15, _, _ =	vpop (xrf0);
	s9 =	ssub.s32 s5, s11;
	(v2sf) =	vpush v14, $0xF;
	s5 =	smov.u32 s6;
	(xrf0) =	vadd.scan.msk.s32 $0xffff, v12;
	vm1 =	veq.s32 v16, v1;
	s6 =	smov.u32 s17;
	v13 =	vadd.s32 s0, v61  }
0x2aa: {  	v12 =	vperm.xlane v12, v3;
	s17 =	smov.u32 s2;
	s2 =	smov.u32 s3;
	(xrf0) =	vadd.scan.msk.s32 $0xffff, v8;
	v62 =	vnsel vm1, $0x0, v11;
	vm2 =	vlt.s32 v13, v6;
	s26 =	spop (v2sf)  }
0x2ab: {  	s3 =	smov.u32 s7;
	(v2sf) =	vpush v15, $0xF;
	s1 =	smov.u32 @p1 s9;
	v11 =	vmovc v10;
	(xrf0) =	vadd.scan.msk.s32 $0xffff, v62;
	v63 =	vsel vm2, $0x80000010, v4;
	s9 =	sadd.s32 s0, s26  }
0x2ac: {  	s7 =	smov.u32 s18;
	v10 =	vmovc v9;
	v9 =	vsub.s32 v13, v7;
	v7 =	vmov v8;
	v8 =	vmov v12;
	(xrf0) =	vmin.scan.msk.u32 $0xffff, v63;
	p0 =	sge.s32 s9, s30;
	s8 =	spop (v2sf)  }
0x2ad: {  	_ =	sdelay $0x1  }
0x2ae: {  	v12, _, _ =	vpop (xrf0)  }
0x2af: {  	(v2sf) =	vpush v12, $0xF;
	v54, _, _ =	vpop (xrf0)  }
0x2b0: {  	v13, _, _ =	vpop (xrf0)  }
0x2b1: {  	v14, _, _ =	vpop (xrf0);
	(v2sf) =	vpush v13, $0xF  }
0x2b2: {  	(v2sf) =	vpush v14, $0xF  }
0x2b3: {  	p0 =	por !p5, !p0  }
0x2b4: {  	p0 =	por !p0, !p0  }
0x2b5: {  	s10 =	simm.s32 @!p0 $0x0;
	s4 =	simm.s32 @p0 $0x1  }
0x2b6: {  	v55 =	vld [tilespmem:s12+$0x0];
	s14 =	spop (v2sf);
	s10 =	simm.s32 @p0 $0x1;
	p0 =	seq.s32 s4, $0x0  }
0x2b7: {  	s12 =	sxor.u32 $0x80000000, s14;
	s0 =	smov.u32 @p0 s9;
	s18 =	spop (v2sf)  }
0x2b8: {  	p5 =	slt.s32 s12, $0xF;
	s9 =	sadd.s32 s0, s18  }
0x2b9: {  	s12 =	simm.s32 @!p5 $0xF;
	p6 =	sge.s32 s9, s30  }
0x2ba: {  	v56 =	vmov s12;
	p0 =	por !p0, !p6  }
0x2bb: {  	[smem:$0x7E9] =	sst s10;
	(xrf0) =	vadd.scan.msk.s32 $0xffff, v55;
	v12 =	vadd.s32 s0, v54;
	vm1 =	veq.s32 v56, v1;
	p0 =	por !p0, !p0  }
0x2bc: {  	(xrf0) =	vadd.scan.msk.s32 $0xffff, v8;
	vm2 =	vlt.s32 v12, v6;
	v11 =	vnsel vm1, $0x0, v11;
	s22 =	spop (v2sf);
	s10 =	simm.s32 @!p0 $0x0;
	s4 =	simm.s32 @p0 $0x1  }
0x2bd: {  	v13 =	vperm.xlane v55, v3;
	v57 =	vsel vm2, $0x80000010, v4;
	(xrf0) =	vadd.scan.msk.s32 $0xffff, v11;
	s26 =	spop (v2sf);
	s10 =	simm.s32 @p0 $0x1;
	p0 =	seq.s32 s4, $0x0  }
0x2be: {  	(xrf0) =	vmin.scan.msk.u32 $0xffff, v57;
	s0 =	smov.u32 @p0 s9;
	s11 =	spop (v2sf)  }
0x2bf: {  	(xrf0) =	vadd.scan.msk.s32 $0xffff, v13;
	s26 =	sxor.u32 $0x80000000, s26;
	s9 =	sadd.s32 s0, s11  }
0x2c0: {  	p5 =	slt.s32 s26, $0xF;
	s13 =	spop (v2sf);
	p6 =	sge.s32 s9, s30  }
0x2c1: {  	v58, _, _ =	vpop (xrf0);
	s26 =	simm.s32 @!p5 $0xF;
	p0 =	por !p0, !p6;
	s14 =	spop (v2sf)  }
0x2c2: {  	[dreg:$0xf] =	wrdreg s22;
	v59, _, _ =	vpop (xrf0);
	v16 =	vmov s26;
	p6 =	por !p0, !p0;
	s22 =	sxor.u32 $0x80000000, s14  }
0x2c3: {  	v15, _, _ =	vpop (xrf0);
	v14 =	vadd.s32 s0, v59;
	vm1 =	veq.s32 v16, v1;
	s4 =	simm.s32 @p6 $0x1;
	p0 =	slt.s32 s22, $0xF  }
0x2c4: {  	v17, _, _ =	vpop (xrf0);
	vm2 =	vlt.s32 v14, v6;
	v10 =	vnsel vm1, $0x0, v10;
	s22 =	simm.s32 @!p0 $0xF;
	p5 =	seq.s32 s4, $0x0  }
0x2c5: {  	v60, _, _ =	vpop (xrf0);
	(xrf0) =	vadd.scan.msk.s32 $0xffff, v10;
	v61 =	vsel vm2, $0x80000010, v4;
	s0 =	smov.u32 @p5 s9;
	v18 =	vmov s22  }
0x2c6: {  	(xrf0) =	vmin.scan.msk.u32 $0xffff, v61;
	vm1 =	veq.s32 v18, v1;
	v16 =	vadd.s32 s0, v60  }
0x2c7: {  	v9 =	vnsel vm1, $0x0, v9;
	vm1 =	vlt.s32 v16, v6  }
0x2c8: {  	v6 =	vsel vm1, $0x80000010, v4;
	(xrf0) =	vadd.scan.msk.s32 $0xffff, v9  }
0x2c9: {  	(v2sf) =	vpush v58, $0xF;
	(xrf0) =	vmin.scan.msk.u32 $0xffff, v6  }
0x2ca: {  	(v2sf) =	vpush v15, $0xF  }
0x2cb: {  	(v2sf) =	vpush v17, $0xF;
	v6, _, _ =	vpop (xrf0)  }
0x2cc: {  	v62, _, _ =	vpop (xrf0);
	(v2sf) =	vpush v6, $0xF  }
0x2cd: {  	(v2sf) =	vpush v62, $0xF  }
0x2ce: {  	v6, _, _ =	vpop (xrf0)  }
0x2cf: {  	v63, _, _ =	vpop (xrf0);
	(v2sf) =	vpush v6, $0xF  }
0x2d0: {  	(v2sf) =	vpush v63, $0xF;
	_ =	sdelay $0x7  }
0x2d1: {  	s4 =	spop (v2sf)  }
0x2d2: {  	[smem:$0x7EA] =	sst s10;
	s10 =	spop (v2sf)  }
0x2d3: {  	s18 =	spop (v2sf)  }
0x2d4: {  	[dreg:$0x10] =	wrdreg s13;
	s18 =	sxor.u32 $0x80000000, s18;
	s13 =	spop (v2sf)  }
0x2d5: {  	p0 =	slt.s32 s18, $0xF;
	s11 =	spop (v2sf)  }
0x2d6: {  	s18 =	simm.s32 @!p0 $0xF;
	s9 =	sxor.u32 $0x80000000, s11  }
0x2d7: {  	v6 =	vmov s18;
	s14 =	spop (v2sf);
	p0 =	slt.s32 s9, $0xF  }
0x2d8: {  	v7 =	vsub.s32 v12, v7;
	vm1 =	veq.s32 v6, v1;
	s11 =	spop (v2sf);
	s9 =	simm.s32 @!p0 $0xF  }
0x2d9: {  	v6 =	vnsel vm1, $0x0, v7;
	s11 =	sxor.u32 $0x80000000, s11;
	v7 =	vmov s9  }
0x2da: {  	v8 =	vsub.s32 v14, v8;
	p0 =	slt.s32 s11, $0xF;
	vm1 =	veq.s32 v7, v1  }
0x2db: {  	s5 =	ssub.s32 s5, s12;
	s12 =	sld [smem:$0x7EB];
	(xrf0) =	vadd.scan.msk.s32 $0xffff, v6;
	s11 =	simm.s32 @!p0 $0xF;
	v6 =	vnsel vm1, $0x0, v8  }
0x2dc: {  	v7 =	vmov s11;
	(xrf0) =	vadd.scan.msk.s32 $0xffff, v6  }
0x2dd: {  	v8 =	vsub.s32 v16, v13;
	vm1 =	veq.s32 v7, v1  }
0x2de: {  	s31 =	smov.u32 @p2 s8;
	p2 =	por p4, p4;
	p4 =	seq.s32 s12, $0x1;
	v6 =	vnsel vm1, $0x0, v8  }
0x2df: {  	p0 =	por p3, p3;
	p3 =	por p4, p4  }
0x2e0: {  	p4 =	por p1, p1;
	p1 =	por p2, p2;
	s1 =	smov.u32 @p0 s5;
	(xrf0) =	vadd.scan.msk.s32 $0xffff, v6  }
0x2e1: {  	s5 =	ssub.s32 s6, s26;
	s6 =	rddreg [dreg:$0xf];
	p2 =	por p4, p4;
	v6, _, _ =	vpop (xrf0)  }
0x2e2: {  	s31 =	smov.u32 @p3 s6;
	s1 =	smov.u32 @p1 s5;
	s5 =	rddreg [dreg:$0x10];
	(v2sf) =	vpush v6, $0xF;
	v6, _, _ =	vpop (xrf0)  }
0x2e3: {  	s31 =	smov.u32 @p2 s5;
	s5 =	ssub.s32 s17, s22;
	s17 =	sld [smem:$0x7E9];
	(v2sf) =	vpush v6, $0xF  }
0x2e4: {  	p0 =	por p0, p0;
	s22 =	sld [smem:$0x7EA]  }
0x2e5: {  	p6 =	por p6, p6;
	s0 =	sadd.s32 s0, s4;
	p0 =	por p0, p0  }
0x2e6: {  	s4 =	rddreg [dreg:$0xd];
	p1 =	por p1, p1;
	s31 =	smov.u32 @p0 s10;
	v6, _, _ =	vpop (xrf0)  }
0x2e7: {  	p0 =	por p1, p1;
	p3 =	seq.s32 s17, $0x1;
	p4 =	seq.s32 s22, $0x1;
	(v2sf) =	vpush v6, $0xF  }
0x2e8: {  	s31 =	smov.u32 @p0 s13;
	p2 =	por p3, p3;
	p3 =	por p4, p4  }
0x2e9: {  	p4 =	sge.s32 s0, s30;
	s0 =	ssub.s32 s2, s18;
	p2 =	por p2, p2  }
0x2ea: {  	p3 =	por p3, p3;
	p4 =	por !p5, !p4;
	p2 =	por p2, p2  }
0x2eb: {  	p5 =	por p6, p6;
	p4 =	por !p4, !p4;
	s1 =	smov.u32 @p2 s5  }
0x2ec: {  	p1 =	por p2, p2;
	p2 =	por p3, p3;
	p3 =	por p4, p4  }
0x2ed: {  	s1 =	smov.u32 @p2 s0;
	p0 =	por p1, p1;
	p6 =	por p2, p2  }
0x2ee: {  	p2 =	por p5, p5;
	p3 =	por p3, p3;
	s0 =	ssub.s32 s3, s9  }
0x2ef: {  	s1 =	smov.u32 @p2 s0;
	s31 =	smov.u32 @p0 s14;
	p0 =	por p6, p6  }
0x2f0: {  	p1 =	por p3, p3;
	s0 =	ssub.s32 s7, s11;
	p2 =	por p2, p2  }
0x2f1: {  	s1 =	smov.u32 @p1 s0;
	p1 =	por p1, p1;
	s2 =	spop (v2sf)  }
0x2f2: {  	s31 =	smov.u32 @p0 s2;
	p0 =	por p2, p2;
	s0 =	spop (v2sf)  }
0x2f3: {  	s31 =	smov.u32 @p0 s0;
	p0 =	por p1, p1;
	p1 =	sgt.s32 s4, $0x0  }
.Ltmp16:
0x2f4: {  	_ = 	snop;
	(pc) =	sbr.rel @!p1 .LBB2_32-.Ltmp16, $4  }
0x2f5: {  	s29 =	sshll.u32 s29, $0xA;
	s26 =	sshll.u32 s24, $0x15  }
0x2f6: {  	s0 =	sor.u32 s26, s29;
	s3 =	spop (v2sf)  }
0x2f7: {  	s2 =	sor.u32 s1, s0;
	_ =	strace $0x90000049  }
0x2f8: {  	v6 =	vmov s2;
	s31 =	smov.u32 @p0 s3;
	_ =	strace $0x8000004A  }
0x2f9: {  	s0 =	simm.s32 $0xEB80  }
0x2fa: {  	v8 =	vld [tilespmem:s0+$0x0];
	_ =	sdelay $0x2  }
0x2fb: {  	s1 =	simm.s32 $0x0  }
0x2fc: {  	v6 =	vmov s2;
	v7 =	vor.u32 s1, v1  }
0x2fd: {  	vm1 =	vlt.s32 v7, v5;
	vm2 =	vgt.s32 v8, v6  }
0x2fe: {  	vm3 =	veq.s32 v8, v6;
	vm2 =	vmand vm1, vm2  }
0x2ff: {  	vm1 =	vmand vm1, vm3;
	v7 =	vsel vm2, $0x1, v0  }
0x300: {  	v9 =	vsel vm1, $0x1, v0;
	(xrf0) =	vadd.scan.msk.s32 $0xffff, v7  }
0x301: {  	(xrf0) =	vadd.scan.msk.s32 $0xffff, v9;
	_ =	sdelay $0x4  }
0x302: {  	v7, _, _ =	vpop (xrf0)  }
0x303: {  	(v2sf) =	vpush v7, $0xF;
	v7, _, _ =	vpop (xrf0)  }
0x304: {  	(v2sf) =	vpush v7, $0xF;
	_ =	sdelay $0xa  }
0x305: {  	s2 =	simm.s32 $0x13A00;
	s3 =	sadd.s32 $0xFFFFFFFF, s4  }
0x306: {  	p2 =	sne.s32 s3, $0x0;
	v7 =	vld [tilespmem:s2+$0x0]  }
.Ltmp17:
0x307: {  	p0 =	por $0x0, $0x0;
	(pc) =	sbr.rel @!p2 .LBB2_35-.Ltmp17, $4  }
0x308: {  	s6 =	simm.s32 $0x10;
	s9 =	rddreg [dreg:$0xb];
	s29 =	spop (v2sf)  }
0x309: {  	s10 =	simm.s32 $0x80;
	p1 =	slt.s32 s29, $0x1;
	s5 =	spop (v2sf)  }
0x30a: {  	s11 =	simm.s32 $0x400;
	s12 =	simm.s32 $0x2;
	[tilespmem:s25+$0x1C000] =	vst.msk @!p1 vm2, v8;
	p3 =	slt.s32 @!p0 s5, $0x1  }
0x30b: {  	s4 =	sadd.s32 s25, s29;
	s5 =	sadd.s32 $0x0, s5;
	[tilespmem:s25+$0x1C100] =	vst.msk @!p1 vm2, v7;
	p1 =	por p3, p0  }
.LBB2_34:
0x30c: {  	s3 =	sadd.s32 $0xFFFFFFFF, s3;
	[tilespmem:s1+$0x1C200] =	vst.msk @!p1 vm1, v7;
	s0 =	sadd.s32 $0x10, s0;
	s2 =	sadd.s32 $0x10, s2  }
0x30d: {  	s7 =	smov.u32 s4;
	s1 =	smov.u32 s5;
	v8 =	vld [tilespmem:s0+$0x0];
	p0 =	sne.s32 s3, $0x0  }
0x30e: {  	_ =	sdelay $0x2  }
0x30f: {  	v7 =	vor.u32 s6, v1  }
0x310: {  	vm1 =	vlt.s32 v7, v5;
	vm2 =	vgt.s32 v8, v6;
	vm3 =	veq.s32 v8, v6  }
0x311: {  	vm2 =	vmand vm1, vm2  }
0x312: {  	vm1 =	vmand vm1, vm3;
	v7 =	vsel vm2, $0x1, v0  }
0x313: {  	v9 =	vsel vm1, $0x1, v0;
	(xrf0) =	vadd.scan.msk.s32 $0xffff, v7  }
0x314: {  	(xrf0) =	vadd.scan.msk.s32 $0xffff, v9;
	_ =	sdelay $0x4  }
0x315: {  	v7, _, _ =	vpop (xrf0)  }
0x316: {  	(v2sf) =	vpush v7, $0xF;
	v7, _, _ =	vpop (xrf0)  }
0x317: {  	(v2sf) =	vpush v7, $0xF;
	_ =	sdelay $0xb  }
0x318: {  	v7 =	vld [tilespmem:s2+$0x0]  }
.Ltmp18:
0x319: {  	(pc) =	sbr.rel @p0 .LBB2_34-.Ltmp18, $4  }
0x31a: {  	p1 =	sgt.s32 s5, $0xC7;
	s8 =	spop (v2sf)  }
0x31b: {  	p2 =	slt.s32 s8, $0x1;
	s4 =	sadd.s32 s4, s8;
	s8 =	spop (v2sf)  }
0x31c: {  	[tilespmem:s7+$0x1C000] =	vst.msk @!p2 vm2, v8;
	p3 =	slt.s32 @!p1 s8, $0x1;
	s5 =	sadd.s32 s5, s8  }
0x31d: {  	s6 =	sadd.s32 $0x10, s6;
	[tilespmem:s7+$0x1C100] =	vst.msk @!p2 vm2, v7;
	p1 =	por p3, p1  }
.LBB2_35:
.Ltmp19:
0x31e: {  	(pc) =	sbr.rel .LBB2_36-.Ltmp19, $2  }
0x31f: {  	_ =	sdelay $0x2  }
0x320: {  	[tilespmem:s1+$0x1C200] =	vst.msk @!p1 vm1, v7  }
.LBB2_32:
0x321: {  	s9 =	rddreg [dreg:$0xb]  }
0x322: {  	s10 =	simm.s32 $0x80;
	s11 =	simm.s32 $0x400;
	s12 =	simm.s32 $0x2  }
.LBB2_36:
0x323: {  	s0 =	sadd.s32 s28, s23  }
0x324: {  	s1 =	ssub.s32 s30, s31;
	s0 =	sadd.s32 s31, s0  }
0x325: {  	p1 =	slt.s32 s1, $0x1;
	s0 =	sshll.u32 s0, $0x2  }
0x326: {  	v5 =	vmov @!p1 s1;
	v7 =	vlaneseq.u32 @!p1;
	s2 =	sshra.s32 s0, $0x2  }
0x327: {  	vm3 =	vgt.s32 @!p1 v5, v7;
	s0 =	sadd.s32 $0x1C000, s2  }
0x328: {  	_ =	strace $0x9000004A;
	v5 =	vmov s0  }
0x329: {  	s2 =	sadd.s32 $0x1C100, s2;
	vm2 =	vmmov vm3;
	s0 =	sadd.s32 $0xFFFFFFF0, s1;
	s1 =	simm.s32 @!p1 $0x0  }
0x32a: {  	v7 =	vmov s2;
	v8 =	vld @!p1 [tilespmem:s1+$0x1C200]  }
0x32b: {  	v6 =	vbroadcast v6, $0x0;
	p0 =	slt.s32 s0, $0x1  }
0x32c: {  	s7 =	rddreg [dreg:$0x9];
	p1 =	por p1, p1;
	v9 =	vmov @!p0 s0;
	v10 =	vlaneseq.u32 @!p0  }
0x32d: {  	s8 =	rddreg [dreg:$0xa];
	s2 =	simm.s32 $0x80;
	s3 =	simm.s32 @!p0 $0x10;
	vm1 =	vgt.s32 @!p0 v9, v10;
	[tilespmem:v5+s1+$0x0 ss:$0x1] =	vst.idx.msk @!p1 vm3, v6  }
.LBB2_37:
0x32e: {  	s4 =	smov.u32 s2;
	s2 =	sadd.s32 $0x40, s2  }
0x32f: {  	[tilespmem:v7+s1+$0x0 ss:$0x1] =	vst.idx.msk @!p1 vm2, v8;
	vm2 =	vmmov vm1;
	s1 =	smov.u32 s3;
	p2 =	sne.s32 s2, $0x340  }
.Ltmp20:
0x330: {  	p1 =	por p0, p0;
	v8 =	vld @!p0 [tilespmem:s1+$0x1C200];
	(pc) =	sbr.rel @p2 .LBB2_37-.Ltmp20, $4  }
0x331: {  	s0 =	sadd.s32 $0xFFFFFFF0, s0  }
0x332: {  	p0 =	slt.s32 s0, $0x1  }
0x333: {  	s3 =	sshra.s32 @!p0 s4, $0x2;
	v9 =	vmov @!p0 s0;
	v10 =	vlaneseq.u32 @!p0  }
0x334: {  	[tilespmem:v5+s1+$0x0 ss:$0x1] =	vst.idx.msk @!p1 vm1, v6;
	vm1 =	vgt.s32 @!p0 v9, v10  }
0x335: {  	_ =	sdelay $0x4  }
0x336: {  	[tilespmem:v7+s1+$0x0 ss:$0x1] =	vst.idx.msk @!p1 vm2, v8  }
0x337: {  	v8 =	vld @!p0 [tilespmem:s3+$0x1C200];
	_ =	sdelay $0x2  }
0x338: {  	p0 =	por p0, p0  }
0x339: {  	[tilespmem:v5+s3+$0x0 ss:$0x1] =	vst.idx.msk @!p0 vm1, v6  }
0x33a: {  	[tilespmem:v7+s3+$0x0 ss:$0x1] =	vst.idx.msk @!p0 vm1, v8  }
0x33b: {  	v5 =	vld [tilespmem:$0x1C0C0]  }
0x33c: {  	v6 =	vld [tilespmem:$0x1C1C0];
	_ =	sdelay $0x3  }
0x33d: {  	v5 =	vnsel vm0, $0xBF800000, v5  }
0x33e: {  	[tilespmem:$0x1C0C0] =	vst v5;
	v5 =	vsel vm0, v6, v1  }
0x33f: {  	[tilespmem:$0x1C1C0] =	vst v5  }
0x340: {  	_ =	strace $0x8000004B  }
0x341: {  	s0 =	rddreg [dreg:$0x4]  }
0x342: {  	[tilespmem:s16], [sflag:$0x2] =	stream.strided.gather [hbm4b:s0+s10], $0x4E80, s11, s10, $0x200038;
	[tilespmem:$0x1ED80] =	vst v63  }
0x343: {  	s30 =	simm.s32 $0x9D00;
	s1 =	simm.s32 $0x191B0;
	s29 =	rddreg [dreg:$0x5]  }
0x344: {  	[tilespmem:s30], [sflag:$0x3] =	stream.strided.gather [hbm4b:s29+s10], $0x4E80, s11, s10, $0x200038;
	[tilespmem:$0x1ED80] =	vst v63  }
0x345: {  	s2 =	simm.s32 $0x0;
	s31 =	rddreg [dreg:$0x6];
	s0 =	simm.s32 $0x0  }
0x346: {  	vm2 =	vmmov vm1;
	[tilespmem:s0], [sflag:$0x1] =	stream.strided.gather [hbm4b:s31+s10], $0x4E80, s11, s10, $0x200038;
	[tilespmem:$0x1ED80] =	vst v63  }
.LBB2_39:
0x347: {  	_ =	swait.ge [sflag:s12], $0x4E80  }
0x348: {  	[sflag:s12] =	ssyncset.done $0x0  }
0x349: {  	[sflag:s12] =	ssyncadd.s32 $0xFFFFB180  }
0x34a: {  	v5 =	vld [tilespmem:$0x1C100];
	_ =	sdelay $0x7  }
0x34b: {  	v5 =	vld.idx.msk [tilespmem:v5+s16+$0x0], $0xffff;
	_ =	sdelay $0x4  }
0x34c: {  	[tilespmem:s1+$0xFFFFFED0] =	vst v5  }
0x34d: {  	v5 =	vld [tilespmem:$0x1C110];
	_ =	sdelay $0x7  }
0x34e: {  	v5 =	vld.idx.msk [tilespmem:v5+s16+$0x0], $0xffff;
	_ =	sdelay $0x4  }
0x34f: {  	[tilespmem:s1+$0xFFFFFEE0] =	vst v5  }
0x350: {  	v5 =	vld [tilespmem:$0x1C120];
	_ =	sdelay $0x7  }
0x351: {  	v5 =	vld.idx.msk [tilespmem:v5+s16+$0x0], $0xffff;
	_ =	sdelay $0x4  }
0x352: {  	[tilespmem:s1+$0xFFFFFEF0] =	vst v5  }
0x353: {  	v5 =	vld [tilespmem:$0x1C130];
	_ =	sdelay $0x7  }
0x354: {  	v5 =	vld.idx.msk [tilespmem:v5+s16+$0x0], $0xffff;
	_ =	sdelay $0x4  }
0x355: {  	[tilespmem:s1+$0xFFFFFF00] =	vst v5  }
0x356: {  	v5 =	vld [tilespmem:$0x1C140];
	_ =	sdelay $0x7  }
0x357: {  	v5 =	vld.idx.msk [tilespmem:v5+s16+$0x0], $0xffff;
	_ =	sdelay $0x4  }
0x358: {  	[tilespmem:s1+$0xFFFFFF10] =	vst v5  }
0x359: {  	v5 =	vld [tilespmem:$0x1C150];
	_ =	sdelay $0x7  }
0x35a: {  	v5 =	vld.idx.msk [tilespmem:v5+s16+$0x0], $0xffff;
	_ =	sdelay $0x4  }
0x35b: {  	[tilespmem:s1+$0xFFFFFF20] =	vst v5  }
0x35c: {  	v5 =	vld [tilespmem:$0x1C160];
	_ =	sdelay $0x7  }
0x35d: {  	v5 =	vld.idx.msk [tilespmem:v5+s16+$0x0], $0xffff;
	_ =	sdelay $0x4  }
0x35e: {  	[tilespmem:s1+$0xFFFFFF30] =	vst v5  }
0x35f: {  	v5 =	vld [tilespmem:$0x1C170];
	_ =	sdelay $0x7  }
0x360: {  	v5 =	vld.idx.msk [tilespmem:v5+s16+$0x0], $0xffff;
	_ =	sdelay $0x4  }
0x361: {  	[tilespmem:s1+$0xFFFFFF40] =	vst v5  }
0x362: {  	v5 =	vld [tilespmem:$0x1C180];
	_ =	sdelay $0x7  }
0x363: {  	v5 =	vld.idx.msk [tilespmem:v5+s16+$0x0], $0xffff;
	_ =	sdelay $0x4  }
0x364: {  	[tilespmem:s1+$0xFFFFFF50] =	vst v5  }
0x365: {  	v5 =	vld [tilespmem:$0x1C190];
	_ =	sdelay $0x7  }
0x366: {  	v5 =	vld.idx.msk [tilespmem:v5+s16+$0x0], $0xffff;
	_ =	sdelay $0x4  }
0x367: {  	[tilespmem:s1+$0xFFFFFF60] =	vst v5  }
0x368: {  	v5 =	vld [tilespmem:$0x1C1A0];
	_ =	sdelay $0x7  }
0x369: {  	v5 =	vld.idx.msk [tilespmem:v5+s16+$0x0], $0xffff;
	_ =	sdelay $0x4  }
0x36a: {  	[tilespmem:s1+$0xFFFFFF70] =	vst v5  }
0x36b: {  	v5 =	vld [tilespmem:$0x1C1B0];
	_ =	sdelay $0x7  }
0x36c: {  	v5 =	vld.idx.msk [tilespmem:v5+s16+$0x0], $0xffff;
	_ =	sdelay $0x4  }
0x36d: {  	[tilespmem:s1+$0xFFFFFF80] =	vst v5  }
0x36e: {  	v5 =	vld [tilespmem:$0x1C1C0];
	_ =	sdelay $0x7  }
0x36f: {  	v5 =	vld.idx.msk [tilespmem:v5+s16+$0x0], $0xffff;
	_ =	sdelay $0x2  }
0x370: {  	p0 =	seq.s32 s0, $0x45EA00  }
0x371: {  	s3 =	sadd.s32 @!p0 s0, s9  }
0x372: {  	s4 =	simm.s32 @!p0 $0x80;
	s5 =	simm.s32 @!p0 $0x400;
	s6 =	simm.s32 @!p0 $0x4E80;
	[tilespmem:s1+$0xFFFFFF90] =	vst v5  }
0x373: {  	[tilespmem:s6], [sflag:$0x2] =	stream.strided.gather @!p0 [hbm4b:s3+s4], $0x4E80, s5, s4, $0x200038;
	[tilespmem:$0x1ED80] =	vst v63  }
0x374: {  	s3 =	simm.s32 @!p0 $0x3  }
0x375: {  	_ =	swait.ge @!p0 [sflag:s3], $0x4E80  }
0x376: {  	[sflag:s3] =	ssyncset.done @!p0 $0x0  }
0x377: {  	[sflag:s3] =	ssyncadd.s32 @!p0 $0xFFFFB180  }
0x378: {  	v5 =	vld @!p0 [tilespmem:$0x1C100];
	_ =	sdelay $0x6  }
0x379: {  	s3 =	simm.s32 @!p0 $0x9D00  }
0x37a: {  	v5 =	vld.idx.msk @!p0 [tilespmem:v5+s3+$0x0], $0xffff;
	_ =	sdelay $0x4  }
0x37b: {  	[tilespmem:s1+$0xFFFFFFA0] =	vst @!p0 v5  }
0x37c: {  	v5 =	vld @!p0 [tilespmem:$0x1C110];
	_ =	sdelay $0x7  }
0x37d: {  	v5 =	vld.idx.msk @!p0 [tilespmem:v5+s3+$0x0], $0xffff;
	_ =	sdelay $0x4  }
0x37e: {  	[tilespmem:s1+$0xFFFFFFB0] =	vst @!p0 v5  }
0x37f: {  	v5 =	vld @!p0 [tilespmem:$0x1C120];
	_ =	sdelay $0x7  }
0x380: {  	v5 =	vld.idx.msk @!p0 [tilespmem:v5+s3+$0x0], $0xffff;
	_ =	sdelay $0x4  }
0x381: {  	[tilespmem:s1+$0xFFFFFFC0] =	vst @!p0 v5  }
0x382: {  	v5 =	vld @!p0 [tilespmem:$0x1C130];
	_ =	sdelay $0x7  }
0x383: {  	v5 =	vld.idx.msk @!p0 [tilespmem:v5+s3+$0x0], $0xffff;
	_ =	sdelay $0x4  }
0x384: {  	[tilespmem:s1+$0xFFFFFFD0] =	vst @!p0 v5  }
0x385: {  	v5 =	vld @!p0 [tilespmem:$0x1C140];
	_ =	sdelay $0x7  }
0x386: {  	v5 =	vld.idx.msk @!p0 [tilespmem:v5+s3+$0x0], $0xffff;
	_ =	sdelay $0x4  }
0x387: {  	[tilespmem:s1+$0xFFFFFFE0] =	vst @!p0 v5  }
0x388: {  	v5 =	vld @!p0 [tilespmem:$0x1C150];
	_ =	sdelay $0x7  }
0x389: {  	v5 =	vld.idx.msk @!p0 [tilespmem:v5+s3+$0x0], $0xffff;
	_ =	sdelay $0x4  }
0x38a: {  	[tilespmem:s1+$0xFFFFFFF0] =	vst @!p0 v5  }
0x38b: {  	v5 =	vld @!p0 [tilespmem:$0x1C160];
	_ =	sdelay $0x7  }
0x38c: {  	v5 =	vld.idx.msk @!p0 [tilespmem:v5+s3+$0x0], $0xffff;
	_ =	sdelay $0x4  }
0x38d: {  	[tilespmem:s1+$0x0] =	vst @!p0 v5  }
0x38e: {  	v5 =	vld @!p0 [tilespmem:$0x1C170];
	_ =	sdelay $0x7  }
0x38f: {  	v5 =	vld.idx.msk @!p0 [tilespmem:v5+s3+$0x0], $0xffff;
	_ =	sdelay $0x4  }
0x390: {  	[tilespmem:s1+$0x10] =	vst @!p0 v5  }
0x391: {  	v5 =	vld @!p0 [tilespmem:$0x1C180];
	_ =	sdelay $0x7  }
0x392: {  	v5 =	vld.idx.msk @!p0 [tilespmem:v5+s3+$0x0], $0xffff;
	_ =	sdelay $0x4  }
0x393: {  	[tilespmem:s1+$0x20] =	vst @!p0 v5  }
0x394: {  	v5 =	vld @!p0 [tilespmem:$0x1C190];
	_ =	sdelay $0x7  }
0x395: {  	v5 =	vld.idx.msk @!p0 [tilespmem:v5+s3+$0x0], $0xffff;
	_ =	sdelay $0x4  }
0x396: {  	[tilespmem:s1+$0x30] =	vst @!p0 v5  }
0x397: {  	v5 =	vld @!p0 [tilespmem:$0x1C1A0];
	_ =	sdelay $0x7  }
0x398: {  	v5 =	vld.idx.msk @!p0 [tilespmem:v5+s3+$0x0], $0xffff;
	_ =	sdelay $0x4  }
0x399: {  	[tilespmem:s1+$0x40] =	vst @!p0 v5  }
0x39a: {  	v5 =	vld @!p0 [tilespmem:$0x1C1B0];
	_ =	sdelay $0x7  }
0x39b: {  	v5 =	vld.idx.msk @!p0 [tilespmem:v5+s3+$0x0], $0xffff;
	_ =	sdelay $0x4  }
0x39c: {  	[tilespmem:s1+$0x50] =	vst @!p0 v5  }
0x39d: {  	v5 =	vld @!p0 [tilespmem:$0x1C1C0];
	_ =	sdelay $0x7  }
0x39e: {  	v5 =	vld.idx.msk @!p0 [tilespmem:v5+s3+$0x0], $0xffff;
	_ =	sdelay $0x1  }
0x39f: {  	p1 =	sgt.u32 @!p0 s2, $0x11  }
0x3a0: {  	p1 =	por p1, p0  }
0x3a1: {  	s4 =	simm.s32 @!p1 $0x80  }
0x3a2: {  	s5 =	simm.s32 @!p1 $0x400;
	s6 =	simm.s32 @!p1 $0x9D00;
	s3 =	sadd.s32 @!p1 s0, s8;
	[tilespmem:s1+$0x60] =	vst @!p0 v5  }
0x3a3: {  	[tilespmem:s6], [sflag:$0x3] =	stream.strided.gather @!p1 [hbm4b:s3+s4], $0x4E80, s5, s4, $0x200038;
	[tilespmem:$0x1ED80] =	vst v63  }
0x3a4: {  	s3 =	simm.s32 @!p0 $0x1  }
0x3a5: {  	_ =	swait.ge @!p0 [sflag:s3], $0x4E80  }
0x3a6: {  	[sflag:s3] =	ssyncset.done @!p0 $0x0  }
0x3a7: {  	[sflag:s3] =	ssyncadd.s32 @!p0 $0xFFFFB180  }
0x3a8: {  	v5 =	vld @!p0 [tilespmem:$0x1C100];
	_ =	sdelay $0x6  }
0x3a9: {  	s3 =	simm.s32 @!p0 $0x0  }
0x3aa: {  	v5 =	vld.idx.msk @!p0 [tilespmem:v5+s3+$0x0], $0xffff;
	_ =	sdelay $0x4  }
0x3ab: {  	[tilespmem:s1+$0x70] =	vst @!p0 v5  }
0x3ac: {  	v5 =	vld @!p0 [tilespmem:$0x1C110];
	_ =	sdelay $0x7  }
0x3ad: {  	v5 =	vld.idx.msk @!p0 [tilespmem:v5+s3+$0x0], $0xffff;
	_ =	sdelay $0x4  }
0x3ae: {  	[tilespmem:s1+$0x80] =	vst @!p0 v5  }
0x3af: {  	v5 =	vld @!p0 [tilespmem:$0x1C120];
	_ =	sdelay $0x7  }
0x3b0: {  	v5 =	vld.idx.msk @!p0 [tilespmem:v5+s3+$0x0], $0xffff;
	_ =	sdelay $0x4  }
0x3b1: {  	[tilespmem:s1+$0x90] =	vst @!p0 v5  }
0x3b2: {  	v5 =	vld @!p0 [tilespmem:$0x1C130];
	_ =	sdelay $0x7  }
0x3b3: {  	v5 =	vld.idx.msk @!p0 [tilespmem:v5+s3+$0x0], $0xffff;
	_ =	sdelay $0x4  }
0x3b4: {  	[tilespmem:s1+$0xA0] =	vst @!p0 v5  }
0x3b5: {  	v5 =	vld @!p0 [tilespmem:$0x1C140];
	_ =	sdelay $0x7  }
0x3b6: {  	v5 =	vld.idx.msk @!p0 [tilespmem:v5+s3+$0x0], $0xffff;
	_ =	sdelay $0x4  }
0x3b7: {  	[tilespmem:s1+$0xB0] =	vst @!p0 v5  }
0x3b8: {  	v5 =	vld @!p0 [tilespmem:$0x1C150];
	_ =	sdelay $0x7  }
0x3b9: {  	v5 =	vld.idx.msk @!p0 [tilespmem:v5+s3+$0x0], $0xffff;
	_ =	sdelay $0x4  }
0x3ba: {  	[tilespmem:s1+$0xC0] =	vst @!p0 v5  }
0x3bb: {  	v5 =	vld @!p0 [tilespmem:$0x1C160];
	_ =	sdelay $0x7  }
0x3bc: {  	v5 =	vld.idx.msk @!p0 [tilespmem:v5+s3+$0x0], $0xffff;
	_ =	sdelay $0x4  }
0x3bd: {  	[tilespmem:s1+$0xD0] =	vst @!p0 v5  }
0x3be: {  	v5 =	vld @!p0 [tilespmem:$0x1C170];
	_ =	sdelay $0x7  }
0x3bf: {  	v5 =	vld.idx.msk @!p0 [tilespmem:v5+s3+$0x0], $0xffff;
	_ =	sdelay $0x4  }
0x3c0: {  	[tilespmem:s1+$0xE0] =	vst @!p0 v5  }
0x3c1: {  	v5 =	vld @!p0 [tilespmem:$0x1C180];
	_ =	sdelay $0x7  }
0x3c2: {  	v5 =	vld.idx.msk @!p0 [tilespmem:v5+s3+$0x0], $0xffff;
	_ =	sdelay $0x4  }
0x3c3: {  	[tilespmem:s1+$0xF0] =	vst @!p0 v5  }
0x3c4: {  	v5 =	vld @!p0 [tilespmem:$0x1C190];
	_ =	sdelay $0x7  }
0x3c5: {  	v5 =	vld.idx.msk @!p0 [tilespmem:v5+s3+$0x0], $0xffff;
	_ =	sdelay $0x4  }
0x3c6: {  	[tilespmem:s1+$0x100] =	vst @!p0 v5  }
0x3c7: {  	v5 =	vld @!p0 [tilespmem:$0x1C1A0];
	_ =	sdelay $0x7  }
0x3c8: {  	v5 =	vld.idx.msk @!p0 [tilespmem:v5+s3+$0x0], $0xffff;
	_ =	sdelay $0x4  }
0x3c9: {  	[tilespmem:s1+$0x110] =	vst @!p0 v5  }
0x3ca: {  	v5 =	vld @!p0 [tilespmem:$0x1C1B0];
	_ =	sdelay $0x7  }
0x3cb: {  	v5 =	vld.idx.msk @!p0 [tilespmem:v5+s3+$0x0], $0xffff;
	_ =	sdelay $0x4  }
0x3cc: {  	[tilespmem:s1+$0x120] =	vst @!p0 v5  }
0x3cd: {  	v5 =	vld @!p0 [tilespmem:$0x1C1C0];
	_ =	sdelay $0x7  }
0x3ce: {  	v5 =	vld.idx.msk @!p0 [tilespmem:v5+s3+$0x0], $0xffff;
	_ =	sdelay $0x4  }
0x3cf: {  	s6 =	simm.s32 @!p1 $0x0;
	s3 =	sadd.s32 @!p1 s0, s7;
	s0 =	sadd.s32 @!p0 $0x3AE00, s0;
	[tilespmem:s1+$0x130] =	vst @!p0 v5  }
0x3d0: {  	[tilespmem:s6], [sflag:$0x1] =	stream.strided.gather @!p1 [hbm4b:s3+s4], $0x4E80, s5, s4, $0x200038;
	[tilespmem:$0x1ED80] =	vst v63  }
0x3d1: {  	p1 =	sne.s32 @!p0 s0, $0x499800  }
0x3d2: {  	p1 =	por p0, !p1  }
.Ltmp21:
0x3d3: {  	_ = 	snop;
	(pc) =	sbr.rel @!p1 .LBB2_39-.Ltmp21, $2  }
0x3d4: {  	_ =	sdelay $0x2  }
0x3d5: {  	s2 =	sadd.s32 @!p0 $0x1, s2;
	s1 =	sadd.s32 @!p0 $0x270, s1  }
0x3d6: {  	_ =	strace $0x9000004B  }
0x3d7: {  	s0 =	simm.s32 $0x0;
	s1 =	simm.s32 $0x0;
	_ =	strace $0x8000004C  }
.LBB2_41:
0x3d8: {  	s2 =	simm.s32 $0x3;
	v5 =	vmov s0  }
0x3d9: {  	s4 =	simm.s32 $0x1;
	v7 =	vmov s2;
	v5 =	vand.u32 $0xFFFFFFFC, v5  }
0x3da: {  	s3 =	simm.s32 $0x2;
	v8 =	vmov s4;
	v9 =	vbroadcast v5, $0x0  }
0x3db: {  	s2 =	sshll.u32 s1, $0x4;
	v5 =	vmov s3;
	v8 =	vand.u32 $0xFFFFFFFD, v8  }
0x3dc: {  	v6 =	vld [tilespmem:s2+$0x1C000];
	v10 =	vand.u32 $0xFFFFFFFE, v5;
	v14 =	vbroadcast v8, $0x0  }
0x3dd: {  	v5 =	vld [tilespmem:s2+$0x1C100];
	v15 =	vbroadcast v10, $0x0  }
0x3de: {  	v16 =	vld.idx.msk [tilespmem:v7+s19+$0x0], $0xffff  }
0x3df: {  	s29 =	simm.s32 $0x4;
	v17 =	vld.idx.msk [tilespmem:v7+s20+$0x0], $0xffff  }
0x3e0: {  	s5 =	simm.s32 $0x6;
	v7 =	vmov s29;
	v18 =	vld.idx.msk [tilespmem:v9+s19+$0x0], $0xffff  }
0x3e1: {  	v13 =	vmov s5;
	v7 =	vand.u32 $0xFFFFFFFC, v7;
	v19 =	vld.idx.msk [tilespmem:v9+s20+$0x0], $0xffff  }
0x3e2: {  	s31 =	simm.s32 $0x5;
	v10 =	vbroadcast v7, $0x0;
	v7 =	vand.u32 $0xFFFFFFFE, v13;
	v13 =	vld.idx.msk [tilespmem:v14+s19+$0x0], $0xffff  }
0x3e3: {  	s30 =	simm.s32 $0x7;
	v9 =	vmov s31;
	v12 =	vld.idx.msk [tilespmem:v15+s19+$0x0], $0xffff  }
0x3e4: {  	v11 =	vmov s30;
	v8 =	vimm.s32 $0x0;
	v9 =	vand.u32 $0xFFFFFFFD, v9;
	v14 =	vld.idx.msk [tilespmem:v14+s20+$0x0], $0xffff  }
0x3e5: {  	v7 =	vbroadcast v7, $0x0;
	v15 =	vld.idx.msk [tilespmem:v15+s20+$0x0], $0xffff;
	vm2 =	veq.f32 v16, v6;
	vm3 =	vlt.s32 v17, v5  }
0x3e6: {  	v9 =	vbroadcast v9, $0x0;
	vm1 =	vgt.f32 v16, v6;
	vm2 =	vmand vm2, vm3  }
0x3e7: {  	s3 =	simm.s32 $0x8;
	vm3 =	vgt.f32 v18, v6;
	vm4 =	veq.f32 v18, v6;
	vm5 =	vlt.s32 v19, v5  }
.LBB2_42:
0x3e8: {  	p0 =	slt.u32 s3, $0xC4;
	vm6 =	vgt.f32 v13, v6;
	vm7 =	vgt.f32 v12, v6;
	vm8 =	veq.f32 v12, v6  }
0x3e9: {  	vm4 =	vmand vm4, vm5;
	vm5 =	veq.f32 v13, v6;
	vm9 =	vlt.s32 v14, v5  }
0x3ea: {  	vm3 =	vmor vm3, vm4;
	vm4 =	vmand vm5, vm9;
	vm5 =	vlt.s32 v15, v5;
	v16 =	vld.idx.msk [tilespmem:v11+s19+$0x0], $0xffff  }
0x3eb: {  	v17 =	vld.idx.msk [tilespmem:v11+s20+$0x0], $0xffff;
	v11 =	vsel vm3, $0x1, v0;
	vm3 =	vmor vm6, vm4;
	vm4 =	vmand vm8, vm5  }
0x3ec: {  	v18 =	vld.idx.msk [tilespmem:v10+s19+$0x0], $0xffff;
	v8 =	vadd.s32 v11, v8;
	v11 =	vsel vm3, $0x1, v0;
	vm3 =	vmor vm7, vm4  }
0x3ed: {  	vm1 =	vmor vm1, vm2;
	v19 =	vld.idx.msk [tilespmem:v10+s20+$0x0], $0xffff;
	v8 =	vadd.s32 v11, v8;
	v10 =	vsel vm3, $0x1, v0  }
0x3ee: {  	s4 =	sadd.s32 $0x3, s3;
	v12 =	vld.idx.msk [tilespmem:v7+s19+$0x0], $0xffff;
	v8 =	vadd.s32 v10, v8;
	v10 =	vsel vm1, $0x1, v0  }
0x3ef: {  	v14 =	vmov s3;
	s5 =	sadd.s32 $0x1, s3;
	s6 =	sadd.s32 $0x2, s3;
	v11 =	vmov s4;
	v13 =	vld.idx.msk [tilespmem:v9+s19+$0x0], $0xffff;
	v8 =	vadd.s32 v10, v8  }
.Ltmp22:
0x3f0: {  	v15 =	vmov s5;
	v20 =	vmov s6;
	v10 =	vand.u32 $0xFFFFFFFC, v14;
	v14 =	vld.idx.msk [tilespmem:v9+s20+$0x0], $0xffff;
	(pc) =	sbr.rel @p0 .LBB2_42-.Ltmp22, $4  }
0x3f1: {  	v20 =	vand.u32 $0xFFFFFFFE, v20;
	v10 =	vbroadcast v10, $0x0;
	v9 =	vand.u32 $0xFFFFFFFD, v15;
	v15 =	vld.idx.msk [tilespmem:v7+s20+$0x0], $0xffff  }
0x3f2: {  	vm2 =	veq.f32 v16, v6;
	vm3 =	vlt.s32 v17, v5;
	v7 =	vbroadcast v20, $0x0  }
0x3f3: {  	vm1 =	vgt.f32 v16, v6;
	v9 =	vbroadcast v9, $0x0;
	vm2 =	vmand vm2, vm3  }
0x3f4: {  	s3 =	sadd.s32 $0x4, s3;
	vm3 =	vgt.f32 v18, v6;
	vm4 =	veq.f32 v18, v6;
	vm5 =	vlt.s32 v19, v5  }
0x3f5: {  	_ =	sdelay $0x3  }
0x3f6: {  	v16 =	vld.idx.msk [tilespmem:v11+s19+$0x0], $0xffff  }
0x3f7: {  	vm6 =	vgt.f32 v13, v6;
	v54 =	vld.idx.msk [tilespmem:v11+s20+$0x0], $0xffff  }
0x3f8: {  	vm7 =	vgt.f32 v12, v6;
	vm4 =	vmand vm4, vm5;
	vm13 =	veq.f32 v12, v6;
	v55 =	vld.idx.msk [tilespmem:v10+s19+$0x0], $0xffff  }
0x3f9: {  	vm8 =	veq.f32 v13, v6;
	vm9 =	vlt.s32 v14, v5;
	v57 =	vld.idx.msk [tilespmem:v10+s20+$0x0], $0xffff;
	vm1 =	vmor vm1, vm2  }
0x3fa: {  	v59 =	vld.idx.msk [tilespmem:v7+s19+$0x0], $0xffff;
	vm3 =	vmor vm3, vm4;
	vm14 =	vmand vm8, vm9;
	vm15 =	vlt.s32 v15, v5  }
0x3fb: {  	v61 =	vld.idx.msk [tilespmem:v9+s19+$0x0], $0xffff;
	v56 =	vsel vm3, $0x1, v0;
	vm3 =	vmor vm6, vm14;
	vm12 =	vmand vm13, vm15  }
0x3fc: {  	v62 =	vld.idx.msk [tilespmem:v9+s20+$0x0], $0xffff;
	v8 =	vadd.s32 v56, v8;
	v58 =	vsel vm3, $0x1, v0;
	vm3 =	vmor vm7, vm12  }
0x3fd: {  	v63 =	vsel vm1, $0x1, v0;
	v8 =	vadd.s32 v58, v8;
	v60 =	vsel vm3, $0x1, v0  }
0x3fe: {  	v7 =	vld.idx.msk [tilespmem:v7+s20+$0x0], $0xffff;
	v8 =	vadd.s32 v60, v8;
	vm1 =	veq.f32 v16, v6;
	vm2 =	vlt.s32 v54, v5  }
0x3ff: {  	vm3 =	vgt.f32 v16, v6;
	vm13 =	veq.f32 v55, v6;
	vm14 =	vlt.s32 v57, v5  }
0x400: {  	vm6 =	vgt.f32 v61, v6;
	vm7 =	vgt.f32 v59, v6;
	vm8 =	veq.f32 v59, v6  }
0x401: {  	vm15 =	veq.f32 v61, v6;
	vm12 =	vlt.s32 v62, v5;
	v8 =	vadd.s32 v63, v8  }
0x402: {  	vm1 =	vmand vm1, vm2;
	vm2 =	vgt.f32 v55, v6;
	vm4 =	vmand vm13, vm14  }
0x403: {  	s1 =	sadd.s32 $0x1, s1;
	vm13 =	vmand vm15, vm12;
	vm14 =	vlt.s32 v7, v5;
	vm2 =	vmor vm2, vm4  }
0x404: {  	p0 =	sne.s32 s1, $0xD;
	vm15 =	vmand vm8, vm14;
	v5 =	vsel vm2, $0x1, v0;
	vm2 =	vmor vm6, vm13  }
.Ltmp23:
0x405: {  	v5 =	vadd.s32 v5, v8;
	v6 =	vsel vm2, $0x1, v0;
	vm2 =	vmor vm7, vm15;
	(pc) =	sbr.rel @p0 .LBB2_41-.Ltmp23, $4  }
0x406: {  	vm1 =	vmor vm3, vm1;
	v5 =	vadd.s32 v6, v5;
	v6 =	vsel vm2, $0x1, v0  }
0x407: {  	v5 =	vadd.s32 v6, v5;
	v6 =	vsel vm1, $0x1, v0  }
0x408: {  	v5 =	vadd.s32 v6, v5  }
0x409: {  	[tilespmem:s2+$0x1C300] =	vst v5  }
0x40a: {  	_ =	strace $0x9000004C;
	s0 =	simm.s32 $0x0;
	s23 =	simm.s32 $0x1C000  }
0x40b: {  	s24 =	simm.s32 $0x1C300;
	s25 =	simm.s32 $0x1A810;
	_ =	strace $0x8000004D  }
.LBB2_45:
0x40c: {  	v5 =	vld [tilespmem:s24+$0x0];
	_ =	sdelay $0x4  }
0x40d: {  	vm1 =	vlt.s32 v5, $0xC8;
	v5 =	vmul.u32 $0x35, v5  }
0x40e: {  	v6 =	vld [tilespmem:s23+$0x0];
	_ =	sdelay $0x4  }
0x40f: {  	[tilespmem:v5+s21+$0x0] =	vst.idx.msk vm1, v6  }
0x410: {  	v7 =	vld [tilespmem:s25+$0x1450]  }
0x411: {  	v6 =	vld [tilespmem:s25+$0xFFFFE870]  }
0x412: {  	s1 =	sand.u32 $0xF0, s0  }
0x413: {  	v9 =	vld [tilespmem:s1+$0x1BE00];
	_ =	sdelay $0x1  }
0x414: {  	v8 =	vld [tilespmem:s25+$0x12B0]  }
0x415: {  	v6 =	vmul.f32 v6, v7;
	_ =	sdelay $0x1  }
0x416: {  	v6 =	vmul.f32 v6, v9  }
0x417: {  	v12 =	vadd.s32 $0x1, v5  }
0x418: {  	v11 =	vadd.f32 v6, v8;
	_ =	sdelay $0x1  }
0x419: {  	v10 =	vld [tilespmem:s25+$0x1520];
	v13 =	vmul.f32 $5.120000000e+02, v11  }
0x41a: {  	v6 =	vld [tilespmem:s25+$0x1380]  }
0x41b: {  	v11 =	vld [tilespmem:s25+$0x16C0];
	[tilespmem:v12+s21+$0x0] =	vst.idx.msk vm1, v13  }
0x41c: {  	v12 =	vld [tilespmem:s25+$0xFFFFE940];
	_ =	sdelay $0x4  }
0x41d: {  	v12 =	vmul.f32 v12, v10;
	_ =	sdelay $0x1  }
0x41e: {  	v12 =	vmul.f32 v12, v11  }
0x41f: {  	v62 =	vadd.s32 $0x2, v5  }
0x420: {  	v12 =	vadd.f32 v12, v6;
	_ =	sdelay $0x1  }
0x421: {  	v12 =	vmul.f32 $5.120000000e+02, v12;
	_ =	sdelay $0x1  }
0x422: {  	[tilespmem:v62+s21+$0x0] =	vst.idx.msk vm1, v12  }
0x423: {  	v12 =	vld [tilespmem:s25+$0xFFFFEA10];
	_ =	sdelay $0x4  }
0x424: {  	v12 =	vmul.f32 v12, v7;
	_ =	sdelay $0x1  }
0x425: {  	v12 =	vmul.f32 v12, v9  }
0x426: {  	v63 =	vadd.s32 $0x3, v5  }
0x427: {  	v12 =	vadd.f32 v12, v8;
	_ =	sdelay $0x1  }
0x428: {  	v12 =	vmul.f32 $5.120000000e+02, v12;
	_ =	sdelay $0x1  }
0x429: {  	[tilespmem:v63+s21+$0x0] =	vst.idx.msk vm1, v12  }
0x42a: {  	v12 =	vld [tilespmem:s25+$0xFFFFEAE0];
	_ =	sdelay $0x4  }
0x42b: {  	v12 =	vmul.f32 v12, v10;
	_ =	sdelay $0x1  }
0x42c: {  	v12 =	vmul.f32 v12, v11  }
0x42d: {  	v16 =	vadd.s32 $0x4, v5  }
0x42e: {  	v12 =	vadd.f32 v12, v6;
	_ =	sdelay $0x1  }
0x42f: {  	v12 =	vmul.f32 $5.120000000e+02, v12;
	_ =	sdelay $0x1  }
0x430: {  	[tilespmem:v16+s21+$0x0] =	vst.idx.msk vm1, v12  }
0x431: {  	v12 =	vld [tilespmem:s25+$0xFFFFEBB0];
	_ =	sdelay $0x4  }
0x432: {  	v12 =	vmul.f32 v12, v7;
	_ =	sdelay $0x1  }
0x433: {  	v12 =	vmul.f32 v12, v9  }
0x434: {  	v17 =	vadd.s32 $0x5, v5  }
0x435: {  	v12 =	vadd.f32 v12, v8;
	_ =	sdelay $0x1  }
0x436: {  	v12 =	vmul.f32 $5.120000000e+02, v12;
	_ =	sdelay $0x1  }
0x437: {  	[tilespmem:v17+s21+$0x0] =	vst.idx.msk vm1, v12  }
0x438: {  	v12 =	vld [tilespmem:s25+$0xFFFFEC80];
	_ =	sdelay $0x4  }
0x439: {  	v12 =	vmul.f32 v12, v10;
	_ =	sdelay $0x1  }
0x43a: {  	v12 =	vmul.f32 v12, v11  }
0x43b: {  	v18 =	vadd.s32 $0x6, v5  }
0x43c: {  	v12 =	vadd.f32 v12, v6;
	_ =	sdelay $0x1  }
0x43d: {  	v12 =	vmul.f32 $5.120000000e+02, v12;
	_ =	sdelay $0x1  }
0x43e: {  	[tilespmem:v18+s21+$0x0] =	vst.idx.msk vm1, v12  }
0x43f: {  	v12 =	vld [tilespmem:s25+$0xFFFFED50];
	_ =	sdelay $0x4  }
0x440: {  	v12 =	vmul.f32 v12, v7;
	_ =	sdelay $0x1  }
0x441: {  	v12 =	vmul.f32 v12, v9  }
0x442: {  	v19 =	vadd.s32 $0x7, v5  }
0x443: {  	v12 =	vadd.f32 v12, v8;
	_ =	sdelay $0x1  }
0x444: {  	v12 =	vmul.f32 $5.120000000e+02, v12;
	_ =	sdelay $0x1  }
0x445: {  	[tilespmem:v19+s21+$0x0] =	vst.idx.msk vm1, v12  }
0x446: {  	v12 =	vld [tilespmem:s25+$0xFFFFEE20];
	_ =	sdelay $0x4  }
0x447: {  	v12 =	vmul.f32 v12, v10;
	_ =	sdelay $0x1  }
0x448: {  	v12 =	vmul.f32 v12, v11  }
0x449: {  	v20 =	vadd.s32 $0x8, v5  }
0x44a: {  	v12 =	vadd.f32 v12, v6;
	_ =	sdelay $0x1  }
0x44b: {  	v12 =	vmul.f32 $5.120000000e+02, v12;
	_ =	sdelay $0x1  }
0x44c: {  	[tilespmem:v20+s21+$0x0] =	vst.idx.msk vm1, v12  }
0x44d: {  	v12 =	vld [tilespmem:s1+$0x19700];
	_ =	sdelay $0x4  }
0x44e: {  	v12 =	vmul.f32 v12, v7;
	_ =	sdelay $0x1  }
0x44f: {  	v12 =	vmul.f32 v12, v9  }
0x450: {  	v21 =	vadd.s32 $0x9, v5  }
0x451: {  	v12 =	vadd.f32 v12, v8;
	_ =	sdelay $0x1  }
0x452: {  	v12 =	vmul.f32 $5.120000000e+02, v12;
	_ =	sdelay $0x1  }
0x453: {  	[tilespmem:v21+s21+$0x0] =	vst.idx.msk vm1, v12  }
0x454: {  	v12 =	vld [tilespmem:s25+$0xFFFFEFC0];
	_ =	sdelay $0x4  }
0x455: {  	v12 =	vmul.f32 v12, v10;
	_ =	sdelay $0x1  }
0x456: {  	v12 =	vmul.f32 v12, v11  }
0x457: {  	v22 =	vadd.s32 $0xA, v5  }
0x458: {  	v12 =	vadd.f32 v12, v6;
	_ =	sdelay $0x1  }
0x459: {  	v12 =	vmul.f32 $5.120000000e+02, v12;
	_ =	sdelay $0x1  }
0x45a: {  	[tilespmem:v22+s21+$0x0] =	vst.idx.msk vm1, v12  }
0x45b: {  	v12 =	vld [tilespmem:s25+$0xFFFFF090];
	_ =	sdelay $0x4  }
0x45c: {  	v12 =	vmul.f32 v12, v7;
	_ =	sdelay $0x1  }
0x45d: {  	v12 =	vmul.f32 v12, v9  }
0x45e: {  	v23 =	vadd.s32 $0xB, v5  }
0x45f: {  	v12 =	vadd.f32 v12, v8;
	_ =	sdelay $0x1  }
0x460: {  	v12 =	vmul.f32 $5.120000000e+02, v12;
	_ =	sdelay $0x1  }
0x461: {  	[tilespmem:v23+s21+$0x0] =	vst.idx.msk vm1, v12  }
0x462: {  	v12 =	vld [tilespmem:s25+$0xFFFFF160];
	_ =	sdelay $0x4  }
0x463: {  	v12 =	vmul.f32 v12, v10;
	_ =	sdelay $0x1  }
0x464: {  	v12 =	vmul.f32 v12, v11  }
0x465: {  	v24 =	vadd.s32 $0xC, v5  }
0x466: {  	v12 =	vadd.f32 v12, v6;
	_ =	sdelay $0x1  }
0x467: {  	v12 =	vmul.f32 $5.120000000e+02, v12;
	_ =	sdelay $0x1  }
0x468: {  	[tilespmem:v24+s21+$0x0] =	vst.idx.msk vm1, v12  }
0x469: {  	v12 =	vld [tilespmem:s25+$0xFFFFF230];
	_ =	sdelay $0x4  }
0x46a: {  	v12 =	vmul.f32 v12, v7;
	_ =	sdelay $0x1  }
0x46b: {  	v12 =	vmul.f32 v12, v9  }
0x46c: {  	v25 =	vadd.s32 $0xD, v5  }
0x46d: {  	v12 =	vadd.f32 v12, v8;
	_ =	sdelay $0x1  }
0x46e: {  	v12 =	vmul.f32 $5.120000000e+02, v12;
	_ =	sdelay $0x1  }
0x46f: {  	[tilespmem:v25+s21+$0x0] =	vst.idx.msk vm1, v12  }
0x470: {  	v12 =	vld [tilespmem:s25+$0xFFFFF300];
	_ =	sdelay $0x4  }
0x471: {  	v12 =	vmul.f32 v12, v10;
	_ =	sdelay $0x1  }
0x472: {  	v12 =	vmul.f32 v12, v11  }
0x473: {  	v26 =	vadd.s32 $0xE, v5  }
0x474: {  	v12 =	vadd.f32 v12, v6;
	_ =	sdelay $0x1  }
0x475: {  	v12 =	vmul.f32 $5.120000000e+02, v12;
	_ =	sdelay $0x1  }
0x476: {  	[tilespmem:v26+s21+$0x0] =	vst.idx.msk vm1, v12  }
0x477: {  	v12 =	vld [tilespmem:s25+$0xFFFFF3D0];
	_ =	sdelay $0x4  }
0x478: {  	v12 =	vmul.f32 v12, v7;
	_ =	sdelay $0x1  }
0x479: {  	v12 =	vmul.f32 v12, v9  }
0x47a: {  	v27 =	vadd.s32 $0xF, v5  }
0x47b: {  	v12 =	vadd.f32 v12, v8;
	_ =	sdelay $0x1  }
0x47c: {  	v12 =	vmul.f32 $5.120000000e+02, v12;
	_ =	sdelay $0x1  }
0x47d: {  	[tilespmem:v27+s21+$0x0] =	vst.idx.msk vm1, v12  }
0x47e: {  	v12 =	vld [tilespmem:s25+$0xFFFFF4A0];
	_ =	sdelay $0x4  }
0x47f: {  	v12 =	vmul.f32 v12, v10;
	_ =	sdelay $0x1  }
0x480: {  	v12 =	vmul.f32 v12, v11  }
0x481: {  	v28 =	vadd.s32 $0x10, v5  }
0x482: {  	v12 =	vadd.f32 v12, v6;
	_ =	sdelay $0x1  }
0x483: {  	v12 =	vmul.f32 $5.120000000e+02, v12;
	_ =	sdelay $0x1  }
0x484: {  	[tilespmem:v28+s21+$0x0] =	vst.idx.msk vm1, v12  }
0x485: {  	v12 =	vld [tilespmem:s1+$0x19D80];
	_ =	sdelay $0x4  }
0x486: {  	v12 =	vmul.f32 v12, v7;
	_ =	sdelay $0x1  }
0x487: {  	v12 =	vmul.f32 v12, v9  }
0x488: {  	v29 =	vadd.s32 $0x11, v5  }
0x489: {  	v12 =	vadd.f32 v12, v8;
	_ =	sdelay $0x1  }
0x48a: {  	v12 =	vmul.f32 $5.120000000e+02, v12;
	_ =	sdelay $0x1  }
0x48b: {  	[tilespmem:v29+s21+$0x0] =	vst.idx.msk vm1, v12  }
0x48c: {  	v12 =	vld [tilespmem:s25+$0xFFFFF640];
	_ =	sdelay $0x4  }
0x48d: {  	v12 =	vmul.f32 v12, v10;
	_ =	sdelay $0x1  }
0x48e: {  	v12 =	vmul.f32 v12, v11  }
0x48f: {  	v30 =	vadd.s32 $0x12, v5  }
0x490: {  	v12 =	vadd.f32 v12, v6;
	_ =	sdelay $0x1  }
0x491: {  	v12 =	vmul.f32 $5.120000000e+02, v12;
	_ =	sdelay $0x1  }
0x492: {  	[tilespmem:v30+s21+$0x0] =	vst.idx.msk vm1, v12  }
0x493: {  	v12 =	vld [tilespmem:s25+$0xFFFFF710];
	_ =	sdelay $0x4  }
0x494: {  	v12 =	vmul.f32 v12, v7;
	_ =	sdelay $0x1  }
0x495: {  	v12 =	vmul.f32 v12, v9  }
0x496: {  	v31 =	vadd.s32 $0x13, v5  }
0x497: {  	v12 =	vadd.f32 v12, v8;
	_ =	sdelay $0x1  }
0x498: {  	v12 =	vmul.f32 $5.120000000e+02, v12;
	_ =	sdelay $0x1  }
0x499: {  	[tilespmem:v31+s21+$0x0] =	vst.idx.msk vm1, v12  }
0x49a: {  	v12 =	vld [tilespmem:s25+$0xFFFFF7E0];
	_ =	sdelay $0x4  }
0x49b: {  	v12 =	vmul.f32 v12, v10;
	_ =	sdelay $0x1  }
0x49c: {  	v12 =	vmul.f32 v12, v11  }
0x49d: {  	v32 =	vadd.s32 $0x14, v5  }
0x49e: {  	v12 =	vadd.f32 v12, v6;
	_ =	sdelay $0x1  }
0x49f: {  	v12 =	vmul.f32 $5.120000000e+02, v12;
	_ =	sdelay $0x1  }
0x4a0: {  	[tilespmem:v32+s21+$0x0] =	vst.idx.msk vm1, v12  }
0x4a1: {  	v12 =	vld [tilespmem:s25+$0xFFFFF8B0];
	_ =	sdelay $0x4  }
0x4a2: {  	v12 =	vmul.f32 v12, v7;
	_ =	sdelay $0x1  }
0x4a3: {  	v12 =	vmul.f32 v12, v9  }
0x4a4: {  	v33 =	vadd.s32 $0x15, v5  }
0x4a5: {  	v12 =	vadd.f32 v12, v8;
	_ =	sdelay $0x1  }
0x4a6: {  	v12 =	vmul.f32 $5.120000000e+02, v12;
	_ =	sdelay $0x1  }
0x4a7: {  	[tilespmem:v33+s21+$0x0] =	vst.idx.msk vm1, v12  }
0x4a8: {  	v12 =	vld [tilespmem:s25+$0xFFFFF980];
	_ =	sdelay $0x4  }
0x4a9: {  	v12 =	vmul.f32 v12, v10;
	_ =	sdelay $0x1  }
0x4aa: {  	v12 =	vmul.f32 v12, v11  }
0x4ab: {  	v34 =	vadd.s32 $0x16, v5  }
0x4ac: {  	v12 =	vadd.f32 v12, v6;
	_ =	sdelay $0x1  }
0x4ad: {  	v12 =	vmul.f32 $5.120000000e+02, v12;
	_ =	sdelay $0x1  }
0x4ae: {  	[tilespmem:v34+s21+$0x0] =	vst.idx.msk vm1, v12  }
0x4af: {  	v12 =	vld [tilespmem:s25+$0xFFFFFA50];
	_ =	sdelay $0x4  }
0x4b0: {  	v12 =	vmul.f32 v12, v7;
	_ =	sdelay $0x1  }
0x4b1: {  	v12 =	vmul.f32 v12, v9  }
0x4b2: {  	v35 =	vadd.s32 $0x17, v5  }
0x4b3: {  	v12 =	vadd.f32 v12, v8;
	_ =	sdelay $0x1  }
0x4b4: {  	v12 =	vmul.f32 $5.120000000e+02, v12;
	_ =	sdelay $0x1  }
0x4b5: {  	[tilespmem:v35+s21+$0x0] =	vst.idx.msk vm1, v12  }
0x4b6: {  	v12 =	vld [tilespmem:s25+$0xFFFFFB20];
	_ =	sdelay $0x4  }
0x4b7: {  	v12 =	vmul.f32 v12, v10;
	_ =	sdelay $0x1  }
0x4b8: {  	v12 =	vmul.f32 v12, v11  }
0x4b9: {  	v36 =	vadd.s32 $0x18, v5  }
0x4ba: {  	v12 =	vadd.f32 v12, v6;
	_ =	sdelay $0x1  }
0x4bb: {  	v12 =	vmul.f32 $5.120000000e+02, v12;
	_ =	sdelay $0x1  }
0x4bc: {  	[tilespmem:v36+s21+$0x0] =	vst.idx.msk vm1, v12  }
0x4bd: {  	v12 =	vld [tilespmem:s1+$0x1A400];
	_ =	sdelay $0x4  }
0x4be: {  	v12 =	vmul.f32 v12, v7;
	_ =	sdelay $0x1  }
0x4bf: {  	v12 =	vmul.f32 v12, v9  }
0x4c0: {  	v37 =	vadd.s32 $0x19, v5  }
0x4c1: {  	v12 =	vadd.f32 v12, v8;
	_ =	sdelay $0x1  }
0x4c2: {  	v12 =	vmul.f32 $5.120000000e+02, v12;
	_ =	sdelay $0x1  }
0x4c3: {  	[tilespmem:v37+s21+$0x0] =	vst.idx.msk vm1, v12  }
0x4c4: {  	v12 =	vld [tilespmem:s25+$0xFFFFFCC0];
	_ =	sdelay $0x4  }
0x4c5: {  	v12 =	vmul.f32 v12, v10;
	_ =	sdelay $0x1  }
0x4c6: {  	v12 =	vmul.f32 v12, v11  }
0x4c7: {  	v38 =	vadd.s32 $0x1A, v5  }
0x4c8: {  	v12 =	vadd.f32 v12, v6;
	_ =	sdelay $0x1  }
0x4c9: {  	v12 =	vmul.f32 $5.120000000e+02, v12;
	_ =	sdelay $0x1  }
0x4ca: {  	[tilespmem:v38+s21+$0x0] =	vst.idx.msk vm1, v12  }
0x4cb: {  	v12 =	vld [tilespmem:s25+$0xFFFFFD90];
	_ =	sdelay $0x4  }
0x4cc: {  	v12 =	vmul.f32 v12, v7;
	_ =	sdelay $0x1  }
0x4cd: {  	v12 =	vmul.f32 v12, v9  }
0x4ce: {  	v39 =	vadd.s32 $0x1B, v5  }
0x4cf: {  	v12 =	vadd.f32 v12, v8;
	_ =	sdelay $0x1  }
0x4d0: {  	v12 =	vmul.f32 $5.120000000e+02, v12;
	_ =	sdelay $0x1  }
0x4d1: {  	[tilespmem:v39+s21+$0x0] =	vst.idx.msk vm1, v12  }
0x4d2: {  	v12 =	vld [tilespmem:s25+$0xFFFFFE60];
	_ =	sdelay $0x4  }
0x4d3: {  	v12 =	vmul.f32 v12, v10;
	_ =	sdelay $0x1  }
0x4d4: {  	v12 =	vmul.f32 v12, v11  }
0x4d5: {  	v40 =	vadd.s32 $0x1C, v5  }
0x4d6: {  	v12 =	vadd.f32 v12, v6;
	_ =	sdelay $0x1  }
0x4d7: {  	v12 =	vmul.f32 $5.120000000e+02, v12;
	_ =	sdelay $0x1  }
0x4d8: {  	[tilespmem:v40+s21+$0x0] =	vst.idx.msk vm1, v12  }
0x4d9: {  	v12 =	vld [tilespmem:s25+$0xFFFFFF30];
	_ =	sdelay $0x4  }
0x4da: {  	v12 =	vmul.f32 v12, v7;
	_ =	sdelay $0x1  }
0x4db: {  	v12 =	vmul.f32 v12, v9  }
0x4dc: {  	v41 =	vadd.s32 $0x1D, v5  }
0x4dd: {  	v12 =	vadd.f32 v12, v8;
	_ =	sdelay $0x1  }
0x4de: {  	v12 =	vmul.f32 $5.120000000e+02, v12;
	_ =	sdelay $0x1  }
0x4df: {  	[tilespmem:v41+s21+$0x0] =	vst.idx.msk vm1, v12  }
0x4e0: {  	v12 =	vld [tilespmem:s25+$0x0];
	_ =	sdelay $0x4  }
0x4e1: {  	v12 =	vmul.f32 v12, v10;
	_ =	sdelay $0x1  }
0x4e2: {  	v12 =	vmul.f32 v12, v11  }
0x4e3: {  	v42 =	vadd.s32 $0x1E, v5  }
0x4e4: {  	v12 =	vadd.f32 v12, v6;
	_ =	sdelay $0x1  }
0x4e5: {  	v12 =	vmul.f32 $5.120000000e+02, v12;
	_ =	sdelay $0x1  }
0x4e6: {  	[tilespmem:v42+s21+$0x0] =	vst.idx.msk vm1, v12  }
0x4e7: {  	v12 =	vld [tilespmem:s25+$0xD0];
	_ =	sdelay $0x4  }
0x4e8: {  	v12 =	vmul.f32 v12, v7;
	_ =	sdelay $0x1  }
0x4e9: {  	v12 =	vmul.f32 v12, v9  }
0x4ea: {  	v43 =	vadd.s32 $0x1F, v5  }
0x4eb: {  	v12 =	vadd.f32 v12, v8;
	_ =	sdelay $0x1  }
0x4ec: {  	v12 =	vmul.f32 $5.120000000e+02, v12;
	_ =	sdelay $0x1  }
0x4ed: {  	[tilespmem:v43+s21+$0x0] =	vst.idx.msk vm1, v12  }
0x4ee: {  	v12 =	vld [tilespmem:s25+$0x1A0];
	_ =	sdelay $0x4  }
0x4ef: {  	v12 =	vmul.f32 v12, v10;
	_ =	sdelay $0x1  }
0x4f0: {  	v12 =	vmul.f32 v12, v11  }
0x4f1: {  	v44 =	vadd.s32 $0x20, v5  }
0x4f2: {  	v12 =	vadd.f32 v12, v6;
	_ =	sdelay $0x1  }
0x4f3: {  	v12 =	vmul.f32 $5.120000000e+02, v12;
	_ =	sdelay $0x1  }
0x4f4: {  	[tilespmem:v44+s21+$0x0] =	vst.idx.msk vm1, v12  }
0x4f5: {  	v12 =	vld [tilespmem:s1+$0x1AA80];
	_ =	sdelay $0x4  }
0x4f6: {  	v12 =	vmul.f32 v12, v7;
	_ =	sdelay $0x1  }
0x4f7: {  	v12 =	vmul.f32 v12, v9  }
0x4f8: {  	v45 =	vadd.s32 $0x21, v5  }
0x4f9: {  	v12 =	vadd.f32 v12, v8;
	_ =	sdelay $0x1  }
0x4fa: {  	v12 =	vmul.f32 $5.120000000e+02, v12;
	_ =	sdelay $0x1  }
0x4fb: {  	[tilespmem:v45+s21+$0x0] =	vst.idx.msk vm1, v12  }
0x4fc: {  	v12 =	vld [tilespmem:s25+$0x340];
	_ =	sdelay $0x4  }
0x4fd: {  	v12 =	vmul.f32 v12, v10;
	_ =	sdelay $0x1  }
0x4fe: {  	v12 =	vmul.f32 v12, v11  }
0x4ff: {  	v46 =	vadd.s32 $0x22, v5  }
0x500: {  	v12 =	vadd.f32 v12, v6;
	_ =	sdelay $0x1  }
0x501: {  	v12 =	vmul.f32 $5.120000000e+02, v12;
	_ =	sdelay $0x1  }
0x502: {  	[tilespmem:v46+s21+$0x0] =	vst.idx.msk vm1, v12  }
0x503: {  	v12 =	vld [tilespmem:s25+$0x410];
	_ =	sdelay $0x4  }
0x504: {  	v12 =	vmul.f32 v12, v7;
	_ =	sdelay $0x1  }
0x505: {  	v12 =	vmul.f32 v12, v9  }
0x506: {  	v47 =	vadd.s32 $0x23, v5  }
0x507: {  	v12 =	vadd.f32 v12, v8;
	_ =	sdelay $0x1  }
0x508: {  	v12 =	vmul.f32 $5.120000000e+02, v12;
	_ =	sdelay $0x1  }
0x509: {  	[tilespmem:v47+s21+$0x0] =	vst.idx.msk vm1, v12  }
0x50a: {  	v12 =	vld [tilespmem:s25+$0x4E0];
	_ =	sdelay $0x4  }
0x50b: {  	v12 =	vmul.f32 v12, v10;
	_ =	sdelay $0x1  }
0x50c: {  	v12 =	vmul.f32 v12, v11  }
0x50d: {  	v48 =	vadd.s32 $0x24, v5  }
0x50e: {  	v12 =	vadd.f32 v12, v6;
	_ =	sdelay $0x1  }
0x50f: {  	v12 =	vmul.f32 $5.120000000e+02, v12;
	_ =	sdelay $0x1  }
0x510: {  	[tilespmem:v48+s21+$0x0] =	vst.idx.msk vm1, v12  }
0x511: {  	v12 =	vld [tilespmem:s25+$0x5B0];
	_ =	sdelay $0x4  }
0x512: {  	v12 =	vmul.f32 v12, v7;
	_ =	sdelay $0x1  }
0x513: {  	v12 =	vmul.f32 v12, v9  }
0x514: {  	v49 =	vadd.s32 $0x25, v5  }
0x515: {  	v12 =	vadd.f32 v12, v8;
	_ =	sdelay $0x1  }
0x516: {  	v12 =	vmul.f32 $5.120000000e+02, v12;
	_ =	sdelay $0x1  }
0x517: {  	[tilespmem:v49+s21+$0x0] =	vst.idx.msk vm1, v12  }
0x518: {  	v12 =	vld [tilespmem:s25+$0x680];
	_ =	sdelay $0x4  }
0x519: {  	v12 =	vmul.f32 v12, v10;
	_ =	sdelay $0x1  }
0x51a: {  	v12 =	vmul.f32 v12, v11  }
0x51b: {  	v50 =	vadd.s32 $0x26, v5  }
0x51c: {  	v12 =	vadd.f32 v12, v6;
	_ =	sdelay $0x1  }
0x51d: {  	v12 =	vmul.f32 $5.120000000e+02, v12;
	_ =	sdelay $0x1  }
0x51e: {  	[tilespmem:v50+s21+$0x0] =	vst.idx.msk vm1, v12  }
0x51f: {  	v12 =	vld [tilespmem:s25+$0x750];
	_ =	sdelay $0x4  }
0x520: {  	v12 =	vmul.f32 v12, v7;
	_ =	sdelay $0x1  }
0x521: {  	v12 =	vmul.f32 v12, v9  }
0x522: {  	v51 =	vadd.s32 $0x27, v5  }
0x523: {  	v12 =	vadd.f32 v12, v8;
	_ =	sdelay $0x1  }
0x524: {  	v12 =	vmul.f32 $5.120000000e+02, v12;
	_ =	sdelay $0x1  }
0x525: {  	[tilespmem:v51+s21+$0x0] =	vst.idx.msk vm1, v12  }
0x526: {  	v12 =	vld [tilespmem:s25+$0x820];
	_ =	sdelay $0x4  }
0x527: {  	v12 =	vmul.f32 v12, v10;
	_ =	sdelay $0x1  }
0x528: {  	v12 =	vmul.f32 v12, v11  }
0x529: {  	v52 =	vadd.s32 $0x28, v5  }
0x52a: {  	v12 =	vadd.f32 v12, v6;
	_ =	sdelay $0x1  }
0x52b: {  	v12 =	vmul.f32 $5.120000000e+02, v12;
	_ =	sdelay $0x1  }
0x52c: {  	[tilespmem:v52+s21+$0x0] =	vst.idx.msk vm1, v12  }
0x52d: {  	v12 =	vld [tilespmem:s1+$0x1B100];
	_ =	sdelay $0x4  }
0x52e: {  	v12 =	vmul.f32 v12, v7;
	_ =	sdelay $0x1  }
0x52f: {  	v12 =	vmul.f32 v12, v9  }
0x530: {  	v53 =	vadd.s32 $0x29, v5  }
0x531: {  	v12 =	vadd.f32 v12, v8;
	_ =	sdelay $0x1  }
0x532: {  	v12 =	vmul.f32 $5.120000000e+02, v12;
	_ =	sdelay $0x1  }
0x533: {  	[tilespmem:v53+s21+$0x0] =	vst.idx.msk vm1, v12  }
0x534: {  	v12 =	vld [tilespmem:s25+$0x9C0];
	_ =	sdelay $0x4  }
0x535: {  	v12 =	vmul.f32 v12, v10;
	_ =	sdelay $0x1  }
0x536: {  	v12 =	vmul.f32 v12, v11  }
0x537: {  	v54 =	vadd.s32 $0x2A, v5  }
0x538: {  	v12 =	vadd.f32 v12, v6;
	_ =	sdelay $0x1  }
0x539: {  	v12 =	vmul.f32 $5.120000000e+02, v12;
	_ =	sdelay $0x1  }
0x53a: {  	[tilespmem:v54+s21+$0x0] =	vst.idx.msk vm1, v12  }
0x53b: {  	v12 =	vld [tilespmem:s25+$0xA90];
	_ =	sdelay $0x4  }
0x53c: {  	v12 =	vmul.f32 v12, v7;
	_ =	sdelay $0x1  }
0x53d: {  	v12 =	vmul.f32 v12, v9  }
0x53e: {  	v55 =	vadd.s32 $0x2B, v5  }
0x53f: {  	v12 =	vadd.f32 v12, v8;
	_ =	sdelay $0x1  }
0x540: {  	v12 =	vmul.f32 $5.120000000e+02, v12;
	_ =	sdelay $0x1  }
0x541: {  	[tilespmem:v55+s21+$0x0] =	vst.idx.msk vm1, v12  }
0x542: {  	v12 =	vld [tilespmem:s25+$0xB60];
	_ =	sdelay $0x4  }
0x543: {  	v12 =	vmul.f32 v12, v10;
	_ =	sdelay $0x1  }
0x544: {  	v12 =	vmul.f32 v12, v11  }
0x545: {  	v56 =	vadd.s32 $0x2C, v5  }
0x546: {  	v12 =	vadd.f32 v12, v6;
	_ =	sdelay $0x1  }
0x547: {  	v12 =	vmul.f32 $5.120000000e+02, v12;
	_ =	sdelay $0x1  }
0x548: {  	[tilespmem:v56+s21+$0x0] =	vst.idx.msk vm1, v12  }
0x549: {  	v12 =	vld [tilespmem:s25+$0xC30];
	_ =	sdelay $0x4  }
0x54a: {  	v12 =	vmul.f32 v12, v7;
	_ =	sdelay $0x1  }
0x54b: {  	v12 =	vmul.f32 v12, v9  }
0x54c: {  	v57 =	vadd.s32 $0x2D, v5  }
0x54d: {  	v12 =	vadd.f32 v12, v8;
	_ =	sdelay $0x1  }
0x54e: {  	v12 =	vmul.f32 $5.120000000e+02, v12;
	_ =	sdelay $0x1  }
0x54f: {  	[tilespmem:v57+s21+$0x0] =	vst.idx.msk vm1, v12  }
0x550: {  	v12 =	vld [tilespmem:s25+$0xD00];
	_ =	sdelay $0x4  }
0x551: {  	v12 =	vmul.f32 v12, v10;
	_ =	sdelay $0x1  }
0x552: {  	v12 =	vmul.f32 v12, v11  }
0x553: {  	v58 =	vadd.s32 $0x2E, v5  }
0x554: {  	v12 =	vadd.f32 v12, v6;
	_ =	sdelay $0x1  }
0x555: {  	v12 =	vmul.f32 $5.120000000e+02, v12;
	_ =	sdelay $0x1  }
0x556: {  	[tilespmem:v58+s21+$0x0] =	vst.idx.msk vm1, v12  }
0x557: {  	v12 =	vld [tilespmem:s25+$0xDD0];
	_ =	sdelay $0x4  }
0x558: {  	v12 =	vmul.f32 v12, v7;
	_ =	sdelay $0x1  }
0x559: {  	v12 =	vmul.f32 v12, v9  }
0x55a: {  	v59 =	vadd.s32 $0x2F, v5  }
0x55b: {  	v12 =	vadd.f32 v12, v8;
	_ =	sdelay $0x1  }
0x55c: {  	v12 =	vmul.f32 $5.120000000e+02, v12;
	_ =	sdelay $0x1  }
0x55d: {  	[tilespmem:v59+s21+$0x0] =	vst.idx.msk vm1, v12  }
0x55e: {  	v12 =	vld [tilespmem:s25+$0xEA0];
	_ =	sdelay $0x4  }
0x55f: {  	v12 =	vmul.f32 v12, v10;
	_ =	sdelay $0x1  }
0x560: {  	v12 =	vmul.f32 v12, v11  }
0x561: {  	v60 =	vadd.s32 $0x30, v5  }
0x562: {  	v12 =	vadd.f32 v12, v6;
	_ =	sdelay $0x1  }
0x563: {  	v12 =	vmul.f32 $5.120000000e+02, v12;
	_ =	sdelay $0x1  }
0x564: {  	[tilespmem:v60+s21+$0x0] =	vst.idx.msk vm1, v12  }
0x565: {  	v12 =	vld [tilespmem:s1+$0x1B780];
	_ =	sdelay $0x4  }
0x566: {  	v12 =	vmul.f32 v12, v7;
	_ =	sdelay $0x1  }
0x567: {  	v12 =	vmul.f32 v12, v9  }
0x568: {  	v61 =	vadd.s32 $0x31, v5  }
0x569: {  	v12 =	vadd.f32 v12, v8;
	_ =	sdelay $0x1  }
0x56a: {  	v12 =	vmul.f32 $5.120000000e+02, v12;
	_ =	sdelay $0x1  }
0x56b: {  	[tilespmem:v61+s21+$0x0] =	vst.idx.msk vm1, v12  }
0x56c: {  	v12 =	vld [tilespmem:s25+$0x1040];
	_ =	sdelay $0x4  }
0x56d: {  	v12 =	vmul.f32 v12, v10;
	_ =	sdelay $0x1  }
0x56e: {  	v12 =	vmul.f32 v12, v11  }
0x56f: {  	v62 =	vadd.s32 $0x32, v5  }
0x570: {  	v12 =	vadd.f32 v12, v6;
	_ =	sdelay $0x1  }
0x571: {  	v12 =	vmul.f32 $5.120000000e+02, v12;
	_ =	sdelay $0x1  }
0x572: {  	[tilespmem:v62+s21+$0x0] =	vst.idx.msk vm1, v12  }
0x573: {  	v12 =	vld [tilespmem:s25+$0x1110];
	_ =	sdelay $0x4  }
0x574: {  	v7 =	vmul.f32 v12, v7;
	_ =	sdelay $0x1  }
0x575: {  	v7 =	vmul.f32 v7, v9  }
0x576: {  	v63 =	vadd.s32 $0x33, v5  }
0x577: {  	v7 =	vadd.f32 v7, v8;
	_ =	sdelay $0x1  }
0x578: {  	v7 =	vmul.f32 $5.120000000e+02, v7;
	_ =	sdelay $0x1  }
0x579: {  	[tilespmem:v63+s21+$0x0] =	vst.idx.msk vm1, v7  }
0x57a: {  	v7 =	vld [tilespmem:s25+$0x11E0];
	_ =	sdelay $0x4  }
0x57b: {  	v7 =	vmul.f32 v7, v10;
	_ =	sdelay $0x1  }
0x57c: {  	v7 =	vmul.f32 v7, v11  }
0x57d: {  	p0 =	sne.s32 s0, $0xC0;
	v5 =	vadd.s32 $0x34, v5  }
.Ltmp24:
0x57e: {  	v6 =	vadd.f32 v7, v6;
	(pc) =	sbr.rel @p0 .LBB2_45-.Ltmp24, $4  }
0x57f: {  	_ = 	snop  }
0x580: {  	v6 =	vmul.f32 $5.120000000e+02, v6  }
0x581: {  	s23 =	sadd.s32 $0x10, s23  }
0x582: {  	s24 =	sadd.s32 $0x10, s24;
	s0 =	sadd.s32 $0x10, s0;
	s25 =	sadd.s32 $0x10, s25;
	[tilespmem:v5+s21+$0x0] =	vst.idx.msk vm1, v6  }
0x583: {  	_ =	strace $0x9000004D  }
0x584: {  	_ =	strace $0x8000004E  }
0x585: {  	s2 =	simm.s32 $0x4;
	s0 =	rddreg [dreg:$0x7]  }
0x586: {  	[hbm4b:s0+s10] =	stream.strided.scatter [tilespmem:s21], [sflag:$0x4], $0x2980, s11, s10, $0x200038;
	[tilespmem:$0x1ED80] =	vst v63  }
0x587: {  	_ =	swait.ge [sflag:s2], $0x2980  }
0x588: {  	s1 =	rddreg [dreg:$0xc]  }
0x589: {  	s31 =	rddreg [dreg:$0x8];
	s1 =	sadd.s32 $0x1, s1  }
0x58a: {  	p0 =	sne.s32 s1, s31  }
.Ltmp25:
0x58b: {  	_ = 	snop;
	(pc) =	sbr.rel @p0 .LBB2_1-.Ltmp25, $4  }
.Ltmp26:
0x58c: {  	_ = 	snop;
	(pc) =	sbr.rel @!p0 .LBB2_47-.Ltmp26, $4  }
0x58d: {  	[sflag:s2] =	ssyncset.done $0x0  }
0x58e: {  	[sflag:s2] =	ssyncadd.s32 $0xFFFFD680  }
0x58f: {  	_ =	strace $0x9000004E  }
0x590: {  	_ = 	snop  }
.LBB2_13:
.Ltmp27:
0x591: {  	(pc) =	sbr.rel .LBB2_17-.Ltmp27, $2  }
0x592: {  	_ =	sdelay $0x2  }
0x593: {  	s1 =	simm.s32 $0x0  }
.LBB2_24:
.Ltmp28:
0x594: {  	(pc) =	sbr.rel .LBB2_28-.Ltmp28, $2  }
0x595: {  	_ =	sdelay $0x2  }
0x596: {  	s1 =	simm.s32 $0x0  }
.LBB2_15:
.Ltmp29:
0x597: {  	(pc) =	sbr.rel .LBB2_17-.Ltmp29, $2  }
0x598: {  	_ =	sdelay $0x2  }
0x599: {  	s1 =	simm.s32 $0x0  }
.LBB2_26:
.Ltmp30:
0x59a: {  	(pc) =	sbr.rel .LBB2_28-.Ltmp30, $2  }
0x59b: {  	_ =	sdelay $0x2  }
0x59c: {  	s1 =	simm.s32 $0x0  }
.LBB2_47:
0x59d: {  	_ =	sfence.sel $0x180000  }
0x59e: {  	[bflag:$0x0] =	sbarrier.arrive $0xFFFF  }
0x59f: {  	_ =	strace $0x90000047  }
0x5a0: {  	s0 =	stileid.u32;
	[bflag:$0x2] =	sbarrier.arrive $0xFFFF  }
0x5a1: {  	p0 =	sne.s32 s0, $0x0;
	s0 =	rddreg [dreg:$0x2]  }
0x5a2: {  	s0 =	sadd.s32 @!p0 $0x100000, s0  }
0x5a3: {  	[sflag:s0] =	ssyncadd.tile.s32 @!p0 $0x1;
	_ =	shalt  }
.Lfunc_end2:
_tile_overlayer_lowered:
.L_overlay_start_2:
0x5a4: {  	(tag) =	ssettag $0x2  }
0x5a5: {  	s0 =	rddreg [dreg:$0x0];
	s2 =	stileid.u32  }
0x5a6: {  	s1 =	rddreg [dreg:$0x1];
	p0 =	sne.s32 s2, $0x0  }
0x5a7: {  	s3 =	rddreg [dreg:$0x2];
	[bflag:$0x3] =	sbarrier.arrive $0xFFFF;
	s2 =	simm.s32 @!p0 $0x1C04  }
0x5a8: {  	[timem:s3], [sflag:s2] =	dma.local @!p0 [hbm:s0], s1  }
0x5a9: {  	s0 =	simm.s32 @!p0 $0x4  }
0x5aa: {  	_ =	swait.ge @!p0 [sflag:s0], s1  }
0x5ab: {  	s1 =	ssub.s32 @!p0 $0x0, s1;
	[sflag:s0] =	ssyncset.done @!p0 $0x0  }
0x5ac: {  	[sflag:s0] =	ssyncadd.s32 @!p0 s1  }
0x5ad: {  	[bflag:$0x3] =	sbarrier.arrive $0xFFFF  }
0x5ae: {  	_ =	shalt  }

</sc_bundles>
